<compile_context>
chip_gen: v7x
topology: tpu7x:2x2x1
jax: 0.10.2.dev20260603
libtpu: 0.0.44.dev20260713+nightly
codegen_flags: <defaults>
</compile_context>

<pallas_src>
import functools

import jax
import jax.numpy as jnp
from jax import lax
from jax.experimental import pallas as pl
from jax.experimental.pallas import tpu as pltpu
from jax.experimental.pallas import tpu_sc as plsc

N = 10000
E = 320000
D = 128
NP = 10240
NC = 2
NS = 16
HALF = NP // NC
TRASH = HALF
ACC_ROWS = HALF + 8
STRIPE = HALF // NS
CHUNK = 80
NSEG = 2
SEGCHUNK = 126
NBUF = 2
E_PAD = NS * NSEG * SEGCHUNK * CHUNK
L = 16


def _sc_body(with_deg, x_hbm, src_hbm, sidx_hbm, z2_hbm,
             agg_out, deg_out, src_v, sidx_v, rows_v, ones_v,
             degtmp_v, acc_sh, deg_sh, *sems):
    gsems = sems[0:NBUF]
    ssems = sems[NBUF:2 * NBUF]
    dsems = sems[2 * NBUF:3 * NBUF]
    c = lax.axis_index("c")
    s = lax.axis_index("s")
    r0 = s * STRIPE

    pltpu.sync_copy(z2_hbm, acc_sh.at[pl.ds(r0, STRIPE)])
    if with_deg:
        for i in range(STRIPE // L):
            degtmp_v[0, pl.ds(i * L, L)] = jnp.zeros((L,), jnp.float32)
        pltpu.sync_copy(degtmp_v.at[0], deg_sh.at[pl.ds(r0, STRIPE)])
        for i in range(CHUNK // L):
            ones_v[pl.ds(i * L, L)] = jnp.ones((L,), jnp.float32)

    plsc.subcore_barrier()

    def _wait_gather(b, ci):
        pltpu.make_async_copy(x_hbm.at[src_v.at[ci]],
                              rows_v.at[b], gsems[b]).wait()

    def _wait_scatter(b, ci):
        pltpu.make_async_copy(rows_v.at[b],
                              acc_sh.at[sidx_v.at[ci]], ssems[b]).wait()
        if with_deg:
            pltpu.make_async_copy(ones_v,
                                  deg_sh.at[sidx_v.at[ci]], dsems[b]).wait()

    for seg in range(NSEG):
        pltpu.sync_copy(src_hbm.at[s, seg], src_v)
        pltpu.sync_copy(sidx_hbm.at[c, s, seg], sidx_v)

        pltpu.async_copy(x_hbm.at[src_v.at[0]], rows_v.at[0], gsems[0])

        def outer(g, carry):
            for b in range(2):
                ci = 2 * g + b

                @pl.when(ci > 0)
                def _():
                    _wait_scatter(1 - b, ci - 1)

                @pl.when(ci + 1 < SEGCHUNK)
                def _():
                    pltpu.async_copy(x_hbm.at[src_v.at[ci + 1]],
                                     rows_v.at[1 - b], gsems[1 - b])

                _wait_gather(b, ci)
                pltpu.async_copy(rows_v.at[b], acc_sh.at[sidx_v.at[ci]],
                                 ssems[b], add=True)
                if with_deg:
                    pltpu.async_copy(ones_v, deg_sh.at[sidx_v.at[ci]],
                                     dsems[b], add=True)
            return carry

        lax.fori_loop(0, SEGCHUNK // 2, outer, 0)
        _wait_scatter((SEGCHUNK - 1) % 2, SEGCHUNK - 1)
    plsc.subcore_barrier()

    pltpu.sync_copy(acc_sh.at[pl.ds(r0, STRIPE)],
                    agg_out.at[pl.ds(c * HALF + r0, STRIPE)])
    if with_deg:
        pltpu.sync_copy(deg_sh.at[pl.ds(r0, STRIPE)], degtmp_v.at[0])
        pltpu.sync_copy(degtmp_v, deg_out.at[c * NS + s])


def _make_sc_agg(with_deg):
    mesh = plsc.VectorSubcoreMesh(core_axis_name="c", subcore_axis_name="s")
    out_type = [jax.ShapeDtypeStruct((NP, D), jnp.float32)]
    if with_deg:
        out_type.append(jax.ShapeDtypeStruct((NC * NS, 1, STRIPE), jnp.float32))
    scratch = [
        pltpu.VMEM((SEGCHUNK, CHUNK), jnp.int32),
        pltpu.VMEM((SEGCHUNK, CHUNK), jnp.int32),
        pltpu.VMEM((NBUF, CHUNK, D), jnp.float32),
        pltpu.VMEM((CHUNK,), jnp.float32),
        pltpu.VMEM((1, STRIPE), jnp.float32),
        pltpu.VMEM_SHARED((ACC_ROWS, D), jnp.float32),
        pltpu.VMEM_SHARED((ACC_ROWS,), jnp.float32),
    ] + [pltpu.SemaphoreType.DMA] * (3 * NBUF)

    def body(x_hbm, src_hbm, sidx_hbm, z2_hbm, *rest):
        if with_deg:
            agg_out, deg_out = rest[0], rest[1]
            rest = rest[2:]
        else:
            agg_out, deg_out = rest[0], None
            rest = rest[1:]
        _sc_body(with_deg, x_hbm, src_hbm, sidx_hbm, z2_hbm,
                 agg_out, deg_out, *rest)

    return pl.kernel(body, out_type=tuple(out_type), mesh=mesh,
                     scratch_types=scratch)


_sc_agg_deg = _make_sc_agg(True)
_sc_agg = _make_sc_agg(False)


def _tc_layer_body(relu, h_ref, a_ref, d_ref, ws_ref, wn_ref, b_ref, o_ref):
    hv = h_ref[...]
    inv = 1.0 / jnp.maximum(d_ref[...], 1.0)
    hn = a_ref[...] * inv
    out = (jnp.dot(hv, ws_ref[...], preferred_element_type=jnp.float32,
                   precision=lax.Precision.HIGHEST)
           + jnp.dot(hn, wn_ref[...], preferred_element_type=jnp.float32,
                     precision=lax.Precision.HIGHEST)
           + b_ref[...])
    if relu:
        out = jnp.maximum(out, 0.0)
    o_ref[...] = out


def _tc_layer(h, agg, degc, W_self, W_neigh, b, relu):
    R = 1280
    grid = NP // R
    return pl.pallas_call(
        functools.partial(_tc_layer_body, relu),
        grid=(grid,),
        in_specs=[
            pl.BlockSpec((R, D), lambda i: (i, 0)),
            pl.BlockSpec((R, D), lambda i: (i, 0)),
            pl.BlockSpec((R, 1), lambda i: (i, 0)),
            pl.BlockSpec((D, D), lambda i: (0, 0)),
            pl.BlockSpec((D, D), lambda i: (0, 0)),
            pl.BlockSpec((1, D), lambda i: (0, 0)),
        ],
        out_specs=pl.BlockSpec((R, D), lambda i: (i, 0)),
        out_shape=jax.ShapeDtypeStruct((NP, D), jnp.float32),
    )(h, agg, degc, W_self, W_neigh, b)


def kernel(x, edge_index, W_self0, W_neigh0, b0, W_self1, W_neigh1, b1):
    x_pad = jnp.pad(x, ((0, NP - N), (0, 0)))
    src = jnp.pad(edge_index[0], (0, E_PAD - E)).reshape(
        NS, NSEG, SEGCHUNK, CHUNK)
    dstp = jnp.pad(edge_index[1], (0, E_PAD - E), constant_values=NP)
    local = dstp[None, :] - (jnp.arange(NC, dtype=jnp.int32) * HALF)[:, None]
    sidx = jnp.where((local >= 0) & (local < HALF), local, TRASH).astype(
        jnp.int32).reshape(NC, NS, NSEG, SEGCHUNK, CHUNK)
    z2 = jnp.zeros((STRIPE, D), jnp.float32)

    agg0, deg = _sc_agg_deg(x_pad, src, sidx, z2)
    degc = deg.reshape(NP, 1)
    h1 = _tc_layer(x_pad, agg0, degc, W_self0, W_neigh0,
                   b0.reshape(1, D), relu=True)
    (agg1,) = _sc_agg(h1, src, sidx, z2)
    out = _tc_layer(h1, agg1, degc, W_self1, W_neigh1,
                    b1.reshape(1, D), relu=False)
    return out[:N]

# --- scband reference (transcript-rebuilt; emitter-appended) ---
"""Pipeline reference for scband-sage-11484742549903 (READ-ONLY COPY).

The authoritative reference and input builder live on the scoring server;
editing this copy changes nothing except your own understanding.
"""

import jax, jax.numpy as jnp
import numpy as np

N = 10000
E = 320000
D_IN = 128
D_HID = 128
D_OUT = 128


def setup_inputs(seed: int = 0) -> dict:
    key = jax.random.key(seed)
    ks = jax.random.split(key, 10)
    x = jax.random.normal(ks[0], (N, D_IN), dtype=jnp.float32)
    edge_index = jax.random.randint(ks[1], (2, E), 0, N, dtype=jnp.int32)
    s0 = 1.0 / np.sqrt(D_IN)
    s1 = 1.0 / np.sqrt(D_HID)
    W_self0 = jax.random.uniform(ks[2], (D_IN, D_HID), jnp.float32, -s0, s0)
    W_neigh0 = jax.random.uniform(ks[3], (D_IN, D_HID), jnp.float32, -s0, s0)
    b0 = jnp.zeros((D_HID,), jnp.float32)
    W_self1 = jax.random.uniform(ks[4], (D_HID, D_OUT), jnp.float32, -s1, s1)
    W_neigh1 = jax.random.uniform(ks[5], (D_HID, D_OUT), jnp.float32, -s1, s1)
    b1 = jnp.zeros((D_OUT,), jnp.float32)
    return {
        'x': x,
        'edge_index': edge_index,
        'W_self0': W_self0,
        'W_neigh0': W_neigh0,
        'b0': b0,
        'W_self1': W_self1,
        'W_neigh1': W_neigh1,
        'b1': b1,
    }


def _sage_conv(h, src, dst, W_self, W_neigh, b):
    # DGL SAGEConv with 'mean' aggregator:
    #   h_neigh = mean over incoming edges of src features
    #   rst = fc_self(h) + fc_neigh(h_neigh) + bias
    msg = h[src]  # gather src node features per edge
    agg = jax.ops.segment_sum(msg, dst, num_segments=N)
    deg = jax.ops.segment_sum(jnp.ones((msg.shape[0], 1), jnp.float32), dst, num_segments=N)
    h_neigh = agg / jnp.clip(deg, 1.0, None)
    return h @ W_self + h_neigh @ W_neigh + b


def reference(x, edge_index, W_self0, W_neigh0, b0, W_self1, W_neigh1, b1):
    src = edge_index[0]
    dst = edge_index[1]
    # dropout probs are 0.0, so input_drop/dropout are identity
    h = x
    # layer 0 (not last): conv -> activation(relu)
    h = _sage_conv(h, src, dst, W_self0, W_neigh0, b0)
    h = jax.nn.relu(h)
    # layer 1 (last): conv only
    h = _sage_conv(h, src, dst, W_self1, W_neigh1, b1)
    return h

if __name__ == "__main__":
    import jax
    _d = setup_inputs()
    print(jax.jit(kernel)(*tuple(_d.values())))

</pallas_src>

<mosaic_0001>
#map = affine_map<(d0, d1) -> (0, 0)>
#map1 = affine_map<(d0, d1) -> (0, 0, 0, 0)>
#map2 = affine_map<(d0, d1) -> (0, 0, 0, 0, 0)>
#map3 = affine_map<(d0, d1) -> (0, 0, 0)>
module attributes {stable_mosaic.version = 14 : i64} {
  func.func @body(%arg0: i32, %arg1: i32, %arg2: memref<10240x128xf32, #tpu.memory_space<hbm>>, %arg3: memref<16x2x126x80xi32, #tpu.memory_space<hbm>>, %arg4: memref<2x16x2x126x80xi32, #tpu.memory_space<hbm>>, %arg5: memref<320x128xf32, #tpu.memory_space<hbm>>, %arg6: memref<10240x128xf32, #tpu.memory_space<hbm>>, %arg7: memref<32x1x320xf32, #tpu.memory_space<hbm>>, %arg8: memref<126x80xi32, #tpu.memory_space<vmem>>, %arg9: memref<126x80xi32, #tpu.memory_space<vmem>>, %arg10: memref<2x80x128xf32, #tpu.memory_space<vmem>>, %arg11: memref<80xf32, #tpu.memory_space<vmem>>, %arg12: memref<1x320xf32, #tpu.memory_space<vmem>>, %arg13: memref<5128x128xf32, #tpu.memory_space<vmem_shared>>, %arg14: memref<5128xf32, #tpu.memory_space<vmem_shared>>, %arg15: memref<!tpu.dma_semaphore, #tpu.memory_space<semaphore_mem>>, %arg16: memref<!tpu.dma_semaphore, #tpu.memory_space<semaphore_mem>>, %arg17: memref<!tpu.dma_semaphore, #tpu.memory_space<semaphore_mem>>, %arg18: memref<!tpu.dma_semaphore, #tpu.memory_space<semaphore_mem>>, %arg19: memref<!tpu.dma_semaphore, #tpu.memory_space<semaphore_mem>>, %arg20: memref<!tpu.dma_semaphore, #tpu.memory_space<semaphore_mem>>) attributes {dimension_semantics = [#tpu.dimension_semantics<core_parallel>, #tpu.dimension_semantics<subcore_parallel>], iteration_bounds = array<i64: 2, 16>, scalar_prefetch = 0 : i64, scratch_operands = 13 : i64, tpu.core_type = #tpu.core_type<sc_vector_subcore>, window_params = [{transform_indices = #map}, {transform_indices = #map1}, {transform_indices = #map2}, {transform_indices = #map}, {transform_indices = #map}, {transform_indices = #map3}]} {
    %mul3A = arith.constant 320 : i32
    %mul3A_0 = arith.muli %arg1, %mul3A : i32
    "tpu.region"() ({
      %run_scoped3A_269 = tpu.sem_alloc : memref<!tpu.dma_semaphore, #tpu.memory_space<semaphore_mem>>
      %dma_start3A_270 = arith.constant 0 : i32
      %dma_start3A_271 = tpu.memref_slice %arg13[%mul3A_0, %dma_start3A_270] : memref<5128x128xf32, #tpu.memory_space<vmem_shared>> -> memref<320x128xf32, #tpu.memory_space<vmem_shared>>
      tpu.enqueue_dma source(%arg5 : memref<320x128xf32, #tpu.memory_space<hbm>>) target(%dma_start3A_271 : memref<320x128xf32, #tpu.memory_space<vmem_shared>>) target_semaphore(%run_scoped3A_269 : memref<!tpu.dma_semaphore, #tpu.memory_space<semaphore_mem>>)
      %dma_wait3A_272 = arith.constant 0 : i32
      %dma_wait3A_273 = tpu.memref_slice %arg13[%mul3A_0, %dma_wait3A_272] : memref<5128x128xf32, #tpu.memory_space<vmem_shared>> -> memref<320x128xf32, #tpu.memory_space<vmem_shared>>
      tpu.wait_dma2 semaphore(%run_scoped3A_269 : memref<!tpu.dma_semaphore, #tpu.memory_space<semaphore_mem>>) src(%arg5 : memref<320x128xf32, #tpu.memory_space<hbm>>) dst(%dma_wait3A_273 : memref<320x128xf32, #tpu.memory_space<vmem_shared>>)
      tpu.yield
    }) : () -> ()
    %broadcast_in_dim3A = arith.constant 0.000000e+00 : f32
    %broadcast_in_dim3A_1 = vector.broadcast %broadcast_in_dim3A : f32 to vector<16xf32>
    %swap3A = arith.constant 0 : i32
    %swap3A_2 = arith.index_cast %swap3A : i32 to index
    %swap3A_3 = arith.constant 0 : index
    %swap3A_4 = tpu.vector_load %arg12[%swap3A_2, %swap3A_3] {strides = array<i32>} : memref<1x320xf32, #tpu.memory_space<vmem>>, vector<1x16xf32>,
    %swap3A_5 = vector.shape_cast %swap3A_4 : vector<1x16xf32> to vector<16xf32>
    %swap3A_6 = vector.shape_cast %broadcast_in_dim3A_1 : vector<16xf32> to vector<1x16xf32>
    tpu.vector_store %arg12[%swap3A_2, %swap3A_3], %swap3A_6 {strides = array<i32>} : memref<1x320xf32, #tpu.memory_space<vmem>>, vector<1x16xf32>,
    %broadcast_in_dim3A_7 = arith.constant 0.000000e+00 : f32
    %broadcast_in_dim3A_8 = vector.broadcast %broadcast_in_dim3A_7 : f32 to vector<16xf32>
    %swap3A_9 = arith.constant 0 : i32
    %swap3A_10 = arith.index_cast %swap3A_9 : i32 to index
    %swap3A_11 = arith.constant 16 : index
    %swap3A_12 = tpu.vector_load %arg12[%swap3A_10, %swap3A_11] {strides = array<i32>} : memref<1x320xf32, #tpu.memory_space<vmem>>, vector<1x16xf32>,
    %swap3A_13 = vector.shape_cast %swap3A_12 : vector<1x16xf32> to vector<16xf32>
    %swap3A_14 = vector.shape_cast %broadcast_in_dim3A_8 : vector<16xf32> to vector<1x16xf32>
    tpu.vector_store %arg12[%swap3A_10, %swap3A_11], %swap3A_14 {strides = array<i32>} : memref<1x320xf32, #tpu.memory_space<vmem>>, vector<1x16xf32>,
    %broadcast_in_dim3A_15 = arith.constant 0.000000e+00 : f32
    %broadcast_in_dim3A_16 = vector.broadcast %broadcast_in_dim3A_15 : f32 to vector<16xf32>
    %swap3A_17 = arith.constant 0 : i32
    %swap3A_18 = arith.index_cast %swap3A_17 : i32 to index
    %swap3A_19 = arith.constant 32 : index
    %swap3A_20 = tpu.vector_load %arg12[%swap3A_18, %swap3A_19] {strides = array<i32>} : memref<1x320xf32, #tpu.memory_space<vmem>>, vector<1x16xf32>,
    %swap3A_21 = vector.shape_cast %swap3A_20 : vector<1x16xf32> to vector<16xf32>
    %swap3A_22 = vector.shape_cast %broadcast_in_dim3A_16 : vector<16xf32> to vector<1x16xf32>
    tpu.vector_store %arg12[%swap3A_18, %swap3A_19], %swap3A_22 {strides = array<i32>} : memref<1x320xf32, #tpu.memory_space<vmem>>, vector<1x16xf32>,
    %broadcast_in_dim3A_23 = arith.constant 0.000000e+00 : f32
    %broadcast_in_dim3A_24 = vector.broadcast %broadcast_in_dim3A_23 : f32 to vector<16xf32>
    %swap3A_25 = arith.constant 0 : i32
    %swap3A_26 = arith.index_cast %swap3A_25 : i32 to index
    %swap3A_27 = arith.constant 48 : index
    %swap3A_28 = tpu.vector_load %arg12[%swap3A_26, %swap3A_27] {strides = array<i32>} : memref<1x320xf32, #tpu.memory_space<vmem>>, vector<1x16xf32>,
    %swap3A_29 = vector.shape_cast %swap3A_28 : vector<1x16xf32> to vector<16xf32>
    %swap3A_30 = vector.shape_cast %broadcast_in_dim3A_24 : vector<16xf32> to vector<1x16xf32>
    tpu.vector_store %arg12[%swap3A_26, %swap3A_27], %swap3A_30 {strides = array<i32>} : memref<1x320xf32, #tpu.memory_space<vmem>>, vector<1x16xf32>,
    %broadcast_in_dim3A_31 = arith.constant 0.000000e+00 : f32
    %broadcast_in_dim3A_32 = vector.broadcast %broadcast_in_dim3A_31 : f32 to vector<16xf32>
    %swap3A_33 = arith.constant 0 : i32
    %swap3A_34 = arith.index_cast %swap3A_33 : i32 to index
    %swap3A_35 = arith.constant 64 : index
    %swap3A_36 = tpu.vector_load %arg12[%swap3A_34, %swap3A_35] {strides = array<i32>} : memref<1x320xf32, #tpu.memory_space<vmem>>, vector<1x16xf32>,
    %swap3A_37 = vector.shape_cast %swap3A_36 : vector<1x16xf32> to vector<16xf32>
    %swap3A_38 = vector.shape_cast %broadcast_in_dim3A_32 : vector<16xf32> to vector<1x16xf32>
    tpu.vector_store %arg12[%swap3A_34, %swap3A_35], %swap3A_38 {strides = array<i32>} : memref<1x320xf32, #tpu.memory_space<vmem>>, vector<1x16xf32>,
    %broadcast_in_dim3A_39 = arith.constant 0.000000e+00 : f32
    %broadcast_in_dim3A_40 = vector.broadcast %broadcast_in_dim3A_39 : f32 to vector<16xf32>
    %swap3A_41 = arith.constant 0 : i32
    %swap3A_42 = arith.index_cast %swap3A_41 : i32 to index
    %swap3A_43 = arith.constant 80 : index
    %swap3A_44 = tpu.vector_load %arg12[%swap3A_42, %swap3A_43] {strides = array<i32>} : memref<1x320xf32, #tpu.memory_space<vmem>>, vector<1x16xf32>,
    %swap3A_45 = vector.shape_cast %swap3A_44 : vector<1x16xf32> to vector<16xf32>
    %swap3A_46 = vector.shape_cast %broadcast_in_dim3A_40 : vector<16xf32> to vector<1x16xf32>
    tpu.vector_store %arg12[%swap3A_42, %swap3A_43], %swap3A_46 {strides = array<i32>} : memref<1x320xf32, #tpu.memory_space<vmem>>, vector<1x16xf32>,
    %broadcast_in_dim3A_47 = arith.constant 0.000000e+00 : f32
    %broadcast_in_dim3A_48 = vector.broadcast %broadcast_in_dim3A_47 : f32 to vector<16xf32>
    %swap3A_49 = arith.constant 0 : i32
    %swap3A_50 = arith.index_cast %swap3A_49 : i32 to index
    %swap3A_51 = arith.constant 96 : index
    %swap3A_52 = tpu.vector_load %arg12[%swap3A_50, %swap3A_51] {strides = array<i32>} : memref<1x320xf32, #tpu.memory_space<vmem>>, vector<1x16xf32>,
    %swap3A_53 = vector.shape_cast %swap3A_52 : vector<1x16xf32> to vector<16xf32>
    %swap3A_54 = vector.shape_cast %broadcast_in_dim3A_48 : vector<16xf32> to vector<1x16xf32>
    tpu.vector_store %arg12[%swap3A_50, %swap3A_51], %swap3A_54 {strides = array<i32>} : memref<1x320xf32, #tpu.memory_space<vmem>>, vector<1x16xf32>,
    %broadcast_in_dim3A_55 = arith.constant 0.000000e+00 : f32
    %broadcast_in_dim3A_56 = vector.broadcast %broadcast_in_dim3A_55 : f32 to vector<16xf32>
    %swap3A_57 = arith.constant 0 : i32
    %swap3A_58 = arith.index_cast %swap3A_57 : i32 to index
    %swap3A_59 = arith.constant 112 : index
    %swap3A_60 = tpu.vector_load %arg12[%swap3A_58, %swap3A_59] {strides = array<i32>} : memref<1x320xf32, #tpu.memory_space<vmem>>, vector<1x16xf32>,
    %swap3A_61 = vector.shape_cast %swap3A_60 : vector<1x16xf32> to vector<16xf32>
    %swap3A_62 = vector.shape_cast %broadcast_in_dim3A_56 : vector<16xf32> to vector<1x16xf32>
    tpu.vector_store %arg12[%swap3A_58, %swap3A_59], %swap3A_62 {strides = array<i32>} : memref<1x320xf32, #tpu.memory_space<vmem>>, vector<1x16xf32>,
    %broadcast_in_dim3A_63 = arith.constant 0.000000e+00 : f32
    %broadcast_in_dim3A_64 = vector.broadcast %broadcast_in_dim3A_63 : f32 to vector<16xf32>
    %swap3A_65 = arith.constant 0 : i32
    %swap3A_66 = arith.index_cast %swap3A_65 : i32 to index
    %swap3A_67 = arith.constant 128 : index
    %swap3A_68 = tpu.vector_load %arg12[%swap3A_66, %swap3A_67] {strides = array<i32>} : memref<1x320xf32, #tpu.memory_space<vmem>>, vector<1x16xf32>,
    %swap3A_69 = vector.shape_cast %swap3A_68 : vector<1x16xf32> to vector<16xf32>
    %swap3A_70 = vector.shape_cast %broadcast_in_dim3A_64 : vector<16xf32> to vector<1x16xf32>
    tpu.vector_store %arg12[%swap3A_66, %swap3A_67], %swap3A_70 {strides = array<i32>} : memref<1x320xf32, #tpu.memory_space<vmem>>, vector<1x16xf32>,
    %broadcast_in_dim3A_71 = arith.constant 0.000000e+00 : f32
    %broadcast_in_dim3A_72 = vector.broadcast %broadcast_in_dim3A_71 : f32 to vector<16xf32>
    %swap3A_73 = arith.constant 0 : i32
    %swap3A_74 = arith.index_cast %swap3A_73 : i32 to index
    %swap3A_75 = arith.constant 144 : index
    %swap3A_76 = tpu.vector_load %arg12[%swap3A_74, %swap3A_75] {strides = array<i32>} : memref<1x320xf32, #tpu.memory_space<vmem>>, vector<1x16xf32>,
    %swap3A_77 = vector.shape_cast %swap3A_76 : vector<1x16xf32> to vector<16xf32>
    %swap3A_78 = vector.shape_cast %broadcast_in_dim3A_72 : vector<16xf32> to vector<1x16xf32>
    tpu.vector_store %arg12[%swap3A_74, %swap3A_75], %swap3A_78 {strides = array<i32>} : memref<1x320xf32, #tpu.memory_space<vmem>>, vector<1x16xf32>,
    %broadcast_in_dim3A_79 = arith.constant 0.000000e+00 : f32
    %broadcast_in_dim3A_80 = vector.broadcast %broadcast_in_dim3A_79 : f32 to vector<16xf32>
    %swap3A_81 = arith.constant 0 : i32
    %swap3A_82 = arith.index_cast %swap3A_81 : i32 to index
    %swap3A_83 = arith.constant 160 : index
    %swap3A_84 = tpu.vector_load %arg12[%swap3A_82, %swap3A_83] {strides = array<i32>} : memref<1x320xf32, #tpu.memory_space<vmem>>, vector<1x16xf32>,
    %swap3A_85 = vector.shape_cast %swap3A_84 : vector<1x16xf32> to vector<16xf32>
    %swap3A_86 = vector.shape_cast %broadcast_in_dim3A_80 : vector<16xf32> to vector<1x16xf32>
    tpu.vector_store %arg12[%swap3A_82, %swap3A_83], %swap3A_86 {strides = array<i32>} : memref<1x320xf32, #tpu.memory_space<vmem>>, vector<1x16xf32>,
    %broadcast_in_dim3A_87 = arith.constant 0.000000e+00 : f32
    %broadcast_in_dim3A_88 = vector.broadcast %broadcast_in_dim3A_87 : f32 to vector<16xf32>
    %swap3A_89 = arith.constant 0 : i32
    %swap3A_90 = arith.index_cast %swap3A_89 : i32 to index
    %swap3A_91 = arith.constant 176 : index
    %swap3A_92 = tpu.vector_load %arg12[%swap3A_90, %swap3A_91] {strides = array<i32>} : memref<1x320xf32, #tpu.memory_space<vmem>>, vector<1x16xf32>,
    %swap3A_93 = vector.shape_cast %swap3A_92 : vector<1x16xf32> to vector<16xf32>
    %swap3A_94 = vector.shape_cast %broadcast_in_dim3A_88 : vector<16xf32> to vector<1x16xf32>
    tpu.vector_store %arg12[%swap3A_90, %swap3A_91], %swap3A_94 {strides = array<i32>} : memref<1x320xf32, #tpu.memory_space<vmem>>, vector<1x16xf32>,
    %broadcast_in_dim3A_95 = arith.constant 0.000000e+00 : f32
    %broadcast_in_dim3A_96 = vector.broadcast %broadcast_in_dim3A_95 : f32 to vector<16xf32>
    %swap3A_97 = arith.constant 0 : i32
    %swap3A_98 = arith.index_cast %swap3A_97 : i32 to index
    %swap3A_99 = arith.constant 192 : index
    %swap3A_100 = tpu.vector_load %arg12[%swap3A_98, %swap3A_99] {strides = array<i32>} : memref<1x320xf32, #tpu.memory_space<vmem>>, vector<1x16xf32>,
    %swap3A_101 = vector.shape_cast %swap3A_100 : vector<1x16xf32> to vector<16xf32>
    %swap3A_102 = vector.shape_cast %broadcast_in_dim3A_96 : vector<16xf32> to vector<1x16xf32>
    tpu.vector_store %arg12[%swap3A_98, %swap3A_99], %swap3A_102 {strides = array<i32>} : memref<1x320xf32, #tpu.memory_space<vmem>>, vector<1x16xf32>,
    %broadcast_in_dim3A_103 = arith.constant 0.000000e+00 : f32
    %broadcast_in_dim3A_104 = vector.broadcast %broadcast_in_dim3A_103 : f32 to vector<16xf32>
    %swap3A_105 = arith.constant 0 : i32
    %swap3A_106 = arith.index_cast %swap3A_105 : i32 to index
    %swap3A_107 = arith.constant 208 : index
    %swap3A_108 = tpu.vector_load %arg12[%swap3A_106, %swap3A_107] {strides = array<i32>} : memref<1x320xf32, #tpu.memory_space<vmem>>, vector<1x16xf32>,
    %swap3A_109 = vector.shape_cast %swap3A_108 : vector<1x16xf32> to vector<16xf32>
    %swap3A_110 = vector.shape_cast %broadcast_in_dim3A_104 : vector<16xf32> to vector<1x16xf32>
    tpu.vector_store %arg12[%swap3A_106, %swap3A_107], %swap3A_110 {strides = array<i32>} : memref<1x320xf32, #tpu.memory_space<vmem>>, vector<1x16xf32>,
    %broadcast_in_dim3A_111 = arith.constant 0.000000e+00 : f32
    %broadcast_in_dim3A_112 = vector.broadcast %broadcast_in_dim3A_111 : f32 to vector<16xf32>
    %swap3A_113 = arith.constant 0 : i32
    %swap3A_114 = arith.index_cast %swap3A_113 : i32 to index
    %swap3A_115 = arith.constant 224 : index
    %swap3A_116 = tpu.vector_load %arg12[%swap3A_114, %swap3A_115] {strides = array<i32>} : memref<1x320xf32, #tpu.memory_space<vmem>>, vector<1x16xf32>,
    %swap3A_117 = vector.shape_cast %swap3A_116 : vector<1x16xf32> to vector<16xf32>
    %swap3A_118 = vector.shape_cast %broadcast_in_dim3A_112 : vector<16xf32> to vector<1x16xf32>
    tpu.vector_store %arg12[%swap3A_114, %swap3A_115], %swap3A_118 {strides = array<i32>} : memref<1x320xf32, #tpu.memory_space<vmem>>, vector<1x16xf32>,
    %broadcast_in_dim3A_119 = arith.constant 0.000000e+00 : f32
    %broadcast_in_dim3A_120 = vector.broadcast %broadcast_in_dim3A_119 : f32 to vector<16xf32>
    %swap3A_121 = arith.constant 0 : i32
    %swap3A_122 = arith.index_cast %swap3A_121 : i32 to index
    %swap3A_123 = arith.constant 240 : index
    %swap3A_124 = tpu.vector_load %arg12[%swap3A_122, %swap3A_123] {strides = array<i32>} : memref<1x320xf32, #tpu.memory_space<vmem>>, vector<1x16xf32>,
    %swap3A_125 = vector.shape_cast %swap3A_124 : vector<1x16xf32> to vector<16xf32>
    %swap3A_126 = vector.shape_cast %broadcast_in_dim3A_120 : vector<16xf32> to vector<1x16xf32>
    tpu.vector_store %arg12[%swap3A_122, %swap3A_123], %swap3A_126 {strides = array<i32>} : memref<1x320xf32, #tpu.memory_space<vmem>>, vector<1x16xf32>,
    %broadcast_in_dim3A_127 = arith.constant 0.000000e+00 : f32
    %broadcast_in_dim3A_128 = vector.broadcast %broadcast_in_dim3A_127 : f32 to vector<16xf32>
    %swap3A_129 = arith.constant 0 : i32
    %swap3A_130 = arith.index_cast %swap3A_129 : i32 to index
    %swap3A_131 = arith.constant 256 : index
    %swap3A_132 = tpu.vector_load %arg12[%swap3A_130, %swap3A_131] {strides = array<i32>} : memref<1x320xf32, #tpu.memory_space<vmem>>, vector<1x16xf32>,
    %swap3A_133 = vector.shape_cast %swap3A_132 : vector<1x16xf32> to vector<16xf32>
    %swap3A_134 = vector.shape_cast %broadcast_in_dim3A_128 : vector<16xf32> to vector<1x16xf32>
    tpu.vector_store %arg12[%swap3A_130, %swap3A_131], %swap3A_134 {strides = array<i32>} : memref<1x320xf32, #tpu.memory_space<vmem>>, vector<1x16xf32>,
    %broadcast_in_dim3A_135 = arith.constant 0.000000e+00 : f32
    %broadcast_in_dim3A_136 = vector.broadcast %broadcast_in_dim3A_135 : f32 to vector<16xf32>
    %swap3A_137 = arith.constant 0 : i32
    %swap3A_138 = arith.index_cast %swap3A_137 : i32 to index
    %swap3A_139 = arith.constant 272 : index
    %swap3A_140 = tpu.vector_load %arg12[%swap3A_138, %swap3A_139] {strides = array<i32>} : memref<1x320xf32, #tpu.memory_space<vmem>>, vector<1x16xf32>,
    %swap3A_141 = vector.shape_cast %swap3A_140 : vector<1x16xf32> to vector<16xf32>
    %swap3A_142 = vector.shape_cast %broadcast_in_dim3A_136 : vector<16xf32> to vector<1x16xf32>
    tpu.vector_store %arg12[%swap3A_138, %swap3A_139], %swap3A_142 {strides = array<i32>} : memref<1x320xf32, #tpu.memory_space<vmem>>, vector<1x16xf32>,
    %broadcast_in_dim3A_143 = arith.constant 0.000000e+00 : f32
    %broadcast_in_dim3A_144 = vector.broadcast %broadcast_in_dim3A_143 : f32 to vector<16xf32>
    %swap3A_145 = arith.constant 0 : i32
    %swap3A_146 = arith.index_cast %swap3A_145 : i32 to index
    %swap3A_147 = arith.constant 288 : index
    %swap3A_148 = tpu.vector_load %arg12[%swap3A_146, %swap3A_147] {strides = array<i32>} : memref<1x320xf32, #tpu.memory_space<vmem>>, vector<1x16xf32>,
    %swap3A_149 = vector.shape_cast %swap3A_148 : vector<1x16xf32> to vector<16xf32>
    %swap3A_150 = vector.shape_cast %broadcast_in_dim3A_144 : vector<16xf32> to vector<1x16xf32>
    tpu.vector_store %arg12[%swap3A_146, %swap3A_147], %swap3A_150 {strides = array<i32>} : memref<1x320xf32, #tpu.memory_space<vmem>>, vector<1x16xf32>,
    %broadcast_in_dim3A_151 = arith.constant 0.000000e+00 : f32
    %broadcast_in_dim3A_152 = vector.broadcast %broadcast_in_dim3A_151 : f32 to vector<16xf32>
    %swap3A_153 = arith.constant 0 : i32
    %swap3A_154 = arith.index_cast %swap3A_153 : i32 to index
    %swap3A_155 = arith.constant 304 : index
    %swap3A_156 = tpu.vector_load %arg12[%swap3A_154, %swap3A_155] {strides = array<i32>} : memref<1x320xf32, #tpu.memory_space<vmem>>, vector<1x16xf32>,
    %swap3A_157 = vector.shape_cast %swap3A_156 : vector<1x16xf32> to vector<16xf32>
    %swap3A_158 = vector.shape_cast %broadcast_in_dim3A_152 : vector<16xf32> to vector<1x16xf32>
    tpu.vector_store %arg12[%swap3A_154, %swap3A_155], %swap3A_158 {strides = array<i32>} : memref<1x320xf32, #tpu.memory_space<vmem>>, vector<1x16xf32>,
    %run_scoped3A = arith.constant 0 : i32
    "tpu.region"() ({
      %run_scoped3A_269 = tpu.sem_alloc : memref<!tpu.dma_semaphore, #tpu.memory_space<semaphore_mem>>
      %dma_start3A_270 = arith.constant 0 : i32
      %dma_start3A_271 = tpu.memref_slice %arg12[%run_scoped3A, %dma_start3A_270] : memref<1x320xf32, #tpu.memory_space<vmem>> -> memref<1x320xf32, #tpu.memory_space<vmem>>
      %dma_start3A_272 = tpu.memref_squeeze %dma_start3A_271 : memref<1x320xf32, #tpu.memory_space<vmem>> -> memref<320xf32, #tpu.memory_space<vmem>>
      %dma_start3A_273 = tpu.memref_slice %arg14[%mul3A_0] : memref<5128xf32, #tpu.memory_space<vmem_shared>> -> memref<320xf32, #tpu.memory_space<vmem_shared>>
      %dma_start3A_274 = tpu.memref_slice %arg14[%mul3A_0] : memref<5128xf32, #tpu.memory_space<vmem_shared>> -> memref<320xf32, #tpu.memory_space<vmem_shared>>
      %dma_start3A_275 = arith.constant 0 : i32
      %dma_start3A_276 = tpu.memref_slice %arg12[%run_scoped3A, %dma_start3A_275] : memref<1x320xf32, #tpu.memory_space<vmem>> -> memref<1x320xf32, #tpu.memory_space<vmem>>
      %dma_start3A_277 = tpu.memref_squeeze %dma_start3A_276 : memref<1x320xf32, #tpu.memory_space<vmem>> -> memref<320xf32, #tpu.memory_space<vmem>>
      tpu.enqueue_dma source(%dma_start3A_277 : memref<320xf32, #tpu.memory_space<vmem>>) target(%dma_start3A_274 : memref<320xf32, #tpu.memory_space<vmem_shared>>) target_semaphore(%run_scoped3A_269 : memref<!tpu.dma_semaphore, #tpu.memory_space<semaphore_mem>>)
      %dma_wait3A_278 = arith.constant 0 : i32
      %dma_wait3A_279 = tpu.memref_slice %arg12[%run_scoped3A, %dma_wait3A_278] : memref<1x320xf32, #tpu.memory_space<vmem>> -> memref<1x320xf32, #tpu.memory_space<vmem>>
      %dma_wait3A_280 = tpu.memref_squeeze %dma_wait3A_279 : memref<1x320xf32, #tpu.memory_space<vmem>> -> memref<320xf32, #tpu.memory_space<vmem>>
      %dma_wait3A_281 = tpu.memref_slice %arg14[%mul3A_0] : memref<5128xf32, #tpu.memory_space<vmem_shared>> -> memref<320xf32, #tpu.memory_space<vmem_shared>>
      %dma_wait3A_282 = tpu.memref_slice %arg14[%mul3A_0] : memref<5128xf32, #tpu.memory_space<vmem_shared>> -> memref<320xf32, #tpu.memory_space<vmem_shared>>
      %dma_wait3A_283 = arith.constant 0 : i32
      %dma_wait3A_284 = tpu.memref_slice %arg12[%run_scoped3A, %dma_wait3A_283] : memref<1x320xf32, #tpu.memory_space<vmem>> -> memref<1x320xf32, #tpu.memory_space<vmem>>
      %dma_wait3A_285 = tpu.memref_squeeze %dma_wait3A_284 : memref<1x320xf32, #tpu.memory_space<vmem>> -> memref<320xf32, #tpu.memory_space<vmem>>
      tpu.wait_dma2 semaphore(%run_scoped3A_269 : memref<!tpu.dma_semaphore, #tpu.memory_space<semaphore_mem>>) src(%dma_wait3A_285 : memref<320xf32, #tpu.memory_space<vmem>>) dst(%dma_wait3A_282 : memref<320xf32, #tpu.memory_space<vmem_shared>>)
      tpu.yield
    }) : () -> ()
    %broadcast_in_dim3A_159 = arith.constant 1.000000e+00 : f32
    %broadcast_in_dim3A_160 = vector.broadcast %broadcast_in_dim3A_159 : f32 to vector<16xf32>
    %swap3A_161 = arith.constant 0 : index
    %swap3A_162 = tpu.vector_load %arg11[%swap3A_161] {strides = array<i32>} : memref<80xf32, #tpu.memory_space<vmem>>, vector<16xf32>,
    %swap3A_163 = vector.shape_cast %swap3A_162 : vector<16xf32> to vector<16xf32>
    %swap3A_164 = vector.shape_cast %broadcast_in_dim3A_160 : vector<16xf32> to vector<16xf32>
    tpu.vector_store %arg11[%swap3A_161], %swap3A_164 {strides = array<i32>} : memref<80xf32, #tpu.memory_space<vmem>>, vector<16xf32>,
    %broadcast_in_dim3A_165 = arith.constant 1.000000e+00 : f32
    %broadcast_in_dim3A_166 = vector.broadcast %broadcast_in_dim3A_165 : f32 to vector<16xf32>
    %swap3A_167 = arith.constant 16 : index
    %swap3A_168 = tpu.vector_load %arg11[%swap3A_167] {strides = array<i32>} : memref<80xf32, #tpu.memory_space<vmem>>, vector<16xf32>,
    %swap3A_169 = vector.shape_cast %swap3A_168 : vector<16xf32> to vector<16xf32>
    %swap3A_170 = vector.shape_cast %broadcast_in_dim3A_166 : vector<16xf32> to vector<16xf32>
    tpu.vector_store %arg11[%swap3A_167], %swap3A_170 {strides = array<i32>} : memref<80xf32, #tpu.memory_space<vmem>>, vector<16xf32>,
    %broadcast_in_dim3A_171 = arith.constant 1.000000e+00 : f32
    %broadcast_in_dim3A_172 = vector.broadcast %broadcast_in_dim3A_171 : f32 to vector<16xf32>
    %swap3A_173 = arith.constant 32 : index
    %swap3A_174 = tpu.vector_load %arg11[%swap3A_173] {strides = array<i32>} : memref<80xf32, #tpu.memory_space<vmem>>, vector<16xf32>,
    %swap3A_175 = vector.shape_cast %swap3A_174 : vector<16xf32> to vector<16xf32>
    %swap3A_176 = vector.shape_cast %broadcast_in_dim3A_172 : vector<16xf32> to vector<16xf32>
    tpu.vector_store %arg11[%swap3A_173], %swap3A_176 {strides = array<i32>} : memref<80xf32, #tpu.memory_space<vmem>>, vector<16xf32>,
    %broadcast_in_dim3A_177 = arith.constant 1.000000e+00 : f32
    %broadcast_in_dim3A_178 = vector.broadcast %broadcast_in_dim3A_177 : f32 to vector<16xf32>
    %swap3A_179 = arith.constant 48 : index
    %swap3A_180 = tpu.vector_load %arg11[%swap3A_179] {strides = array<i32>} : memref<80xf32, #tpu.memory_space<vmem>>, vector<16xf32>,
    %swap3A_181 = vector.shape_cast %swap3A_180 : vector<16xf32> to vector<16xf32>
    %swap3A_182 = vector.shape_cast %broadcast_in_dim3A_178 : vector<16xf32> to vector<16xf32>
    tpu.vector_store %arg11[%swap3A_179], %swap3A_182 {strides = array<i32>} : memref<80xf32, #tpu.memory_space<vmem>>, vector<16xf32>,
    %broadcast_in_dim3A_183 = arith.constant 1.000000e+00 : f32
    %broadcast_in_dim3A_184 = vector.broadcast %broadcast_in_dim3A_183 : f32 to vector<16xf32>
    %swap3A_185 = arith.constant 64 : index
    %swap3A_186 = tpu.vector_load %arg11[%swap3A_185] {strides = array<i32>} : memref<80xf32, #tpu.memory_space<vmem>>, vector<16xf32>,
    %swap3A_187 = vector.shape_cast %swap3A_186 : vector<16xf32> to vector<16xf32>
    %swap3A_188 = vector.shape_cast %broadcast_in_dim3A_184 : vector<16xf32> to vector<16xf32>
    tpu.vector_store %arg11[%swap3A_185], %swap3A_188 {strides = array<i32>} : memref<80xf32, #tpu.memory_space<vmem>>, vector<16xf32>,
    %barrier3A = arith.constant 0 : index
    tpu.barrier barrier_id(%barrier3A)
    %run_scoped3A_189 = arith.constant 0 : i32
    "tpu.region"() ({
      %run_scoped3A_269 = tpu.sem_alloc : memref<!tpu.dma_semaphore, #tpu.memory_space<semaphore_mem>>
      %dma_start3A_270 = arith.constant 0 : i32
      %dma_start3A_271 = arith.constant 0 : i32
      %dma_start3A_272 = tpu.memref_slice %arg3[%arg1, %run_scoped3A_189, %dma_start3A_270, %dma_start3A_271] : memref<16x2x126x80xi32, #tpu.memory_space<hbm>> -> memref<1x1x126x80xi32, #tpu.memory_space<hbm>>
      %dma_start3A_273 = tpu.memref_squeeze %dma_start3A_272 : memref<1x1x126x80xi32, #tpu.memory_space<hbm>> -> memref<126x80xi32, #tpu.memory_space<hbm>>
      %dma_start3A_274 = arith.constant 0 : i32
      %dma_start3A_275 = arith.constant 0 : i32
      %dma_start3A_276 = tpu.memref_slice %arg3[%arg1, %run_scoped3A_189, %dma_start3A_274, %dma_start3A_275] : memref<16x2x126x80xi32, #tpu.memory_space<hbm>> -> memref<1x1x126x80xi32, #tpu.memory_space<hbm>>
      %dma_start3A_277 = tpu.memref_squeeze %dma_start3A_276 : memref<1x1x126x80xi32, #tpu.memory_space<hbm>> -> memref<126x80xi32, #tpu.memory_space<hbm>>
      tpu.enqueue_dma source(%dma_start3A_277 : memref<126x80xi32, #tpu.memory_space<hbm>>) target(%arg8 : memref<126x80xi32, #tpu.memory_space<vmem>>) target_semaphore(%run_scoped3A_269 : memref<!tpu.dma_semaphore, #tpu.memory_space<semaphore_mem>>)
      %dma_wait3A_278 = arith.constant 0 : i32
      %dma_wait3A_279 = arith.constant 0 : i32
      %dma_wait3A_280 = tpu.memref_slice %arg3[%arg1, %run_scoped3A_189, %dma_wait3A_278, %dma_wait3A_279] : memref<16x2x126x80xi32, #tpu.memory_space<hbm>> -> memref<1x1x126x80xi32, #tpu.memory_space<hbm>>
      %dma_wait3A_281 = tpu.memref_squeeze %dma_wait3A_280 : memref<1x1x126x80xi32, #tpu.memory_space<hbm>> -> memref<126x80xi32, #tpu.memory_space<hbm>>
      %dma_wait3A_282 = arith.constant 0 : i32
      %dma_wait3A_283 = arith.constant 0 : i32
      %dma_wait3A_284 = tpu.memref_slice %arg3[%arg1, %run_scoped3A_189, %dma_wait3A_282, %dma_wait3A_283] : memref<16x2x126x80xi32, #tpu.memory_space<hbm>> -> memref<1x1x126x80xi32, #tpu.memory_space<hbm>>
      %dma_wait3A_285 = tpu.memref_squeeze %dma_wait3A_284 : memref<1x1x126x80xi32, #tpu.memory_space<hbm>> -> memref<126x80xi32, #tpu.memory_space<hbm>>
      tpu.wait_dma2 semaphore(%run_scoped3A_269 : memref<!tpu.dma_semaphore, #tpu.memory_space<semaphore_mem>>) src(%dma_wait3A_285 : memref<126x80xi32, #tpu.memory_space<hbm>>) dst(%arg8 : memref<126x80xi32, #tpu.memory_space<vmem>>)
      tpu.yield
    }) : () -> ()
    %run_scoped3A_190 = arith.constant 0 : i32
    "tpu.region"() ({
      %run_scoped3A_269 = tpu.sem_alloc : memref<!tpu.dma_semaphore, #tpu.memory_space<semaphore_mem>>
      %dma_start3A_270 = arith.constant 0 : i32
      %dma_start3A_271 = arith.constant 0 : i32
      %dma_start3A_272 = tpu.memref_slice %arg4[%arg0, %arg1, %run_scoped3A_190, %dma_start3A_270, %dma_start3A_271] : memref<2x16x2x126x80xi32, #tpu.memory_space<hbm>> -> memref<1x1x1x126x80xi32, #tpu.memory_space<hbm>>
      %dma_start3A_273 = tpu.memref_squeeze %dma_start3A_272 : memref<1x1x1x126x80xi32, #tpu.memory_space<hbm>> -> memref<126x80xi32, #tpu.memory_space<hbm>>
      %dma_start3A_274 = arith.constant 0 : i32
      %dma_start3A_275 = arith.constant 0 : i32
      %dma_start3A_276 = tpu.memref_slice %arg4[%arg0, %arg1, %run_scoped3A_190, %dma_start3A_274, %dma_start3A_275] : memref<2x16x2x126x80xi32, #tpu.memory_space<hbm>> -> memref<1x1x1x126x80xi32, #tpu.memory_space<hbm>>
      %dma_start3A_277 = tpu.memref_squeeze %dma_start3A_276 : memref<1x1x1x126x80xi32, #tpu.memory_space<hbm>> -> memref<126x80xi32, #tpu.memory_space<hbm>>
      tpu.enqueue_dma source(%dma_start3A_277 : memref<126x80xi32, #tpu.memory_space<hbm>>) target(%arg9 : memref<126x80xi32, #tpu.memory_space<vmem>>) target_semaphore(%run_scoped3A_269 : memref<!tpu.dma_semaphore, #tpu.memory_space<semaphore_mem>>)
      %dma_wait3A_278 = arith.constant 0 : i32
      %dma_wait3A_279 = arith.constant 0 : i32
      %dma_wait3A_280 = tpu.memref_slice %arg4[%arg0, %arg1, %run_scoped3A_190, %dma_wait3A_278, %dma_wait3A_279] : memref<2x16x2x126x80xi32, #tpu.memory_space<hbm>> -> memref<1x1x1x126x80xi32, #tpu.memory_space<hbm>>
      %dma_wait3A_281 = tpu.memref_squeeze %dma_wait3A_280 : memref<1x1x1x126x80xi32, #tpu.memory_space<hbm>> -> memref<126x80xi32, #tpu.memory_space<hbm>>
      %dma_wait3A_282 = arith.constant 0 : i32
      %dma_wait3A_283 = arith.constant 0 : i32
      %dma_wait3A_284 = tpu.memref_slice %arg4[%arg0, %arg1, %run_scoped3A_190, %dma_wait3A_282, %dma_wait3A_283] : memref<2x16x2x126x80xi32, #tpu.memory_space<hbm>> -> memref<1x1x1x126x80xi32, #tpu.memory_space<hbm>>
      %dma_wait3A_285 = tpu.memref_squeeze %dma_wait3A_284 : memref<1x1x1x126x80xi32, #tpu.memory_space<hbm>> -> memref<126x80xi32, #tpu.memory_space<hbm>>
      tpu.wait_dma2 semaphore(%run_scoped3A_269 : memref<!tpu.dma_semaphore, #tpu.memory_space<semaphore_mem>>) src(%dma_wait3A_285 : memref<126x80xi32, #tpu.memory_space<hbm>>) dst(%arg9 : memref<126x80xi32, #tpu.memory_space<vmem>>)
      tpu.yield
    }) : () -> ()
    %dma_start3A = arith.constant 0 : i32
    %dma_start3A_191 = arith.constant 0 : i32
    %dma_start3A_192 = arith.constant 0 : i32
    %dma_start3A_193 = arith.constant 0 : i32
    %dma_start3A_194 = tpu.memref_slice %arg10[%dma_start3A_191, %dma_start3A_192, %dma_start3A_193] : memref<2x80x128xf32, #tpu.memory_space<vmem>> -> memref<1x80x128xf32, #tpu.memory_space<vmem>>
    %dma_start3A_195 = tpu.memref_squeeze %dma_start3A_194 : memref<1x80x128xf32, #tpu.memory_space<vmem>> -> memref<80x128xf32, #tpu.memory_space<vmem>>
    %dma_start3A_196 = arith.constant 0 : i32
    %dma_start3A_197 = tpu.memref_slice %arg8[%dma_start3A, %dma_start3A_196] : memref<126x80xi32, #tpu.memory_space<vmem>> -> memref<1x80xi32, #tpu.memory_space<vmem>>
    %dma_start3A_198 = tpu.memref_squeeze %dma_start3A_197 : memref<1x80xi32, #tpu.memory_space<vmem>> -> memref<80xi32, #tpu.memory_space<vmem>>
    %dma_start3A_199 = arith.constant 0 : i32
    %dma_start3A_200 = arith.constant 0 : i32
    %dma_start3A_201 = tpu.memref_slice %arg2[%dma_start3A_199, %dma_start3A_200] : memref<10240x128xf32, #tpu.memory_space<hbm>> -> memref<10240x128xf32, #tpu.memory_space<hbm>>
    tpu.enqueue_indirect_dma source(%dma_start3A_201 : memref<10240x128xf32, #tpu.memory_space<hbm>>) target(%dma_start3A_195 : memref<80x128xf32, #tpu.memory_space<vmem>>) offsets(%dma_start3A_198 : memref<80xi32, #tpu.memory_space<vmem>>) semaphore(%arg15 : memref<!tpu.dma_semaphore, #tpu.memory_space<semaphore_mem>>)
    %scan3A = arith.constant 0 : i32
    %scan3A_202 = arith.constant 0 : i32
    %scan3A_203 = arith.constant 63 : i32
    %scan3A_204 = arith.addi %scan3A_202, %scan3A_203 : i32
    %scan3A_205 = arith.constant 1 : i32
    scf.for %scan3A_269 = %scan3A_202 to %scan3A_204 step %scan3A_205  : i32 {
      %mul3A_270 = arith.constant 2 : i32
      %mul3A_271 = arith.muli %mul3A_270, %scan3A_269 : i32
      %add3A_272 = arith.constant 0 : i32
      %add3A_273 = arith.addi %mul3A_271, %add3A_272 : i32
      %gt3A = arith.constant 0 : i32
      %gt3A_274 = arith.cmpi sgt, %add3A_273, %gt3A : i32
      %convert_element_type3A = arith.extui %gt3A_274 : i1 to i32
      %cond3A = arith.constant 0 : i32
      %cond3A_275 = arith.cmpi ne, %convert_element_type3A, %cond3A : i32
      scf.if %cond3A_275 {
        %sub3A = arith.constant 1 : i32
        %sub3A_352 = arith.subi %add3A_273, %sub3A : i32
        %dma_wait3A_353 = arith.constant 1 : i32
        %dma_wait3A_354 = arith.constant 0 : i32
        %dma_wait3A_355 = arith.constant 0 : i32
        %dma_wait3A_356 = tpu.memref_slice %arg10[%dma_wait3A_353, %dma_wait3A_354, %dma_wait3A_355] : memref<2x80x128xf32, #tpu.memory_space<vmem>> -> memref<1x80x128xf32, #tpu.memory_space<vmem>>
        %dma_wait3A_357 = tpu.memref_squeeze %dma_wait3A_356 : memref<1x80x128xf32, #tpu.memory_space<vmem>> -> memref<80x128xf32, #tpu.memory_space<vmem>>
        %dma_wait3A_358 = arith.constant 0 : i32
        %dma_wait3A_359 = tpu.memref_slice %arg9[%sub3A_352, %dma_wait3A_358] : memref<126x80xi32, #tpu.memory_space<vmem>> -> memref<1x80xi32, #tpu.memory_space<vmem>>
        %dma_wait3A_360 = tpu.memref_squeeze %dma_wait3A_359 : memref<1x80xi32, #tpu.memory_space<vmem>> -> memref<80xi32, #tpu.memory_space<vmem>>
        %dma_wait3A_361 = arith.constant 0 : i32
        %dma_wait3A_362 = arith.constant 0 : i32
        %dma_wait3A_363 = tpu.memref_slice %arg13[%dma_wait3A_361, %dma_wait3A_362] : memref<5128x128xf32, #tpu.memory_space<vmem_shared>> -> memref<5128x128xf32, #tpu.memory_space<vmem_shared>>
        tpu.wait_indirect_dma semaphore(%arg18 : memref<!tpu.dma_semaphore, #tpu.memory_space<semaphore_mem>>) src(%dma_wait3A_357 : memref<80x128xf32, #tpu.memory_space<vmem>>) dst(%dma_wait3A_363 : memref<5128x128xf32, #tpu.memory_space<vmem_shared>>)
        %dma_wait3A_364 = arith.constant 0 : i32
        %dma_wait3A_365 = tpu.memref_slice %arg9[%sub3A_352, %dma_wait3A_364] : memref<126x80xi32, #tpu.memory_space<vmem>> -> memref<1x80xi32, #tpu.memory_space<vmem>>
        %dma_wait3A_366 = tpu.memref_squeeze %dma_wait3A_365 : memref<1x80xi32, #tpu.memory_space<vmem>> -> memref<80xi32, #tpu.memory_space<vmem>>
        %dma_wait3A_367 = arith.constant 0 : i32
        %dma_wait3A_368 = tpu.memref_slice %arg14[%dma_wait3A_367] : memref<5128xf32, #tpu.memory_space<vmem_shared>> -> memref<5128xf32, #tpu.memory_space<vmem_shared>>
        tpu.wait_indirect_dma semaphore(%arg20 : memref<!tpu.dma_semaphore, #tpu.memory_space<semaphore_mem>>) src(%arg11 : memref<80xf32, #tpu.memory_space<vmem>>) dst(%dma_wait3A_368 : memref<5128xf32, #tpu.memory_space<vmem_shared>>)
      } else {
      }
      %add3A_276 = arith.constant 1 : i32
      %add3A_277 = arith.addi %add3A_273, %add3A_276 : i32
      %lt3A = arith.constant 126 : i32
      %lt3A_278 = arith.cmpi slt, %add3A_277, %lt3A : i32
      %convert_element_type3A_279 = arith.extui %lt3A_278 : i1 to i32
      %cond3A_280 = arith.constant 0 : i32
      %cond3A_281 = arith.cmpi ne, %convert_element_type3A_279, %cond3A_280 : i32
      scf.if %cond3A_281 {
        %add3A_352 = arith.constant 1 : i32
        %add3A_353 = arith.addi %add3A_273, %add3A_352 : i32
        %dma_start3A_354 = arith.constant 1 : i32
        %dma_start3A_355 = arith.constant 0 : i32
        %dma_start3A_356 = arith.constant 0 : i32
        %dma_start3A_357 = tpu.memref_slice %arg10[%dma_start3A_354, %dma_start3A_355, %dma_start3A_356] : memref<2x80x128xf32, #tpu.memory_space<vmem>> -> memref<1x80x128xf32, #tpu.memory_space<vmem>>
        %dma_start3A_358 = tpu.memref_squeeze %dma_start3A_357 : memref<1x80x128xf32, #tpu.memory_space<vmem>> -> memref<80x128xf32, #tpu.memory_space<vmem>>
        %dma_start3A_359 = arith.constant 0 : i32
        %dma_start3A_360 = tpu.memref_slice %arg8[%add3A_353, %dma_start3A_359] : memref<126x80xi32, #tpu.memory_space<vmem>> -> memref<1x80xi32, #tpu.memory_space<vmem>>
        %dma_start3A_361 = tpu.memref_squeeze %dma_start3A_360 : memref<1x80xi32, #tpu.memory_space<vmem>> -> memref<80xi32, #tpu.memory_space<vmem>>
        %dma_start3A_362 = arith.constant 0 : i32
        %dma_start3A_363 = arith.constant 0 : i32
        %dma_start3A_364 = tpu.memref_slice %arg2[%dma_start3A_362, %dma_start3A_363] : memref<10240x128xf32, #tpu.memory_space<hbm>> -> memref<10240x128xf32, #tpu.memory_space<hbm>>
        tpu.enqueue_indirect_dma source(%dma_start3A_364 : memref<10240x128xf32, #tpu.memory_space<hbm>>) target(%dma_start3A_358 : memref<80x128xf32, #tpu.memory_space<vmem>>) offsets(%dma_start3A_361 : memref<80xi32, #tpu.memory_space<vmem>>) semaphore(%arg16 : memref<!tpu.dma_semaphore, #tpu.memory_space<semaphore_mem>>)
      } else {
      }
      %dma_wait3A_282 = arith.constant 0 : i32
      %dma_wait3A_283 = arith.constant 0 : i32
      %dma_wait3A_284 = arith.constant 0 : i32
      %dma_wait3A_285 = tpu.memref_slice %arg10[%dma_wait3A_282, %dma_wait3A_283, %dma_wait3A_284] : memref<2x80x128xf32, #tpu.memory_space<vmem>> -> memref<1x80x128xf32, #tpu.memory_space<vmem>>
      %dma_wait3A_286 = tpu.memref_squeeze %dma_wait3A_285 : memref<1x80x128xf32, #tpu.memory_space<vmem>> -> memref<80x128xf32, #tpu.memory_space<vmem>>
      %dma_wait3A_287 = arith.constant 0 : i32
      %dma_wait3A_288 = tpu.memref_slice %arg8[%add3A_273, %dma_wait3A_287] : memref<126x80xi32, #tpu.memory_space<vmem>> -> memref<1x80xi32, #tpu.memory_space<vmem>>
      %dma_wait3A_289 = tpu.memref_squeeze %dma_wait3A_288 : memref<1x80xi32, #tpu.memory_space<vmem>> -> memref<80xi32, #tpu.memory_space<vmem>>
      %dma_wait3A_290 = arith.constant 0 : i32
      %dma_wait3A_291 = arith.constant 0 : i32
      %dma_wait3A_292 = tpu.memref_slice %arg2[%dma_wait3A_290, %dma_wait3A_291] : memref<10240x128xf32, #tpu.memory_space<hbm>> -> memref<10240x128xf32, #tpu.memory_space<hbm>>
      tpu.wait_indirect_dma semaphore(%arg15 : memref<!tpu.dma_semaphore, #tpu.memory_space<semaphore_mem>>) src(%dma_wait3A_292 : memref<10240x128xf32, #tpu.memory_space<hbm>>) dst(%dma_wait3A_286 : memref<80x128xf32, #tpu.memory_space<vmem>>)
      %dma_start3A_293 = arith.constant 0 : i32
      %dma_start3A_294 = arith.constant 0 : i32
      %dma_start3A_295 = arith.constant 0 : i32
      %dma_start3A_296 = tpu.memref_slice %arg10[%dma_start3A_293, %dma_start3A_294, %dma_start3A_295] : memref<2x80x128xf32, #tpu.memory_space<vmem>> -> memref<1x80x128xf32, #tpu.memory_space<vmem>>
      %dma_start3A_297 = tpu.memref_squeeze %dma_start3A_296 : memref<1x80x128xf32, #tpu.memory_space<vmem>> -> memref<80x128xf32, #tpu.memory_space<vmem>>
      %dma_start3A_298 = arith.constant 0 : i32
      %dma_start3A_299 = tpu.memref_slice %arg9[%add3A_273, %dma_start3A_298] : memref<126x80xi32, #tpu.memory_space<vmem>> -> memref<1x80xi32, #tpu.memory_space<vmem>>
      %dma_start3A_300 = tpu.memref_squeeze %dma_start3A_299 : memref<1x80xi32, #tpu.memory_space<vmem>> -> memref<80xi32, #tpu.memory_space<vmem>>
      %dma_start3A_301 = arith.constant 0 : i32
      %dma_start3A_302 = arith.constant 0 : i32
      %dma_start3A_303 = tpu.memref_slice %arg13[%dma_start3A_301, %dma_start3A_302] : memref<5128x128xf32, #tpu.memory_space<vmem_shared>> -> memref<5128x128xf32, #tpu.memory_space<vmem_shared>>
      tpu.enqueue_indirect_dma source(%dma_start3A_297 : memref<80x128xf32, #tpu.memory_space<vmem>>) target(%dma_start3A_303 : memref<5128x128xf32, #tpu.memory_space<vmem_shared>>) offsets(%dma_start3A_300 : memref<80xi32, #tpu.memory_space<vmem>>) semaphore(%arg17 : memref<!tpu.dma_semaphore, #tpu.memory_space<semaphore_mem>>) {add = true}
      %dma_start3A_304 = arith.constant 0 : i32
      %dma_start3A_305 = tpu.memref_slice %arg9[%add3A_273, %dma_start3A_304] : memref<126x80xi32, #tpu.memory_space<vmem>> -> memref<1x80xi32, #tpu.memory_space<vmem>>
      %dma_start3A_306 = tpu.memref_squeeze %dma_start3A_305 : memref<1x80xi32, #tpu.memory_space<vmem>> -> memref<80xi32, #tpu.memory_space<vmem>>
      %dma_start3A_307 = arith.constant 0 : i32
      %dma_start3A_308 = tpu.memref_slice %arg14[%dma_start3A_307] : memref<5128xf32, #tpu.memory_space<vmem_shared>> -> memref<5128xf32, #tpu.memory_space<vmem_shared>>
      tpu.enqueue_indirect_dma source(%arg11 : memref<80xf32, #tpu.memory_space<vmem>>) target(%dma_start3A_308 : memref<5128xf32, #tpu.memory_space<vmem_shared>>) offsets(%dma_start3A_306 : memref<80xi32, #tpu.memory_space<vmem>>) semaphore(%arg19 : memref<!tpu.dma_semaphore, #tpu.memory_space<semaphore_mem>>) {add = true}
      %mul3A_309 = arith.constant 2 : i32
      %mul3A_310 = arith.muli %mul3A_309, %scan3A_269 : i32
      %add3A_311 = arith.constant 1 : i32
      %add3A_312 = arith.addi %mul3A_310, %add3A_311 : i32
      %gt3A_313 = arith.constant 0 : i32
      %gt3A_314 = arith.cmpi sgt, %add3A_312, %gt3A_313 : i32
      %convert_element_type3A_315 = arith.extui %gt3A_314 : i1 to i32
      %cond3A_316 = arith.constant 0 : i32
      %cond3A_317 = arith.cmpi ne, %convert_element_type3A_315, %cond3A_316 : i32
      scf.if %cond3A_317 {
        %sub3A = arith.constant 1 : i32
        %sub3A_352 = arith.subi %add3A_312, %sub3A : i32
        %dma_wait3A_353 = arith.constant 0 : i32
        %dma_wait3A_354 = arith.constant 0 : i32
        %dma_wait3A_355 = arith.constant 0 : i32
        %dma_wait3A_356 = tpu.memref_slice %arg10[%dma_wait3A_353, %dma_wait3A_354, %dma_wait3A_355] : memref<2x80x128xf32, #tpu.memory_space<vmem>> -> memref<1x80x128xf32, #tpu.memory_space<vmem>>
        %dma_wait3A_357 = tpu.memref_squeeze %dma_wait3A_356 : memref<1x80x128xf32, #tpu.memory_space<vmem>> -> memref<80x128xf32, #tpu.memory_space<vmem>>
        %dma_wait3A_358 = arith.constant 0 : i32
        %dma_wait3A_359 = tpu.memref_slice %arg9[%sub3A_352, %dma_wait3A_358] : memref<126x80xi32, #tpu.memory_space<vmem>> -> memref<1x80xi32, #tpu.memory_space<vmem>>
        %dma_wait3A_360 = tpu.memref_squeeze %dma_wait3A_359 : memref<1x80xi32, #tpu.memory_space<vmem>> -> memref<80xi32, #tpu.memory_space<vmem>>
        %dma_wait3A_361 = arith.constant 0 : i32
        %dma_wait3A_362 = arith.constant 0 : i32
        %dma_wait3A_363 = tpu.memref_slice %arg13[%dma_wait3A_361, %dma_wait3A_362] : memref<5128x128xf32, #tpu.memory_space<vmem_shared>> -> memref<5128x128xf32, #tpu.memory_space<vmem_shared>>
        tpu.wait_indirect_dma semaphore(%arg17 : memref<!tpu.dma_semaphore, #tpu.memory_space<semaphore_mem>>) src(%dma_wait3A_357 : memref<80x128xf32, #tpu.memory_space<vmem>>) dst(%dma_wait3A_363 : memref<5128x128xf32, #tpu.memory_space<vmem_shared>>)
        %dma_wait3A_364 = arith.constant 0 : i32
        %dma_wait3A_365 = tpu.memref_slice %arg9[%sub3A_352, %dma_wait3A_364] : memref<126x80xi32, #tpu.memory_space<vmem>> -> memref<1x80xi32, #tpu.memory_space<vmem>>
        %dma_wait3A_366 = tpu.memref_squeeze %dma_wait3A_365 : memref<1x80xi32, #tpu.memory_space<vmem>> -> memref<80xi32, #tpu.memory_space<vmem>>
        %dma_wait3A_367 = arith.constant 0 : i32
        %dma_wait3A_368 = tpu.memref_slice %arg14[%dma_wait3A_367] : memref<5128xf32, #tpu.memory_space<vmem_shared>> -> memref<5128xf32, #tpu.memory_space<vmem_shared>>
        tpu.wait_indirect_dma semaphore(%arg19 : memref<!tpu.dma_semaphore, #tpu.memory_space<semaphore_mem>>) src(%arg11 : memref<80xf32, #tpu.memory_space<vmem>>) dst(%dma_wait3A_368 : memref<5128xf32, #tpu.memory_space<vmem_shared>>)
      } else {
      }
      %add3A_318 = arith.constant 1 : i32
      %add3A_319 = arith.addi %add3A_312, %add3A_318 : i32
      %lt3A_320 = arith.constant 126 : i32
      %lt3A_321 = arith.cmpi slt, %add3A_319, %lt3A_320 : i32
      %convert_element_type3A_322 = arith.extui %lt3A_321 : i1 to i32
      %cond3A_323 = arith.constant 0 : i32
      %cond3A_324 = arith.cmpi ne, %convert_element_type3A_322, %cond3A_323 : i32
      scf.if %cond3A_324 {
        %add3A_352 = arith.constant 1 : i32
        %add3A_353 = arith.addi %add3A_312, %add3A_352 : i32
        %dma_start3A_354 = arith.constant 0 : i32
        %dma_start3A_355 = arith.constant 0 : i32
        %dma_start3A_356 = arith.constant 0 : i32
        %dma_start3A_357 = tpu.memref_slice %arg10[%dma_start3A_354, %dma_start3A_355, %dma_start3A_356] : memref<2x80x128xf32, #tpu.memory_space<vmem>> -> memref<1x80x128xf32, #tpu.memory_space<vmem>>
        %dma_start3A_358 = tpu.memref_squeeze %dma_start3A_357 : memref<1x80x128xf32, #tpu.memory_space<vmem>> -> memref<80x128xf32, #tpu.memory_space<vmem>>
        %dma_start3A_359 = arith.constant 0 : i32
        %dma_start3A_360 = tpu.memref_slice %arg8[%add3A_353, %dma_start3A_359] : memref<126x80xi32, #tpu.memory_space<vmem>> -> memref<1x80xi32, #tpu.memory_space<vmem>>
        %dma_start3A_361 = tpu.memref_squeeze %dma_start3A_360 : memref<1x80xi32, #tpu.memory_space<vmem>> -> memref<80xi32, #tpu.memory_space<vmem>>
        %dma_start3A_362 = arith.constant 0 : i32
        %dma_start3A_363 = arith.constant 0 : i32
        %dma_start3A_364 = tpu.memref_slice %arg2[%dma_start3A_362, %dma_start3A_363] : memref<10240x128xf32, #tpu.memory_space<hbm>> -> memref<10240x128xf32, #tpu.memory_space<hbm>>
        tpu.enqueue_indirect_dma source(%dma_start3A_364 : memref<10240x128xf32, #tpu.memory_space<hbm>>) target(%dma_start3A_358 : memref<80x128xf32, #tpu.memory_space<vmem>>) offsets(%dma_start3A_361 : memref<80xi32, #tpu.memory_space<vmem>>) semaphore(%arg15 : memref<!tpu.dma_semaphore, #tpu.memory_space<semaphore_mem>>)
      } else {
      }
      %dma_wait3A_325 = arith.constant 1 : i32
      %dma_wait3A_326 = arith.constant 0 : i32
      %dma_wait3A_327 = arith.constant 0 : i32
      %dma_wait3A_328 = tpu.memref_slice %arg10[%dma_wait3A_325, %dma_wait3A_326, %dma_wait3A_327] : memref<2x80x128xf32, #tpu.memory_space<vmem>> -> memref<1x80x128xf32, #tpu.memory_space<vmem>>
      %dma_wait3A_329 = tpu.memref_squeeze %dma_wait3A_328 : memref<1x80x128xf32, #tpu.memory_space<vmem>> -> memref<80x128xf32, #tpu.memory_space<vmem>>
      %dma_wait3A_330 = arith.constant 0 : i32
      %dma_wait3A_331 = tpu.memref_slice %arg8[%add3A_312, %dma_wait3A_330] : memref<126x80xi32, #tpu.memory_space<vmem>> -> memref<1x80xi32, #tpu.memory_space<vmem>>
      %dma_wait3A_332 = tpu.memref_squeeze %dma_wait3A_331 : memref<1x80xi32, #tpu.memory_space<vmem>> -> memref<80xi32, #tpu.memory_space<vmem>>
      %dma_wait3A_333 = arith.constant 0 : i32
      %dma_wait3A_334 = arith.constant 0 : i32
      %dma_wait3A_335 = tpu.memref_slice %arg2[%dma_wait3A_333, %dma_wait3A_334] : memref<10240x128xf32, #tpu.memory_space<hbm>> -> memref<10240x128xf32, #tpu.memory_space<hbm>>
      tpu.wait_indirect_dma semaphore(%arg16 : memref<!tpu.dma_semaphore, #tpu.memory_space<semaphore_mem>>) src(%dma_wait3A_335 : memref<10240x128xf32, #tpu.memory_space<hbm>>) dst(%dma_wait3A_329 : memref<80x128xf32, #tpu.memory_space<vmem>>)
      %dma_start3A_336 = arith.constant 1 : i32
      %dma_start3A_337 = arith.constant 0 : i32
      %dma_start3A_338 = arith.constant 0 : i32
      %dma_start3A_339 = tpu.memref_slice %arg10[%dma_start3A_336, %dma_start3A_337, %dma_start3A_338] : memref<2x80x128xf32, #tpu.memory_space<vmem>> -> memref<1x80x128xf32, #tpu.memory_space<vmem>>
      %dma_start3A_340 = tpu.memref_squeeze %dma_start3A_339 : memref<1x80x128xf32, #tpu.memory_space<vmem>> -> memref<80x128xf32, #tpu.memory_space<vmem>>
      %dma_start3A_341 = arith.constant 0 : i32
      %dma_start3A_342 = tpu.memref_slice %arg9[%add3A_312, %dma_start3A_341] : memref<126x80xi32, #tpu.memory_space<vmem>> -> memref<1x80xi32, #tpu.memory_space<vmem>>
      %dma_start3A_343 = tpu.memref_squeeze %dma_start3A_342 : memref<1x80xi32, #tpu.memory_space<vmem>> -> memref<80xi32, #tpu.memory_space<vmem>>
      %dma_start3A_344 = arith.constant 0 : i32
      %dma_start3A_345 = arith.constant 0 : i32
      %dma_start3A_346 = tpu.memref_slice %arg13[%dma_start3A_344, %dma_start3A_345] : memref<5128x128xf32, #tpu.memory_space<vmem_shared>> -> memref<5128x128xf32, #tpu.memory_space<vmem_shared>>
      tpu.enqueue_indirect_dma source(%dma_start3A_340 : memref<80x128xf32, #tpu.memory_space<vmem>>) target(%dma_start3A_346 : memref<5128x128xf32, #tpu.memory_space<vmem_shared>>) offsets(%dma_start3A_343 : memref<80xi32, #tpu.memory_space<vmem>>) semaphore(%arg18 : memref<!tpu.dma_semaphore, #tpu.memory_space<semaphore_mem>>) {add = true}
      %dma_start3A_347 = arith.constant 0 : i32
      %dma_start3A_348 = tpu.memref_slice %arg9[%add3A_312, %dma_start3A_347] : memref<126x80xi32, #tpu.memory_space<vmem>> -> memref<1x80xi32, #tpu.memory_space<vmem>>
      %dma_start3A_349 = tpu.memref_squeeze %dma_start3A_348 : memref<1x80xi32, #tpu.memory_space<vmem>> -> memref<80xi32, #tpu.memory_space<vmem>>
      %dma_start3A_350 = arith.constant 0 : i32
      %dma_start3A_351 = tpu.memref_slice %arg14[%dma_start3A_350] : memref<5128xf32, #tpu.memory_space<vmem_shared>> -> memref<5128xf32, #tpu.memory_space<vmem_shared>>
      tpu.enqueue_indirect_dma source(%arg11 : memref<80xf32, #tpu.memory_space<vmem>>) target(%dma_start3A_351 : memref<5128xf32, #tpu.memory_space<vmem_shared>>) offsets(%dma_start3A_349 : memref<80xi32, #tpu.memory_space<vmem>>) semaphore(%arg20 : memref<!tpu.dma_semaphore, #tpu.memory_space<semaphore_mem>>) {add = true}
    }
    %scan3A_206 = arith.constant 63 : i32
    %dma_wait3A = arith.constant 1 : i32
    %dma_wait3A_207 = arith.constant 125 : i32
    %dma_wait3A_208 = arith.constant 0 : i32
    %dma_wait3A_209 = arith.constant 0 : i32
    %dma_wait3A_210 = tpu.memref_slice %arg10[%dma_wait3A, %dma_wait3A_208, %dma_wait3A_209] : memref<2x80x128xf32, #tpu.memory_space<vmem>> -> memref<1x80x128xf32, #tpu.memory_space<vmem>>
    %dma_wait3A_211 = tpu.memref_squeeze %dma_wait3A_210 : memref<1x80x128xf32, #tpu.memory_space<vmem>> -> memref<80x128xf32, #tpu.memory_space<vmem>>
    %dma_wait3A_212 = arith.constant 0 : i32
    %dma_wait3A_213 = tpu.memref_slice %arg9[%dma_wait3A_207, %dma_wait3A_212] : memref<126x80xi32, #tpu.memory_space<vmem>> -> memref<1x80xi32, #tpu.memory_space<vmem>>
    %dma_wait3A_214 = tpu.memref_squeeze %dma_wait3A_213 : memref<1x80xi32, #tpu.memory_space<vmem>> -> memref<80xi32, #tpu.memory_space<vmem>>
    %dma_wait3A_215 = arith.constant 0 : i32
    %dma_wait3A_216 = arith.constant 0 : i32
    %dma_wait3A_217 = tpu.memref_slice %arg13[%dma_wait3A_215, %dma_wait3A_216] : memref<5128x128xf32, #tpu.memory_space<vmem_shared>> -> memref<5128x128xf32, #tpu.memory_space<vmem_shared>>
    tpu.wait_indirect_dma semaphore(%arg18 : memref<!tpu.dma_semaphore, #tpu.memory_space<semaphore_mem>>) src(%dma_wait3A_211 : memref<80x128xf32, #tpu.memory_space<vmem>>) dst(%dma_wait3A_217 : memref<5128x128xf32, #tpu.memory_space<vmem_shared>>)
    %dma_wait3A_218 = arith.constant 125 : i32
    %dma_wait3A_219 = arith.constant 0 : i32
    %dma_wait3A_220 = tpu.memref_slice %arg9[%dma_wait3A_218, %dma_wait3A_219] : memref<126x80xi32, #tpu.memory_space<vmem>> -> memref<1x80xi32, #tpu.memory_space<vmem>>
    %dma_wait3A_221 = tpu.memref_squeeze %dma_wait3A_220 : memref<1x80xi32, #tpu.memory_space<vmem>> -> memref<80xi32, #tpu.memory_space<vmem>>
    %dma_wait3A_222 = arith.constant 0 : i32
    %dma_wait3A_223 = tpu.memref_slice %arg14[%dma_wait3A_222] : memref<5128xf32, #tpu.memory_space<vmem_shared>> -> memref<5128xf32, #tpu.memory_space<vmem_shared>>
    tpu.wait_indirect_dma semaphore(%arg20 : memref<!tpu.dma_semaphore, #tpu.memory_space<semaphore_mem>>) src(%arg11 : memref<80xf32, #tpu.memory_space<vmem>>) dst(%dma_wait3A_223 : memref<5128xf32, #tpu.memory_space<vmem_shared>>)
    %run_scoped3A_224 = arith.constant 1 : i32
    "tpu.region"() ({
      %run_scoped3A_269 = tpu.sem_alloc : memref<!tpu.dma_semaphore, #tpu.memory_space<semaphore_mem>>
      %dma_start3A_270 = arith.constant 0 : i32
      %dma_start3A_271 = arith.constant 0 : i32
      %dma_start3A_272 = tpu.memref_slice %arg3[%arg1, %run_scoped3A_224, %dma_start3A_270, %dma_start3A_271] : memref<16x2x126x80xi32, #tpu.memory_space<hbm>> -> memref<1x1x126x80xi32, #tpu.memory_space<hbm>>
      %dma_start3A_273 = tpu.memref_squeeze %dma_start3A_272 : memref<1x1x126x80xi32, #tpu.memory_space<hbm>> -> memref<126x80xi32, #tpu.memory_space<hbm>>
      %dma_start3A_274 = arith.constant 0 : i32
      %dma_start3A_275 = arith.constant 0 : i32
      %dma_start3A_276 = tpu.memref_slice %arg3[%arg1, %run_scoped3A_224, %dma_start3A_274, %dma_start3A_275] : memref<16x2x126x80xi32, #tpu.memory_space<hbm>> -> memref<1x1x126x80xi32, #tpu.memory_space<hbm>>
      %dma_start3A_277 = tpu.memref_squeeze %dma_start3A_276 : memref<1x1x126x80xi32, #tpu.memory_space<hbm>> -> memref<126x80xi32, #tpu.memory_space<hbm>>
      tpu.enqueue_dma source(%dma_start3A_277 : memref<126x80xi32, #tpu.memory_space<hbm>>) target(%arg8 : memref<126x80xi32, #tpu.memory_space<vmem>>) target_semaphore(%run_scoped3A_269 : memref<!tpu.dma_semaphore, #tpu.memory_space<semaphore_mem>>)
      %dma_wait3A_278 = arith.constant 0 : i32
      %dma_wait3A_279 = arith.constant 0 : i32
      %dma_wait3A_280 = tpu.memref_slice %arg3[%arg1, %run_scoped3A_224, %dma_wait3A_278, %dma_wait3A_279] : memref<16x2x126x80xi32, #tpu.memory_space<hbm>> -> memref<1x1x126x80xi32, #tpu.memory_space<hbm>>
      %dma_wait3A_281 = tpu.memref_squeeze %dma_wait3A_280 : memref<1x1x126x80xi32, #tpu.memory_space<hbm>> -> memref<126x80xi32, #tpu.memory_space<hbm>>
      %dma_wait3A_282 = arith.constant 0 : i32
      %dma_wait3A_283 = arith.constant 0 : i32
      %dma_wait3A_284 = tpu.memref_slice %arg3[%arg1, %run_scoped3A_224, %dma_wait3A_282, %dma_wait3A_283] : memref<16x2x126x80xi32, #tpu.memory_space<hbm>> -> memref<1x1x126x80xi32, #tpu.memory_space<hbm>>
      %dma_wait3A_285 = tpu.memref_squeeze %dma_wait3A_284 : memref<1x1x126x80xi32, #tpu.memory_space<hbm>> -> memref<126x80xi32, #tpu.memory_space<hbm>>
      tpu.wait_dma2 semaphore(%run_scoped3A_269 : memref<!tpu.dma_semaphore, #tpu.memory_space<semaphore_mem>>) src(%dma_wait3A_285 : memref<126x80xi32, #tpu.memory_space<hbm>>) dst(%arg8 : memref<126x80xi32, #tpu.memory_space<vmem>>)
      tpu.yield
    }) : () -> ()
    %run_scoped3A_225 = arith.constant 1 : i32
    "tpu.region"() ({
      %run_scoped3A_269 = tpu.sem_alloc : memref<!tpu.dma_semaphore, #tpu.memory_space<semaphore_mem>>
      %dma_start3A_270 = arith.constant 0 : i32
      %dma_start3A_271 = arith.constant 0 : i32
      %dma_start3A_272 = tpu.memref_slice %arg4[%arg0, %arg1, %run_scoped3A_225, %dma_start3A_270, %dma_start3A_271] : memref<2x16x2x126x80xi32, #tpu.memory_space<hbm>> -> memref<1x1x1x126x80xi32, #tpu.memory_space<hbm>>
      %dma_start3A_273 = tpu.memref_squeeze %dma_start3A_272 : memref<1x1x1x126x80xi32, #tpu.memory_space<hbm>> -> memref<126x80xi32, #tpu.memory_space<hbm>>
      %dma_start3A_274 = arith.constant 0 : i32
      %dma_start3A_275 = arith.constant 0 : i32
      %dma_start3A_276 = tpu.memref_slice %arg4[%arg0, %arg1, %run_scoped3A_225, %dma_start3A_274, %dma_start3A_275] : memref<2x16x2x126x80xi32, #tpu.memory_space<hbm>> -> memref<1x1x1x126x80xi32, #tpu.memory_space<hbm>>
      %dma_start3A_277 = tpu.memref_squeeze %dma_start3A_276 : memref<1x1x1x126x80xi32, #tpu.memory_space<hbm>> -> memref<126x80xi32, #tpu.memory_space<hbm>>
      tpu.enqueue_dma source(%dma_start3A_277 : memref<126x80xi32, #tpu.memory_space<hbm>>) target(%arg9 : memref<126x80xi32, #tpu.memory_space<vmem>>) target_semaphore(%run_scoped3A_269 : memref<!tpu.dma_semaphore, #tpu.memory_space<semaphore_mem>>)
      %dma_wait3A_278 = arith.constant 0 : i32
      %dma_wait3A_279 = arith.constant 0 : i32
      %dma_wait3A_280 = tpu.memref_slice %arg4[%arg0, %arg1, %run_scoped3A_225, %dma_wait3A_278, %dma_wait3A_279] : memref<2x16x2x126x80xi32, #tpu.memory_space<hbm>> -> memref<1x1x1x126x80xi32, #tpu.memory_space<hbm>>
      %dma_wait3A_281 = tpu.memref_squeeze %dma_wait3A_280 : memref<1x1x1x126x80xi32, #tpu.memory_space<hbm>> -> memref<126x80xi32, #tpu.memory_space<hbm>>
      %dma_wait3A_282 = arith.constant 0 : i32
      %dma_wait3A_283 = arith.constant 0 : i32
      %dma_wait3A_284 = tpu.memref_slice %arg4[%arg0, %arg1, %run_scoped3A_225, %dma_wait3A_282, %dma_wait3A_283] : memref<2x16x2x126x80xi32, #tpu.memory_space<hbm>> -> memref<1x1x1x126x80xi32, #tpu.memory_space<hbm>>
      %dma_wait3A_285 = tpu.memref_squeeze %dma_wait3A_284 : memref<1x1x1x126x80xi32, #tpu.memory_space<hbm>> -> memref<126x80xi32, #tpu.memory_space<hbm>>
      tpu.wait_dma2 semaphore(%run_scoped3A_269 : memref<!tpu.dma_semaphore, #tpu.memory_space<semaphore_mem>>) src(%dma_wait3A_285 : memref<126x80xi32, #tpu.memory_space<hbm>>) dst(%arg9 : memref<126x80xi32, #tpu.memory_space<vmem>>)
      tpu.yield
    }) : () -> ()
    %dma_start3A_226 = arith.constant 0 : i32
    %dma_start3A_227 = arith.constant 0 : i32
    %dma_start3A_228 = arith.constant 0 : i32
    %dma_start3A_229 = arith.constant 0 : i32
    %dma_start3A_230 = tpu.memref_slice %arg10[%dma_start3A_227, %dma_start3A_228, %dma_start3A_229] : memref<2x80x128xf32, #tpu.memory_space<vmem>> -> memref<1x80x128xf32, #tpu.memory_space<vmem>>
    %dma_start3A_231 = tpu.memref_squeeze %dma_start3A_230 : memref<1x80x128xf32, #tpu.memory_space<vmem>> -> memref<80x128xf32, #tpu.memory_space<vmem>>
    %dma_start3A_232 = arith.constant 0 : i32
    %dma_start3A_233 = tpu.memref_slice %arg8[%dma_start3A_226, %dma_start3A_232] : memref<126x80xi32, #tpu.memory_space<vmem>> -> memref<1x80xi32, #tpu.memory_space<vmem>>
    %dma_start3A_234 = tpu.memref_squeeze %dma_start3A_233 : memref<1x80xi32, #tpu.memory_space<vmem>> -> memref<80xi32, #tpu.memory_space<vmem>>
    %dma_start3A_235 = arith.constant 0 : i32
    %dma_start3A_236 = arith.constant 0 : i32
    %dma_start3A_237 = tpu.memref_slice %arg2[%dma_start3A_235, %dma_start3A_236] : memref<10240x128xf32, #tpu.memory_space<hbm>> -> memref<10240x128xf32, #tpu.memory_space<hbm>>
    tpu.enqueue_indirect_dma source(%dma_start3A_237 : memref<10240x128xf32, #tpu.memory_space<hbm>>) target(%dma_start3A_231 : memref<80x128xf32, #tpu.memory_space<vmem>>) offsets(%dma_start3A_234 : memref<80xi32, #tpu.memory_space<vmem>>) semaphore(%arg15 : memref<!tpu.dma_semaphore, #tpu.memory_space<semaphore_mem>>)
    %scan3A_238 = arith.constant 0 : i32
    %scan3A_239 = arith.constant 0 : i32
    %scan3A_240 = arith.constant 63 : i32
    %scan3A_241 = arith.addi %scan3A_239, %scan3A_240 : i32
    %scan3A_242 = arith.constant 1 : i32
    scf.for %scan3A_269 = %scan3A_239 to %scan3A_241 step %scan3A_242  : i32 {
      %mul3A_270 = arith.constant 2 : i32
      %mul3A_271 = arith.muli %mul3A_270, %scan3A_269 : i32
      %add3A_272 = arith.constant 0 : i32
      %add3A_273 = arith.addi %mul3A_271, %add3A_272 : i32
      %gt3A = arith.constant 0 : i32
      %gt3A_274 = arith.cmpi sgt, %add3A_273, %gt3A : i32
      %convert_element_type3A = arith.extui %gt3A_274 : i1 to i32
      %cond3A = arith.constant 0 : i32
      %cond3A_275 = arith.cmpi ne, %convert_element_type3A, %cond3A : i32
      scf.if %cond3A_275 {
        %sub3A = arith.constant 1 : i32
        %sub3A_352 = arith.subi %add3A_273, %sub3A : i32
        %dma_wait3A_353 = arith.constant 1 : i32
        %dma_wait3A_354 = arith.constant 0 : i32
        %dma_wait3A_355 = arith.constant 0 : i32
        %dma_wait3A_356 = tpu.memref_slice %arg10[%dma_wait3A_353, %dma_wait3A_354, %dma_wait3A_355] : memref<2x80x128xf32, #tpu.memory_space<vmem>> -> memref<1x80x128xf32, #tpu.memory_space<vmem>>
        %dma_wait3A_357 = tpu.memref_squeeze %dma_wait3A_356 : memref<1x80x128xf32, #tpu.memory_space<vmem>> -> memref<80x128xf32, #tpu.memory_space<vmem>>
        %dma_wait3A_358 = arith.constant 0 : i32
        %dma_wait3A_359 = tpu.memref_slice %arg9[%sub3A_352, %dma_wait3A_358] : memref<126x80xi32, #tpu.memory_space<vmem>> -> memref<1x80xi32, #tpu.memory_space<vmem>>
        %dma_wait3A_360 = tpu.memref_squeeze %dma_wait3A_359 : memref<1x80xi32, #tpu.memory_space<vmem>> -> memref<80xi32, #tpu.memory_space<vmem>>
        %dma_wait3A_361 = arith.constant 0 : i32
        %dma_wait3A_362 = arith.constant 0 : i32
        %dma_wait3A_363 = tpu.memref_slice %arg13[%dma_wait3A_361, %dma_wait3A_362] : memref<5128x128xf32, #tpu.memory_space<vmem_shared>> -> memref<5128x128xf32, #tpu.memory_space<vmem_shared>>
        tpu.wait_indirect_dma semaphore(%arg18 : memref<!tpu.dma_semaphore, #tpu.memory_space<semaphore_mem>>) src(%dma_wait3A_357 : memref<80x128xf32, #tpu.memory_space<vmem>>) dst(%dma_wait3A_363 : memref<5128x128xf32, #tpu.memory_space<vmem_shared>>)
        %dma_wait3A_364 = arith.constant 0 : i32
        %dma_wait3A_365 = tpu.memref_slice %arg9[%sub3A_352, %dma_wait3A_364] : memref<126x80xi32, #tpu.memory_space<vmem>> -> memref<1x80xi32, #tpu.memory_space<vmem>>
        %dma_wait3A_366 = tpu.memref_squeeze %dma_wait3A_365 : memref<1x80xi32, #tpu.memory_space<vmem>> -> memref<80xi32, #tpu.memory_space<vmem>>
        %dma_wait3A_367 = arith.constant 0 : i32
        %dma_wait3A_368 = tpu.memref_slice %arg14[%dma_wait3A_367] : memref<5128xf32, #tpu.memory_space<vmem_shared>> -> memref<5128xf32, #tpu.memory_space<vmem_shared>>
        tpu.wait_indirect_dma semaphore(%arg20 : memref<!tpu.dma_semaphore, #tpu.memory_space<semaphore_mem>>) src(%arg11 : memref<80xf32, #tpu.memory_space<vmem>>) dst(%dma_wait3A_368 : memref<5128xf32, #tpu.memory_space<vmem_shared>>)
      } else {
      }
      %add3A_276 = arith.constant 1 : i32
      %add3A_277 = arith.addi %add3A_273, %add3A_276 : i32
      %lt3A = arith.constant 126 : i32
      %lt3A_278 = arith.cmpi slt, %add3A_277, %lt3A : i32
      %convert_element_type3A_279 = arith.extui %lt3A_278 : i1 to i32
      %cond3A_280 = arith.constant 0 : i32
      %cond3A_281 = arith.cmpi ne, %convert_element_type3A_279, %cond3A_280 : i32
      scf.if %cond3A_281 {
        %add3A_352 = arith.constant 1 : i32
        %add3A_353 = arith.addi %add3A_273, %add3A_352 : i32
        %dma_start3A_354 = arith.constant 1 : i32
        %dma_start3A_355 = arith.constant 0 : i32
        %dma_start3A_356 = arith.constant 0 : i32
        %dma_start3A_357 = tpu.memref_slice %arg10[%dma_start3A_354, %dma_start3A_355, %dma_start3A_356] : memref<2x80x128xf32, #tpu.memory_space<vmem>> -> memref<1x80x128xf32, #tpu.memory_space<vmem>>
        %dma_start3A_358 = tpu.memref_squeeze %dma_start3A_357 : memref<1x80x128xf32, #tpu.memory_space<vmem>> -> memref<80x128xf32, #tpu.memory_space<vmem>>
        %dma_start3A_359 = arith.constant 0 : i32
        %dma_start3A_360 = tpu.memref_slice %arg8[%add3A_353, %dma_start3A_359] : memref<126x80xi32, #tpu.memory_space<vmem>> -> memref<1x80xi32, #tpu.memory_space<vmem>>
        %dma_start3A_361 = tpu.memref_squeeze %dma_start3A_360 : memref<1x80xi32, #tpu.memory_space<vmem>> -> memref<80xi32, #tpu.memory_space<vmem>>
        %dma_start3A_362 = arith.constant 0 : i32
        %dma_start3A_363 = arith.constant 0 : i32
        %dma_start3A_364 = tpu.memref_slice %arg2[%dma_start3A_362, %dma_start3A_363] : memref<10240x128xf32, #tpu.memory_space<hbm>> -> memref<10240x128xf32, #tpu.memory_space<hbm>>
        tpu.enqueue_indirect_dma source(%dma_start3A_364 : memref<10240x128xf32, #tpu.memory_space<hbm>>) target(%dma_start3A_358 : memref<80x128xf32, #tpu.memory_space<vmem>>) offsets(%dma_start3A_361 : memref<80xi32, #tpu.memory_space<vmem>>) semaphore(%arg16 : memref<!tpu.dma_semaphore, #tpu.memory_space<semaphore_mem>>)
      } else {
      }
      %dma_wait3A_282 = arith.constant 0 : i32
      %dma_wait3A_283 = arith.constant 0 : i32
      %dma_wait3A_284 = arith.constant 0 : i32
      %dma_wait3A_285 = tpu.memref_slice %arg10[%dma_wait3A_282, %dma_wait3A_283, %dma_wait3A_284] : memref<2x80x128xf32, #tpu.memory_space<vmem>> -> memref<1x80x128xf32, #tpu.memory_space<vmem>>
      %dma_wait3A_286 = tpu.memref_squeeze %dma_wait3A_285 : memref<1x80x128xf32, #tpu.memory_space<vmem>> -> memref<80x128xf32, #tpu.memory_space<vmem>>
      %dma_wait3A_287 = arith.constant 0 : i32
      %dma_wait3A_288 = tpu.memref_slice %arg8[%add3A_273, %dma_wait3A_287] : memref<126x80xi32, #tpu.memory_space<vmem>> -> memref<1x80xi32, #tpu.memory_space<vmem>>
      %dma_wait3A_289 = tpu.memref_squeeze %dma_wait3A_288 : memref<1x80xi32, #tpu.memory_space<vmem>> -> memref<80xi32, #tpu.memory_space<vmem>>
      %dma_wait3A_290 = arith.constant 0 : i32
      %dma_wait3A_291 = arith.constant 0 : i32
      %dma_wait3A_292 = tpu.memref_slice %arg2[%dma_wait3A_290, %dma_wait3A_291] : memref<10240x128xf32, #tpu.memory_space<hbm>> -> memref<10240x128xf32, #tpu.memory_space<hbm>>
      tpu.wait_indirect_dma semaphore(%arg15 : memref<!tpu.dma_semaphore, #tpu.memory_space<semaphore_mem>>) src(%dma_wait3A_292 : memref<10240x128xf32, #tpu.memory_space<hbm>>) dst(%dma_wait3A_286 : memref<80x128xf32, #tpu.memory_space<vmem>>)
      %dma_start3A_293 = arith.constant 0 : i32
      %dma_start3A_294 = arith.constant 0 : i32
      %dma_start3A_295 = arith.constant 0 : i32
      %dma_start3A_296 = tpu.memref_slice %arg10[%dma_start3A_293, %dma_start3A_294, %dma_start3A_295] : memref<2x80x128xf32, #tpu.memory_space<vmem>> -> memref<1x80x128xf32, #tpu.memory_space<vmem>>
      %dma_start3A_297 = tpu.memref_squeeze %dma_start3A_296 : memref<1x80x128xf32, #tpu.memory_space<vmem>> -> memref<80x128xf32, #tpu.memory_space<vmem>>
      %dma_start3A_298 = arith.constant 0 : i32
      %dma_start3A_299 = tpu.memref_slice %arg9[%add3A_273, %dma_start3A_298] : memref<126x80xi32, #tpu.memory_space<vmem>> -> memref<1x80xi32, #tpu.memory_space<vmem>>
      %dma_start3A_300 = tpu.memref_squeeze %dma_start3A_299 : memref<1x80xi32, #tpu.memory_space<vmem>> -> memref<80xi32, #tpu.memory_space<vmem>>
      %dma_start3A_301 = arith.constant 0 : i32
      %dma_start3A_302 = arith.constant 0 : i32
      %dma_start3A_303 = tpu.memref_slice %arg13[%dma_start3A_301, %dma_start3A_302] : memref<5128x128xf32, #tpu.memory_space<vmem_shared>> -> memref<5128x128xf32, #tpu.memory_space<vmem_shared>>
      tpu.enqueue_indirect_dma source(%dma_start3A_297 : memref<80x128xf32, #tpu.memory_space<vmem>>) target(%dma_start3A_303 : memref<5128x128xf32, #tpu.memory_space<vmem_shared>>) offsets(%dma_start3A_300 : memref<80xi32, #tpu.memory_space<vmem>>) semaphore(%arg17 : memref<!tpu.dma_semaphore, #tpu.memory_space<semaphore_mem>>) {add = true}
      %dma_start3A_304 = arith.constant 0 : i32
      %dma_start3A_305 = tpu.memref_slice %arg9[%add3A_273, %dma_start3A_304] : memref<126x80xi32, #tpu.memory_space<vmem>> -> memref<1x80xi32, #tpu.memory_space<vmem>>
      %dma_start3A_306 = tpu.memref_squeeze %dma_start3A_305 : memref<1x80xi32, #tpu.memory_space<vmem>> -> memref<80xi32, #tpu.memory_space<vmem>>
      %dma_start3A_307 = arith.constant 0 : i32
      %dma_start3A_308 = tpu.memref_slice %arg14[%dma_start3A_307] : memref<5128xf32, #tpu.memory_space<vmem_shared>> -> memref<5128xf32, #tpu.memory_space<vmem_shared>>
      tpu.enqueue_indirect_dma source(%arg11 : memref<80xf32, #tpu.memory_space<vmem>>) target(%dma_start3A_308 : memref<5128xf32, #tpu.memory_space<vmem_shared>>) offsets(%dma_start3A_306 : memref<80xi32, #tpu.memory_space<vmem>>) semaphore(%arg19 : memref<!tpu.dma_semaphore, #tpu.memory_space<semaphore_mem>>) {add = true}
      %mul3A_309 = arith.constant 2 : i32
      %mul3A_310 = arith.muli %mul3A_309, %scan3A_269 : i32
      %add3A_311 = arith.constant 1 : i32
      %add3A_312 = arith.addi %mul3A_310, %add3A_311 : i32
      %gt3A_313 = arith.constant 0 : i32
      %gt3A_314 = arith.cmpi sgt, %add3A_312, %gt3A_313 : i32
      %convert_element_type3A_315 = arith.extui %gt3A_314 : i1 to i32
      %cond3A_316 = arith.constant 0 : i32
      %cond3A_317 = arith.cmpi ne, %convert_element_type3A_315, %cond3A_316 : i32
      scf.if %cond3A_317 {
        %sub3A = arith.constant 1 : i32
        %sub3A_352 = arith.subi %add3A_312, %sub3A : i32
        %dma_wait3A_353 = arith.constant 0 : i32
        %dma_wait3A_354 = arith.constant 0 : i32
        %dma_wait3A_355 = arith.constant 0 : i32
        %dma_wait3A_356 = tpu.memref_slice %arg10[%dma_wait3A_353, %dma_wait3A_354, %dma_wait3A_355] : memref<2x80x128xf32, #tpu.memory_space<vmem>> -> memref<1x80x128xf32, #tpu.memory_space<vmem>>
        %dma_wait3A_357 = tpu.memref_squeeze %dma_wait3A_356 : memref<1x80x128xf32, #tpu.memory_space<vmem>> -> memref<80x128xf32, #tpu.memory_space<vmem>>
        %dma_wait3A_358 = arith.constant 0 : i32
        %dma_wait3A_359 = tpu.memref_slice %arg9[%sub3A_352, %dma_wait3A_358] : memref<126x80xi32, #tpu.memory_space<vmem>> -> memref<1x80xi32, #tpu.memory_space<vmem>>
        %dma_wait3A_360 = tpu.memref_squeeze %dma_wait3A_359 : memref<1x80xi32, #tpu.memory_space<vmem>> -> memref<80xi32, #tpu.memory_space<vmem>>
        %dma_wait3A_361 = arith.constant 0 : i32
        %dma_wait3A_362 = arith.constant 0 : i32
        %dma_wait3A_363 = tpu.memref_slice %arg13[%dma_wait3A_361, %dma_wait3A_362] : memref<5128x128xf32, #tpu.memory_space<vmem_shared>> -> memref<5128x128xf32, #tpu.memory_space<vmem_shared>>
        tpu.wait_indirect_dma semaphore(%arg17 : memref<!tpu.dma_semaphore, #tpu.memory_space<semaphore_mem>>) src(%dma_wait3A_357 : memref<80x128xf32, #tpu.memory_space<vmem>>) dst(%dma_wait3A_363 : memref<5128x128xf32, #tpu.memory_space<vmem_shared>>)
        %dma_wait3A_364 = arith.constant 0 : i32
        %dma_wait3A_365 = tpu.memref_slice %arg9[%sub3A_352, %dma_wait3A_364] : memref<126x80xi32, #tpu.memory_space<vmem>> -> memref<1x80xi32, #tpu.memory_space<vmem>>
        %dma_wait3A_366 = tpu.memref_squeeze %dma_wait3A_365 : memref<1x80xi32, #tpu.memory_space<vmem>> -> memref<80xi32, #tpu.memory_space<vmem>>
        %dma_wait3A_367 = arith.constant 0 : i32
        %dma_wait3A_368 = tpu.memref_slice %arg14[%dma_wait3A_367] : memref<5128xf32, #tpu.memory_space<vmem_shared>> -> memref<5128xf32, #tpu.memory_space<vmem_shared>>
        tpu.wait_indirect_dma semaphore(%arg19 : memref<!tpu.dma_semaphore, #tpu.memory_space<semaphore_mem>>) src(%arg11 : memref<80xf32, #tpu.memory_space<vmem>>) dst(%dma_wait3A_368 : memref<5128xf32, #tpu.memory_space<vmem_shared>>)
      } else {
      }
      %add3A_318 = arith.constant 1 : i32
      %add3A_319 = arith.addi %add3A_312, %add3A_318 : i32
      %lt3A_320 = arith.constant 126 : i32
      %lt3A_321 = arith.cmpi slt, %add3A_319, %lt3A_320 : i32
      %convert_element_type3A_322 = arith.extui %lt3A_321 : i1 to i32
      %cond3A_323 = arith.constant 0 : i32
      %cond3A_324 = arith.cmpi ne, %convert_element_type3A_322, %cond3A_323 : i32
      scf.if %cond3A_324 {
        %add3A_352 = arith.constant 1 : i32
        %add3A_353 = arith.addi %add3A_312, %add3A_352 : i32
        %dma_start3A_354 = arith.constant 0 : i32
        %dma_start3A_355 = arith.constant 0 : i32
        %dma_start3A_356 = arith.constant 0 : i32
        %dma_start3A_357 = tpu.memref_slice %arg10[%dma_start3A_354, %dma_start3A_355, %dma_start3A_356] : memref<2x80x128xf32, #tpu.memory_space<vmem>> -> memref<1x80x128xf32, #tpu.memory_space<vmem>>
        %dma_start3A_358 = tpu.memref_squeeze %dma_start3A_357 : memref<1x80x128xf32, #tpu.memory_space<vmem>> -> memref<80x128xf32, #tpu.memory_space<vmem>>
        %dma_start3A_359 = arith.constant 0 : i32
        %dma_start3A_360 = tpu.memref_slice %arg8[%add3A_353, %dma_start3A_359] : memref<126x80xi32, #tpu.memory_space<vmem>> -> memref<1x80xi32, #tpu.memory_space<vmem>>
        %dma_start3A_361 = tpu.memref_squeeze %dma_start3A_360 : memref<1x80xi32, #tpu.memory_space<vmem>> -> memref<80xi32, #tpu.memory_space<vmem>>
        %dma_start3A_362 = arith.constant 0 : i32
        %dma_start3A_363 = arith.constant 0 : i32
        %dma_start3A_364 = tpu.memref_slice %arg2[%dma_start3A_362, %dma_start3A_363] : memref<10240x128xf32, #tpu.memory_space<hbm>> -> memref<10240x128xf32, #tpu.memory_space<hbm>>
        tpu.enqueue_indirect_dma source(%dma_start3A_364 : memref<10240x128xf32, #tpu.memory_space<hbm>>) target(%dma_start3A_358 : memref<80x128xf32, #tpu.memory_space<vmem>>) offsets(%dma_start3A_361 : memref<80xi32, #tpu.memory_space<vmem>>) semaphore(%arg15 : memref<!tpu.dma_semaphore, #tpu.memory_space<semaphore_mem>>)
      } else {
      }
      %dma_wait3A_325 = arith.constant 1 : i32
      %dma_wait3A_326 = arith.constant 0 : i32
      %dma_wait3A_327 = arith.constant 0 : i32
      %dma_wait3A_328 = tpu.memref_slice %arg10[%dma_wait3A_325, %dma_wait3A_326, %dma_wait3A_327] : memref<2x80x128xf32, #tpu.memory_space<vmem>> -> memref<1x80x128xf32, #tpu.memory_space<vmem>>
      %dma_wait3A_329 = tpu.memref_squeeze %dma_wait3A_328 : memref<1x80x128xf32, #tpu.memory_space<vmem>> -> memref<80x128xf32, #tpu.memory_space<vmem>>
      %dma_wait3A_330 = arith.constant 0 : i32
      %dma_wait3A_331 = tpu.memref_slice %arg8[%add3A_312, %dma_wait3A_330] : memref<126x80xi32, #tpu.memory_space<vmem>> -> memref<1x80xi32, #tpu.memory_space<vmem>>
      %dma_wait3A_332 = tpu.memref_squeeze %dma_wait3A_331 : memref<1x80xi32, #tpu.memory_space<vmem>> -> memref<80xi32, #tpu.memory_space<vmem>>
      %dma_wait3A_333 = arith.constant 0 : i32
      %dma_wait3A_334 = arith.constant 0 : i32
      %dma_wait3A_335 = tpu.memref_slice %arg2[%dma_wait3A_333, %dma_wait3A_334] : memref<10240x128xf32, #tpu.memory_space<hbm>> -> memref<10240x128xf32, #tpu.memory_space<hbm>>
      tpu.wait_indirect_dma semaphore(%arg16 : memref<!tpu.dma_semaphore, #tpu.memory_space<semaphore_mem>>) src(%dma_wait3A_335 : memref<10240x128xf32, #tpu.memory_space<hbm>>) dst(%dma_wait3A_329 : memref<80x128xf32, #tpu.memory_space<vmem>>)
      %dma_start3A_336 = arith.constant 1 : i32
      %dma_start3A_337 = arith.constant 0 : i32
      %dma_start3A_338 = arith.constant 0 : i32
      %dma_start3A_339 = tpu.memref_slice %arg10[%dma_start3A_336, %dma_start3A_337, %dma_start3A_338] : memref<2x80x128xf32, #tpu.memory_space<vmem>> -> memref<1x80x128xf32, #tpu.memory_space<vmem>>
      %dma_start3A_340 = tpu.memref_squeeze %dma_start3A_339 : memref<1x80x128xf32, #tpu.memory_space<vmem>> -> memref<80x128xf32, #tpu.memory_space<vmem>>
      %dma_start3A_341 = arith.constant 0 : i32
      %dma_start3A_342 = tpu.memref_slice %arg9[%add3A_312, %dma_start3A_341] : memref<126x80xi32, #tpu.memory_space<vmem>> -> memref<1x80xi32, #tpu.memory_space<vmem>>
      %dma_start3A_343 = tpu.memref_squeeze %dma_start3A_342 : memref<1x80xi32, #tpu.memory_space<vmem>> -> memref<80xi32, #tpu.memory_space<vmem>>
      %dma_start3A_344 = arith.constant 0 : i32
      %dma_start3A_345 = arith.constant 0 : i32
      %dma_start3A_346 = tpu.memref_slice %arg13[%dma_start3A_344, %dma_start3A_345] : memref<5128x128xf32, #tpu.memory_space<vmem_shared>> -> memref<5128x128xf32, #tpu.memory_space<vmem_shared>>
      tpu.enqueue_indirect_dma source(%dma_start3A_340 : memref<80x128xf32, #tpu.memory_space<vmem>>) target(%dma_start3A_346 : memref<5128x128xf32, #tpu.memory_space<vmem_shared>>) offsets(%dma_start3A_343 : memref<80xi32, #tpu.memory_space<vmem>>) semaphore(%arg18 : memref<!tpu.dma_semaphore, #tpu.memory_space<semaphore_mem>>) {add = true}
      %dma_start3A_347 = arith.constant 0 : i32
      %dma_start3A_348 = tpu.memref_slice %arg9[%add3A_312, %dma_start3A_347] : memref<126x80xi32, #tpu.memory_space<vmem>> -> memref<1x80xi32, #tpu.memory_space<vmem>>
      %dma_start3A_349 = tpu.memref_squeeze %dma_start3A_348 : memref<1x80xi32, #tpu.memory_space<vmem>> -> memref<80xi32, #tpu.memory_space<vmem>>
      %dma_start3A_350 = arith.constant 0 : i32
      %dma_start3A_351 = tpu.memref_slice %arg14[%dma_start3A_350] : memref<5128xf32, #tpu.memory_space<vmem_shared>> -> memref<5128xf32, #tpu.memory_space<vmem_shared>>
      tpu.enqueue_indirect_dma source(%arg11 : memref<80xf32, #tpu.memory_space<vmem>>) target(%dma_start3A_351 : memref<5128xf32, #tpu.memory_space<vmem_shared>>) offsets(%dma_start3A_349 : memref<80xi32, #tpu.memory_space<vmem>>) semaphore(%arg20 : memref<!tpu.dma_semaphore, #tpu.memory_space<semaphore_mem>>) {add = true}
    }
    %scan3A_243 = arith.constant 63 : i32
    %dma_wait3A_244 = arith.constant 1 : i32
    %dma_wait3A_245 = arith.constant 125 : i32
    %dma_wait3A_246 = arith.constant 0 : i32
    %dma_wait3A_247 = arith.constant 0 : i32
    %dma_wait3A_248 = tpu.memref_slice %arg10[%dma_wait3A_244, %dma_wait3A_246, %dma_wait3A_247] : memref<2x80x128xf32, #tpu.memory_space<vmem>> -> memref<1x80x128xf32, #tpu.memory_space<vmem>>
    %dma_wait3A_249 = tpu.memref_squeeze %dma_wait3A_248 : memref<1x80x128xf32, #tpu.memory_space<vmem>> -> memref<80x128xf32, #tpu.memory_space<vmem>>
    %dma_wait3A_250 = arith.constant 0 : i32
    %dma_wait3A_251 = tpu.memref_slice %arg9[%dma_wait3A_245, %dma_wait3A_250] : memref<126x80xi32, #tpu.memory_space<vmem>> -> memref<1x80xi32, #tpu.memory_space<vmem>>
    %dma_wait3A_252 = tpu.memref_squeeze %dma_wait3A_251 : memref<1x80xi32, #tpu.memory_space<vmem>> -> memref<80xi32, #tpu.memory_space<vmem>>
    %dma_wait3A_253 = arith.constant 0 : i32
    %dma_wait3A_254 = arith.constant 0 : i32
    %dma_wait3A_255 = tpu.memref_slice %arg13[%dma_wait3A_253, %dma_wait3A_254] : memref<5128x128xf32, #tpu.memory_space<vmem_shared>> -> memref<5128x128xf32, #tpu.memory_space<vmem_shared>>
    tpu.wait_indirect_dma semaphore(%arg18 : memref<!tpu.dma_semaphore, #tpu.memory_space<semaphore_mem>>) src(%dma_wait3A_249 : memref<80x128xf32, #tpu.memory_space<vmem>>) dst(%dma_wait3A_255 : memref<5128x128xf32, #tpu.memory_space<vmem_shared>>)
    %dma_wait3A_256 = arith.constant 125 : i32
    %dma_wait3A_257 = arith.constant 0 : i32
    %dma_wait3A_258 = tpu.memref_slice %arg9[%dma_wait3A_256, %dma_wait3A_257] : memref<126x80xi32, #tpu.memory_space<vmem>> -> memref<1x80xi32, #tpu.memory_space<vmem>>
    %dma_wait3A_259 = tpu.memref_squeeze %dma_wait3A_258 : memref<1x80xi32, #tpu.memory_space<vmem>> -> memref<80xi32, #tpu.memory_space<vmem>>
    %dma_wait3A_260 = arith.constant 0 : i32
    %dma_wait3A_261 = tpu.memref_slice %arg14[%dma_wait3A_260] : memref<5128xf32, #tpu.memory_space<vmem_shared>> -> memref<5128xf32, #tpu.memory_space<vmem_shared>>
    tpu.wait_indirect_dma semaphore(%arg20 : memref<!tpu.dma_semaphore, #tpu.memory_space<semaphore_mem>>) src(%arg11 : memref<80xf32, #tpu.memory_space<vmem>>) dst(%dma_wait3A_261 : memref<5128xf32, #tpu.memory_space<vmem_shared>>)
    %barrier3A_262 = arith.constant 0 : index
    tpu.barrier barrier_id(%barrier3A_262)
    %mul3A_263 = arith.constant 5120 : i32
    %mul3A_264 = arith.muli %arg0, %mul3A_263 : i32
    %add3A = arith.addi %mul3A_264, %mul3A_0 : i32
    "tpu.region"() ({
      %run_scoped3A_269 = tpu.sem_alloc : memref<!tpu.dma_semaphore, #tpu.memory_space<semaphore_mem>>
      %dma_start3A_270 = arith.constant 0 : i32
      %dma_start3A_271 = tpu.memref_slice %arg6[%add3A, %dma_start3A_270] : memref<10240x128xf32, #tpu.memory_space<hbm>> -> memref<320x128xf32, #tpu.memory_space<hbm>>
      %dma_start3A_272 = arith.constant 0 : i32
      %dma_start3A_273 = tpu.memref_slice %arg13[%mul3A_0, %dma_start3A_272] : memref<5128x128xf32, #tpu.memory_space<vmem_shared>> -> memref<320x128xf32, #tpu.memory_space<vmem_shared>>
      tpu.enqueue_dma source(%dma_start3A_273 : memref<320x128xf32, #tpu.memory_space<vmem_shared>>) target(%dma_start3A_271 : memref<320x128xf32, #tpu.memory_space<hbm>>) target_semaphore(%run_scoped3A_269 : memref<!tpu.dma_semaphore, #tpu.memory_space<semaphore_mem>>)
      %dma_wait3A_274 = arith.constant 0 : i32
      %dma_wait3A_275 = tpu.memref_slice %arg6[%add3A, %dma_wait3A_274] : memref<10240x128xf32, #tpu.memory_space<hbm>> -> memref<320x128xf32, #tpu.memory_space<hbm>>
      %dma_wait3A_276 = arith.constant 0 : i32
      %dma_wait3A_277 = tpu.memref_slice %arg13[%mul3A_0, %dma_wait3A_276] : memref<5128x128xf32, #tpu.memory_space<vmem_shared>> -> memref<320x128xf32, #tpu.memory_space<vmem_shared>>
      tpu.wait_dma2 semaphore(%run_scoped3A_269 : memref<!tpu.dma_semaphore, #tpu.memory_space<semaphore_mem>>) src(%dma_wait3A_277 : memref<320x128xf32, #tpu.memory_space<vmem_shared>>) dst(%dma_wait3A_275 : memref<320x128xf32, #tpu.memory_space<hbm>>)
      tpu.yield
    }) : () -> ()
    %run_scoped3A_265 = arith.constant 0 : i32
    "tpu.region"() ({
      %run_scoped3A_269 = tpu.sem_alloc : memref<!tpu.dma_semaphore, #tpu.memory_space<semaphore_mem>>
      %dma_start3A_270 = arith.constant 0 : i32
      %dma_start3A_271 = tpu.memref_slice %arg12[%run_scoped3A_265, %dma_start3A_270] : memref<1x320xf32, #tpu.memory_space<vmem>> -> memref<1x320xf32, #tpu.memory_space<vmem>>
      %dma_start3A_272 = tpu.memref_squeeze %dma_start3A_271 : memref<1x320xf32, #tpu.memory_space<vmem>> -> memref<320xf32, #tpu.memory_space<vmem>>
      %dma_start3A_273 = tpu.memref_slice %arg14[%mul3A_0] : memref<5128xf32, #tpu.memory_space<vmem_shared>> -> memref<320xf32, #tpu.memory_space<vmem_shared>>
      %dma_start3A_274 = arith.constant 0 : i32
      %dma_start3A_275 = tpu.memref_slice %arg12[%run_scoped3A_265, %dma_start3A_274] : memref<1x320xf32, #tpu.memory_space<vmem>> -> memref<1x320xf32, #tpu.memory_space<vmem>>
      %dma_start3A_276 = tpu.memref_squeeze %dma_start3A_275 : memref<1x320xf32, #tpu.memory_space<vmem>> -> memref<320xf32, #tpu.memory_space<vmem>>
      %dma_start3A_277 = tpu.memref_slice %arg14[%mul3A_0] : memref<5128xf32, #tpu.memory_space<vmem_shared>> -> memref<320xf32, #tpu.memory_space<vmem_shared>>
      tpu.enqueue_dma source(%dma_start3A_277 : memref<320xf32, #tpu.memory_space<vmem_shared>>) target(%dma_start3A_276 : memref<320xf32, #tpu.memory_space<vmem>>) target_semaphore(%run_scoped3A_269 : memref<!tpu.dma_semaphore, #tpu.memory_space<semaphore_mem>>)
      %dma_wait3A_278 = arith.constant 0 : i32
      %dma_wait3A_279 = tpu.memref_slice %arg12[%run_scoped3A_265, %dma_wait3A_278] : memref<1x320xf32, #tpu.memory_space<vmem>> -> memref<1x320xf32, #tpu.memory_space<vmem>>
      %dma_wait3A_280 = tpu.memref_squeeze %dma_wait3A_279 : memref<1x320xf32, #tpu.memory_space<vmem>> -> memref<320xf32, #tpu.memory_space<vmem>>
      %dma_wait3A_281 = tpu.memref_slice %arg14[%mul3A_0] : memref<5128xf32, #tpu.memory_space<vmem_shared>> -> memref<320xf32, #tpu.memory_space<vmem_shared>>
      %dma_wait3A_282 = arith.constant 0 : i32
      %dma_wait3A_283 = tpu.memref_slice %arg12[%run_scoped3A_265, %dma_wait3A_282] : memref<1x320xf32, #tpu.memory_space<vmem>> -> memref<1x320xf32, #tpu.memory_space<vmem>>
      %dma_wait3A_284 = tpu.memref_squeeze %dma_wait3A_283 : memref<1x320xf32, #tpu.memory_space<vmem>> -> memref<320xf32, #tpu.memory_space<vmem>>
      %dma_wait3A_285 = tpu.memref_slice %arg14[%mul3A_0] : memref<5128xf32, #tpu.memory_space<vmem_shared>> -> memref<320xf32, #tpu.memory_space<vmem_shared>>
      tpu.wait_dma2 semaphore(%run_scoped3A_269 : memref<!tpu.dma_semaphore, #tpu.memory_space<semaphore_mem>>) src(%dma_wait3A_285 : memref<320xf32, #tpu.memory_space<vmem_shared>>) dst(%dma_wait3A_284 : memref<320xf32, #tpu.memory_space<vmem>>)
      tpu.yield
    }) : () -> ()
    %mul3A_266 = arith.constant 16 : i32
    %mul3A_267 = arith.muli %arg0, %mul3A_266 : i32
    %add3A_268 = arith.addi %mul3A_267, %arg1 : i32
    "tpu.region"() ({
      %run_scoped3A_269 = tpu.sem_alloc : memref<!tpu.dma_semaphore, #tpu.memory_space<semaphore_mem>>
      %dma_start3A_270 = arith.constant 0 : i32
      %dma_start3A_271 = arith.constant 0 : i32
      %dma_start3A_272 = tpu.memref_slice %arg7[%add3A_268, %dma_start3A_270, %dma_start3A_271] : memref<32x1x320xf32, #tpu.memory_space<hbm>> -> memref<1x1x320xf32, #tpu.memory_space<hbm>>
      %dma_start3A_273 = tpu.memref_squeeze %dma_start3A_272 : memref<1x1x320xf32, #tpu.memory_space<hbm>> -> memref<1x320xf32, #tpu.memory_space<hbm>>
      %dma_start3A_274 = arith.constant 0 : i32
      %dma_start3A_275 = arith.constant 0 : i32
      %dma_start3A_276 = tpu.memref_slice %arg7[%add3A_268, %dma_start3A_274, %dma_start3A_275] : memref<32x1x320xf32, #tpu.memory_space<hbm>> -> memref<1x1x320xf32, #tpu.memory_space<hbm>>
      %dma_start3A_277 = tpu.memref_squeeze %dma_start3A_276 : memref<1x1x320xf32, #tpu.memory_space<hbm>> -> memref<1x320xf32, #tpu.memory_space<hbm>>
      tpu.enqueue_dma source(%arg12 : memref<1x320xf32, #tpu.memory_space<vmem>>) target(%dma_start3A_277 : memref<1x320xf32, #tpu.memory_space<hbm>>) target_semaphore(%run_scoped3A_269 : memref<!tpu.dma_semaphore, #tpu.memory_space<semaphore_mem>>)
      %dma_wait3A_278 = arith.constant 0 : i32
      %dma_wait3A_279 = arith.constant 0 : i32
      %dma_wait3A_280 = tpu.memref_slice %arg7[%add3A_268, %dma_wait3A_278, %dma_wait3A_279] : memref<32x1x320xf32, #tpu.memory_space<hbm>> -> memref<1x1x320xf32, #tpu.memory_space<hbm>>
      %dma_wait3A_281 = tpu.memref_squeeze %dma_wait3A_280 : memref<1x1x320xf32, #tpu.memory_space<hbm>> -> memref<1x320xf32, #tpu.memory_space<hbm>>
      %dma_wait3A_282 = arith.constant 0 : i32
      %dma_wait3A_283 = arith.constant 0 : i32
      %dma_wait3A_284 = tpu.memref_slice %arg7[%add3A_268, %dma_wait3A_282, %dma_wait3A_283] : memref<32x1x320xf32, #tpu.memory_space<hbm>> -> memref<1x1x320xf32, #tpu.memory_space<hbm>>
      %dma_wait3A_285 = tpu.memref_squeeze %dma_wait3A_284 : memref<1x1x320xf32, #tpu.memory_space<hbm>> -> memref<1x320xf32, #tpu.memory_space<hbm>>
      tpu.wait_dma2 semaphore(%run_scoped3A_269 : memref<!tpu.dma_semaphore, #tpu.memory_space<semaphore_mem>>) src(%arg12 : memref<1x320xf32, #tpu.memory_space<vmem>>) dst(%dma_wait3A_285 : memref<1x320xf32, #tpu.memory_space<hbm>>)
      tpu.yield
    }) : () -> ()
    return
  }
}

#map = affine_map<(d0, d1) -> (0, 0)>
#map1 = affine_map<(d0, d1) -> (0, 0, 0, 0)>
#map2 = affine_map<(d0, d1) -> (0, 0, 0, 0, 0)>
module attributes {stable_mosaic.version = 14 : i64} {
  func.func @body(%arg0: i32, %arg1: i32, %arg2: memref<10240x128xf32, #tpu.memory_space<hbm>>, %arg3: memref<16x2x126x80xi32, #tpu.memory_space<hbm>>, %arg4: memref<2x16x2x126x80xi32, #tpu.memory_space<hbm>>, %arg5: memref<320x128xf32, #tpu.memory_space<hbm>>, %arg6: memref<10240x128xf32, #tpu.memory_space<hbm>>, %arg7: memref<126x80xi32, #tpu.memory_space<vmem>>, %arg8: memref<126x80xi32, #tpu.memory_space<vmem>>, %arg9: memref<2x80x128xf32, #tpu.memory_space<vmem>>, %arg10: memref<80xf32, #tpu.memory_space<vmem>>, %arg11: memref<1x320xf32, #tpu.memory_space<vmem>>, %arg12: memref<5128x128xf32, #tpu.memory_space<vmem_shared>>, %arg13: memref<5128xf32, #tpu.memory_space<vmem_shared>>, %arg14: memref<!tpu.dma_semaphore, #tpu.memory_space<semaphore_mem>>, %arg15: memref<!tpu.dma_semaphore, #tpu.memory_space<semaphore_mem>>, %arg16: memref<!tpu.dma_semaphore, #tpu.memory_space<semaphore_mem>>, %arg17: memref<!tpu.dma_semaphore, #tpu.memory_space<semaphore_mem>>, %arg18: memref<!tpu.dma_semaphore, #tpu.memory_space<semaphore_mem>>, %arg19: memref<!tpu.dma_semaphore, #tpu.memory_space<semaphore_mem>>) attributes {dimension_semantics = [#tpu.dimension_semantics<core_parallel>, #tpu.dimension_semantics<subcore_parallel>], iteration_bounds = array<i64: 2, 16>, scalar_prefetch = 0 : i64, scratch_operands = 13 : i64, tpu.core_type = #tpu.core_type<sc_vector_subcore>, window_params = [{transform_indices = #map}, {transform_indices = #map1}, {transform_indices = #map2}, {transform_indices = #map}, {transform_indices = #map}]} {
    %mul3A = arith.constant 320 : i32
    %mul3A_0 = arith.muli %arg1, %mul3A : i32
    "tpu.region"() ({
      %run_scoped3A_64 = tpu.sem_alloc : memref<!tpu.dma_semaphore, #tpu.memory_space<semaphore_mem>>
      %dma_start3A_65 = arith.constant 0 : i32
      %dma_start3A_66 = tpu.memref_slice %arg12[%mul3A_0, %dma_start3A_65] : memref<5128x128xf32, #tpu.memory_space<vmem_shared>> -> memref<320x128xf32, #tpu.memory_space<vmem_shared>>
      tpu.enqueue_dma source(%arg5 : memref<320x128xf32, #tpu.memory_space<hbm>>) target(%dma_start3A_66 : memref<320x128xf32, #tpu.memory_space<vmem_shared>>) target_semaphore(%run_scoped3A_64 : memref<!tpu.dma_semaphore, #tpu.memory_space<semaphore_mem>>)
      %dma_wait3A_67 = arith.constant 0 : i32
      %dma_wait3A_68 = tpu.memref_slice %arg12[%mul3A_0, %dma_wait3A_67] : memref<5128x128xf32, #tpu.memory_space<vmem_shared>> -> memref<320x128xf32, #tpu.memory_space<vmem_shared>>
      tpu.wait_dma2 semaphore(%run_scoped3A_64 : memref<!tpu.dma_semaphore, #tpu.memory_space<semaphore_mem>>) src(%arg5 : memref<320x128xf32, #tpu.memory_space<hbm>>) dst(%dma_wait3A_68 : memref<320x128xf32, #tpu.memory_space<vmem_shared>>)
      tpu.yield
    }) : () -> ()
    %barrier3A = arith.constant 0 : index
    tpu.barrier barrier_id(%barrier3A)
    %run_scoped3A = arith.constant 0 : i32
    "tpu.region"() ({
      %run_scoped3A_64 = tpu.sem_alloc : memref<!tpu.dma_semaphore, #tpu.memory_space<semaphore_mem>>
      %dma_start3A_65 = arith.constant 0 : i32
      %dma_start3A_66 = arith.constant 0 : i32
      %dma_start3A_67 = tpu.memref_slice %arg3[%arg1, %run_scoped3A, %dma_start3A_65, %dma_start3A_66] : memref<16x2x126x80xi32, #tpu.memory_space<hbm>> -> memref<1x1x126x80xi32, #tpu.memory_space<hbm>>
      %dma_start3A_68 = tpu.memref_squeeze %dma_start3A_67 : memref<1x1x126x80xi32, #tpu.memory_space<hbm>> -> memref<126x80xi32, #tpu.memory_space<hbm>>
      %dma_start3A_69 = arith.constant 0 : i32
      %dma_start3A_70 = arith.constant 0 : i32
      %dma_start3A_71 = tpu.memref_slice %arg3[%arg1, %run_scoped3A, %dma_start3A_69, %dma_start3A_70] : memref<16x2x126x80xi32, #tpu.memory_space<hbm>> -> memref<1x1x126x80xi32, #tpu.memory_space<hbm>>
      %dma_start3A_72 = tpu.memref_squeeze %dma_start3A_71 : memref<1x1x126x80xi32, #tpu.memory_space<hbm>> -> memref<126x80xi32, #tpu.memory_space<hbm>>
      tpu.enqueue_dma source(%dma_start3A_72 : memref<126x80xi32, #tpu.memory_space<hbm>>) target(%arg7 : memref<126x80xi32, #tpu.memory_space<vmem>>) target_semaphore(%run_scoped3A_64 : memref<!tpu.dma_semaphore, #tpu.memory_space<semaphore_mem>>)
      %dma_wait3A_73 = arith.constant 0 : i32
      %dma_wait3A_74 = arith.constant 0 : i32
      %dma_wait3A_75 = tpu.memref_slice %arg3[%arg1, %run_scoped3A, %dma_wait3A_73, %dma_wait3A_74] : memref<16x2x126x80xi32, #tpu.memory_space<hbm>> -> memref<1x1x126x80xi32, #tpu.memory_space<hbm>>
      %dma_wait3A_76 = tpu.memref_squeeze %dma_wait3A_75 : memref<1x1x126x80xi32, #tpu.memory_space<hbm>> -> memref<126x80xi32, #tpu.memory_space<hbm>>
      %dma_wait3A_77 = arith.constant 0 : i32
      %dma_wait3A_78 = arith.constant 0 : i32
      %dma_wait3A_79 = tpu.memref_slice %arg3[%arg1, %run_scoped3A, %dma_wait3A_77, %dma_wait3A_78] : memref<16x2x126x80xi32, #tpu.memory_space<hbm>> -> memref<1x1x126x80xi32, #tpu.memory_space<hbm>>
      %dma_wait3A_80 = tpu.memref_squeeze %dma_wait3A_79 : memref<1x1x126x80xi32, #tpu.memory_space<hbm>> -> memref<126x80xi32, #tpu.memory_space<hbm>>
      tpu.wait_dma2 semaphore(%run_scoped3A_64 : memref<!tpu.dma_semaphore, #tpu.memory_space<semaphore_mem>>) src(%dma_wait3A_80 : memref<126x80xi32, #tpu.memory_space<hbm>>) dst(%arg7 : memref<126x80xi32, #tpu.memory_space<vmem>>)
      tpu.yield
    }) : () -> ()
    %run_scoped3A_1 = arith.constant 0 : i32
    "tpu.region"() ({
      %run_scoped3A_64 = tpu.sem_alloc : memref<!tpu.dma_semaphore, #tpu.memory_space<semaphore_mem>>
      %dma_start3A_65 = arith.constant 0 : i32
      %dma_start3A_66 = arith.constant 0 : i32
      %dma_start3A_67 = tpu.memref_slice %arg4[%arg0, %arg1, %run_scoped3A_1, %dma_start3A_65, %dma_start3A_66] : memref<2x16x2x126x80xi32, #tpu.memory_space<hbm>> -> memref<1x1x1x126x80xi32, #tpu.memory_space<hbm>>
      %dma_start3A_68 = tpu.memref_squeeze %dma_start3A_67 : memref<1x1x1x126x80xi32, #tpu.memory_space<hbm>> -> memref<126x80xi32, #tpu.memory_space<hbm>>
      %dma_start3A_69 = arith.constant 0 : i32
      %dma_start3A_70 = arith.constant 0 : i32
      %dma_start3A_71 = tpu.memref_slice %arg4[%arg0, %arg1, %run_scoped3A_1, %dma_start3A_69, %dma_start3A_70] : memref<2x16x2x126x80xi32, #tpu.memory_space<hbm>> -> memref<1x1x1x126x80xi32, #tpu.memory_space<hbm>>
      %dma_start3A_72 = tpu.memref_squeeze %dma_start3A_71 : memref<1x1x1x126x80xi32, #tpu.memory_space<hbm>> -> memref<126x80xi32, #tpu.memory_space<hbm>>
      tpu.enqueue_dma source(%dma_start3A_72 : memref<126x80xi32, #tpu.memory_space<hbm>>) target(%arg8 : memref<126x80xi32, #tpu.memory_space<vmem>>) target_semaphore(%run_scoped3A_64 : memref<!tpu.dma_semaphore, #tpu.memory_space<semaphore_mem>>)
      %dma_wait3A_73 = arith.constant 0 : i32
      %dma_wait3A_74 = arith.constant 0 : i32
      %dma_wait3A_75 = tpu.memref_slice %arg4[%arg0, %arg1, %run_scoped3A_1, %dma_wait3A_73, %dma_wait3A_74] : memref<2x16x2x126x80xi32, #tpu.memory_space<hbm>> -> memref<1x1x1x126x80xi32, #tpu.memory_space<hbm>>
      %dma_wait3A_76 = tpu.memref_squeeze %dma_wait3A_75 : memref<1x1x1x126x80xi32, #tpu.memory_space<hbm>> -> memref<126x80xi32, #tpu.memory_space<hbm>>
      %dma_wait3A_77 = arith.constant 0 : i32
      %dma_wait3A_78 = arith.constant 0 : i32
      %dma_wait3A_79 = tpu.memref_slice %arg4[%arg0, %arg1, %run_scoped3A_1, %dma_wait3A_77, %dma_wait3A_78] : memref<2x16x2x126x80xi32, #tpu.memory_space<hbm>> -> memref<1x1x1x126x80xi32, #tpu.memory_space<hbm>>
      %dma_wait3A_80 = tpu.memref_squeeze %dma_wait3A_79 : memref<1x1x1x126x80xi32, #tpu.memory_space<hbm>> -> memref<126x80xi32, #tpu.memory_space<hbm>>
      tpu.wait_dma2 semaphore(%run_scoped3A_64 : memref<!tpu.dma_semaphore, #tpu.memory_space<semaphore_mem>>) src(%dma_wait3A_80 : memref<126x80xi32, #tpu.memory_space<hbm>>) dst(%arg8 : memref<126x80xi32, #tpu.memory_space<vmem>>)
      tpu.yield
    }) : () -> ()
    %dma_start3A = arith.constant 0 : i32
    %dma_start3A_2 = arith.constant 0 : i32
    %dma_start3A_3 = arith.constant 0 : i32
    %dma_start3A_4 = arith.constant 0 : i32
    %dma_start3A_5 = tpu.memref_slice %arg9[%dma_start3A_2, %dma_start3A_3, %dma_start3A_4] : memref<2x80x128xf32, #tpu.memory_space<vmem>> -> memref<1x80x128xf32, #tpu.memory_space<vmem>>
    %dma_start3A_6 = tpu.memref_squeeze %dma_start3A_5 : memref<1x80x128xf32, #tpu.memory_space<vmem>> -> memref<80x128xf32, #tpu.memory_space<vmem>>
    %dma_start3A_7 = arith.constant 0 : i32
    %dma_start3A_8 = tpu.memref_slice %arg7[%dma_start3A, %dma_start3A_7] : memref<126x80xi32, #tpu.memory_space<vmem>> -> memref<1x80xi32, #tpu.memory_space<vmem>>
    %dma_start3A_9 = tpu.memref_squeeze %dma_start3A_8 : memref<1x80xi32, #tpu.memory_space<vmem>> -> memref<80xi32, #tpu.memory_space<vmem>>
    %dma_start3A_10 = arith.constant 0 : i32
    %dma_start3A_11 = arith.constant 0 : i32
    %dma_start3A_12 = tpu.memref_slice %arg2[%dma_start3A_10, %dma_start3A_11] : memref<10240x128xf32, #tpu.memory_space<hbm>> -> memref<10240x128xf32, #tpu.memory_space<hbm>>
    tpu.enqueue_indirect_dma source(%dma_start3A_12 : memref<10240x128xf32, #tpu.memory_space<hbm>>) target(%dma_start3A_6 : memref<80x128xf32, #tpu.memory_space<vmem>>) offsets(%dma_start3A_9 : memref<80xi32, #tpu.memory_space<vmem>>) semaphore(%arg14 : memref<!tpu.dma_semaphore, #tpu.memory_space<semaphore_mem>>)
    %scan3A = arith.constant 0 : i32
    %scan3A_13 = arith.constant 0 : i32
    %scan3A_14 = arith.constant 63 : i32
    %scan3A_15 = arith.addi %scan3A_13, %scan3A_14 : i32
    %scan3A_16 = arith.constant 1 : i32
    scf.for %scan3A_64 = %scan3A_13 to %scan3A_15 step %scan3A_16  : i32 {
      %mul3A_65 = arith.constant 2 : i32
      %mul3A_66 = arith.muli %mul3A_65, %scan3A_64 : i32
      %add3A_67 = arith.constant 0 : i32
      %add3A_68 = arith.addi %mul3A_66, %add3A_67 : i32
      %gt3A = arith.constant 0 : i32
      %gt3A_69 = arith.cmpi sgt, %add3A_68, %gt3A : i32
      %convert_element_type3A = arith.extui %gt3A_69 : i1 to i32
      %cond3A = arith.constant 0 : i32
      %cond3A_70 = arith.cmpi ne, %convert_element_type3A, %cond3A : i32
      scf.if %cond3A_70 {
        %sub3A = arith.constant 1 : i32
        %sub3A_137 = arith.subi %add3A_68, %sub3A : i32
        %dma_wait3A_138 = arith.constant 1 : i32
        %dma_wait3A_139 = arith.constant 0 : i32
        %dma_wait3A_140 = arith.constant 0 : i32
        %dma_wait3A_141 = tpu.memref_slice %arg9[%dma_wait3A_138, %dma_wait3A_139, %dma_wait3A_140] : memref<2x80x128xf32, #tpu.memory_space<vmem>> -> memref<1x80x128xf32, #tpu.memory_space<vmem>>
        %dma_wait3A_142 = tpu.memref_squeeze %dma_wait3A_141 : memref<1x80x128xf32, #tpu.memory_space<vmem>> -> memref<80x128xf32, #tpu.memory_space<vmem>>
        %dma_wait3A_143 = arith.constant 0 : i32
        %dma_wait3A_144 = tpu.memref_slice %arg8[%sub3A_137, %dma_wait3A_143] : memref<126x80xi32, #tpu.memory_space<vmem>> -> memref<1x80xi32, #tpu.memory_space<vmem>>
        %dma_wait3A_145 = tpu.memref_squeeze %dma_wait3A_144 : memref<1x80xi32, #tpu.memory_space<vmem>> -> memref<80xi32, #tpu.memory_space<vmem>>
        %dma_wait3A_146 = arith.constant 0 : i32
        %dma_wait3A_147 = arith.constant 0 : i32
        %dma_wait3A_148 = tpu.memref_slice %arg12[%dma_wait3A_146, %dma_wait3A_147] : memref<5128x128xf32, #tpu.memory_space<vmem_shared>> -> memref<5128x128xf32, #tpu.memory_space<vmem_shared>>
        tpu.wait_indirect_dma semaphore(%arg17 : memref<!tpu.dma_semaphore, #tpu.memory_space<semaphore_mem>>) src(%dma_wait3A_142 : memref<80x128xf32, #tpu.memory_space<vmem>>) dst(%dma_wait3A_148 : memref<5128x128xf32, #tpu.memory_space<vmem_shared>>)
      } else {
      }
      %add3A_71 = arith.constant 1 : i32
      %add3A_72 = arith.addi %add3A_68, %add3A_71 : i32
      %lt3A = arith.constant 126 : i32
      %lt3A_73 = arith.cmpi slt, %add3A_72, %lt3A : i32
      %convert_element_type3A_74 = arith.extui %lt3A_73 : i1 to i32
      %cond3A_75 = arith.constant 0 : i32
      %cond3A_76 = arith.cmpi ne, %convert_element_type3A_74, %cond3A_75 : i32
      scf.if %cond3A_76 {
        %add3A_137 = arith.constant 1 : i32
        %add3A_138 = arith.addi %add3A_68, %add3A_137 : i32
        %dma_start3A_139 = arith.constant 1 : i32
        %dma_start3A_140 = arith.constant 0 : i32
        %dma_start3A_141 = arith.constant 0 : i32
        %dma_start3A_142 = tpu.memref_slice %arg9[%dma_start3A_139, %dma_start3A_140, %dma_start3A_141] : memref<2x80x128xf32, #tpu.memory_space<vmem>> -> memref<1x80x128xf32, #tpu.memory_space<vmem>>
        %dma_start3A_143 = tpu.memref_squeeze %dma_start3A_142 : memref<1x80x128xf32, #tpu.memory_space<vmem>> -> memref<80x128xf32, #tpu.memory_space<vmem>>
        %dma_start3A_144 = arith.constant 0 : i32
        %dma_start3A_145 = tpu.memref_slice %arg7[%add3A_138, %dma_start3A_144] : memref<126x80xi32, #tpu.memory_space<vmem>> -> memref<1x80xi32, #tpu.memory_space<vmem>>
        %dma_start3A_146 = tpu.memref_squeeze %dma_start3A_145 : memref<1x80xi32, #tpu.memory_space<vmem>> -> memref<80xi32, #tpu.memory_space<vmem>>
        %dma_start3A_147 = arith.constant 0 : i32
        %dma_start3A_148 = arith.constant 0 : i32
        %dma_start3A_149 = tpu.memref_slice %arg2[%dma_start3A_147, %dma_start3A_148] : memref<10240x128xf32, #tpu.memory_space<hbm>> -> memref<10240x128xf32, #tpu.memory_space<hbm>>
        tpu.enqueue_indirect_dma source(%dma_start3A_149 : memref<10240x128xf32, #tpu.memory_space<hbm>>) target(%dma_start3A_143 : memref<80x128xf32, #tpu.memory_space<vmem>>) offsets(%dma_start3A_146 : memref<80xi32, #tpu.memory_space<vmem>>) semaphore(%arg15 : memref<!tpu.dma_semaphore, #tpu.memory_space<semaphore_mem>>)
      } else {
      }
      %dma_wait3A_77 = arith.constant 0 : i32
      %dma_wait3A_78 = arith.constant 0 : i32
      %dma_wait3A_79 = arith.constant 0 : i32
      %dma_wait3A_80 = tpu.memref_slice %arg9[%dma_wait3A_77, %dma_wait3A_78, %dma_wait3A_79] : memref<2x80x128xf32, #tpu.memory_space<vmem>> -> memref<1x80x128xf32, #tpu.memory_space<vmem>>
      %dma_wait3A_81 = tpu.memref_squeeze %dma_wait3A_80 : memref<1x80x128xf32, #tpu.memory_space<vmem>> -> memref<80x128xf32, #tpu.memory_space<vmem>>
      %dma_wait3A_82 = arith.constant 0 : i32
      %dma_wait3A_83 = tpu.memref_slice %arg7[%add3A_68, %dma_wait3A_82] : memref<126x80xi32, #tpu.memory_space<vmem>> -> memref<1x80xi32, #tpu.memory_space<vmem>>
      %dma_wait3A_84 = tpu.memref_squeeze %dma_wait3A_83 : memref<1x80xi32, #tpu.memory_space<vmem>> -> memref<80xi32, #tpu.memory_space<vmem>>
      %dma_wait3A_85 = arith.constant 0 : i32
      %dma_wait3A_86 = arith.constant 0 : i32
      %dma_wait3A_87 = tpu.memref_slice %arg2[%dma_wait3A_85, %dma_wait3A_86] : memref<10240x128xf32, #tpu.memory_space<hbm>> -> memref<10240x128xf32, #tpu.memory_space<hbm>>
      tpu.wait_indirect_dma semaphore(%arg14 : memref<!tpu.dma_semaphore, #tpu.memory_space<semaphore_mem>>) src(%dma_wait3A_87 : memref<10240x128xf32, #tpu.memory_space<hbm>>) dst(%dma_wait3A_81 : memref<80x128xf32, #tpu.memory_space<vmem>>)
      %dma_start3A_88 = arith.constant 0 : i32
      %dma_start3A_89 = arith.constant 0 : i32
      %dma_start3A_90 = arith.constant 0 : i32
      %dma_start3A_91 = tpu.memref_slice %arg9[%dma_start3A_88, %dma_start3A_89, %dma_start3A_90] : memref<2x80x128xf32, #tpu.memory_space<vmem>> -> memref<1x80x128xf32, #tpu.memory_space<vmem>>
      %dma_start3A_92 = tpu.memref_squeeze %dma_start3A_91 : memref<1x80x128xf32, #tpu.memory_space<vmem>> -> memref<80x128xf32, #tpu.memory_space<vmem>>
      %dma_start3A_93 = arith.constant 0 : i32
      %dma_start3A_94 = tpu.memref_slice %arg8[%add3A_68, %dma_start3A_93] : memref<126x80xi32, #tpu.memory_space<vmem>> -> memref<1x80xi32, #tpu.memory_space<vmem>>
      %dma_start3A_95 = tpu.memref_squeeze %dma_start3A_94 : memref<1x80xi32, #tpu.memory_space<vmem>> -> memref<80xi32, #tpu.memory_space<vmem>>
      %dma_start3A_96 = arith.constant 0 : i32
      %dma_start3A_97 = arith.constant 0 : i32
      %dma_start3A_98 = tpu.memref_slice %arg12[%dma_start3A_96, %dma_start3A_97] : memref<5128x128xf32, #tpu.memory_space<vmem_shared>> -> memref<5128x128xf32, #tpu.memory_space<vmem_shared>>
      tpu.enqueue_indirect_dma source(%dma_start3A_92 : memref<80x128xf32, #tpu.memory_space<vmem>>) target(%dma_start3A_98 : memref<5128x128xf32, #tpu.memory_space<vmem_shared>>) offsets(%dma_start3A_95 : memref<80xi32, #tpu.memory_space<vmem>>) semaphore(%arg16 : memref<!tpu.dma_semaphore, #tpu.memory_space<semaphore_mem>>) {add = true}
      %mul3A_99 = arith.constant 2 : i32
      %mul3A_100 = arith.muli %mul3A_99, %scan3A_64 : i32
      %add3A_101 = arith.constant 1 : i32
      %add3A_102 = arith.addi %mul3A_100, %add3A_101 : i32
      %gt3A_103 = arith.constant 0 : i32
      %gt3A_104 = arith.cmpi sgt, %add3A_102, %gt3A_103 : i32
      %convert_element_type3A_105 = arith.extui %gt3A_104 : i1 to i32
      %cond3A_106 = arith.constant 0 : i32
      %cond3A_107 = arith.cmpi ne, %convert_element_type3A_105, %cond3A_106 : i32
      scf.if %cond3A_107 {
        %sub3A = arith.constant 1 : i32
        %sub3A_137 = arith.subi %add3A_102, %sub3A : i32
        %dma_wait3A_138 = arith.constant 0 : i32
        %dma_wait3A_139 = arith.constant 0 : i32
        %dma_wait3A_140 = arith.constant 0 : i32
        %dma_wait3A_141 = tpu.memref_slice %arg9[%dma_wait3A_138, %dma_wait3A_139, %dma_wait3A_140] : memref<2x80x128xf32, #tpu.memory_space<vmem>> -> memref<1x80x128xf32, #tpu.memory_space<vmem>>
        %dma_wait3A_142 = tpu.memref_squeeze %dma_wait3A_141 : memref<1x80x128xf32, #tpu.memory_space<vmem>> -> memref<80x128xf32, #tpu.memory_space<vmem>>
        %dma_wait3A_143 = arith.constant 0 : i32
        %dma_wait3A_144 = tpu.memref_slice %arg8[%sub3A_137, %dma_wait3A_143] : memref<126x80xi32, #tpu.memory_space<vmem>> -> memref<1x80xi32, #tpu.memory_space<vmem>>
        %dma_wait3A_145 = tpu.memref_squeeze %dma_wait3A_144 : memref<1x80xi32, #tpu.memory_space<vmem>> -> memref<80xi32, #tpu.memory_space<vmem>>
        %dma_wait3A_146 = arith.constant 0 : i32
        %dma_wait3A_147 = arith.constant 0 : i32
        %dma_wait3A_148 = tpu.memref_slice %arg12[%dma_wait3A_146, %dma_wait3A_147] : memref<5128x128xf32, #tpu.memory_space<vmem_shared>> -> memref<5128x128xf32, #tpu.memory_space<vmem_shared>>
        tpu.wait_indirect_dma semaphore(%arg16 : memref<!tpu.dma_semaphore, #tpu.memory_space<semaphore_mem>>) src(%dma_wait3A_142 : memref<80x128xf32, #tpu.memory_space<vmem>>) dst(%dma_wait3A_148 : memref<5128x128xf32, #tpu.memory_space<vmem_shared>>)
      } else {
      }
      %add3A_108 = arith.constant 1 : i32
      %add3A_109 = arith.addi %add3A_102, %add3A_108 : i32
      %lt3A_110 = arith.constant 126 : i32
      %lt3A_111 = arith.cmpi slt, %add3A_109, %lt3A_110 : i32
      %convert_element_type3A_112 = arith.extui %lt3A_111 : i1 to i32
      %cond3A_113 = arith.constant 0 : i32
      %cond3A_114 = arith.cmpi ne, %convert_element_type3A_112, %cond3A_113 : i32
      scf.if %cond3A_114 {
        %add3A_137 = arith.constant 1 : i32
        %add3A_138 = arith.addi %add3A_102, %add3A_137 : i32
        %dma_start3A_139 = arith.constant 0 : i32
        %dma_start3A_140 = arith.constant 0 : i32
        %dma_start3A_141 = arith.constant 0 : i32
        %dma_start3A_142 = tpu.memref_slice %arg9[%dma_start3A_139, %dma_start3A_140, %dma_start3A_141] : memref<2x80x128xf32, #tpu.memory_space<vmem>> -> memref<1x80x128xf32, #tpu.memory_space<vmem>>
        %dma_start3A_143 = tpu.memref_squeeze %dma_start3A_142 : memref<1x80x128xf32, #tpu.memory_space<vmem>> -> memref<80x128xf32, #tpu.memory_space<vmem>>
        %dma_start3A_144 = arith.constant 0 : i32
        %dma_start3A_145 = tpu.memref_slice %arg7[%add3A_138, %dma_start3A_144] : memref<126x80xi32, #tpu.memory_space<vmem>> -> memref<1x80xi32, #tpu.memory_space<vmem>>
        %dma_start3A_146 = tpu.memref_squeeze %dma_start3A_145 : memref<1x80xi32, #tpu.memory_space<vmem>> -> memref<80xi32, #tpu.memory_space<vmem>>
        %dma_start3A_147 = arith.constant 0 : i32
        %dma_start3A_148 = arith.constant 0 : i32
        %dma_start3A_149 = tpu.memref_slice %arg2[%dma_start3A_147, %dma_start3A_148] : memref<10240x128xf32, #tpu.memory_space<hbm>> -> memref<10240x128xf32, #tpu.memory_space<hbm>>
        tpu.enqueue_indirect_dma source(%dma_start3A_149 : memref<10240x128xf32, #tpu.memory_space<hbm>>) target(%dma_start3A_143 : memref<80x128xf32, #tpu.memory_space<vmem>>) offsets(%dma_start3A_146 : memref<80xi32, #tpu.memory_space<vmem>>) semaphore(%arg14 : memref<!tpu.dma_semaphore, #tpu.memory_space<semaphore_mem>>)
      } else {
      }
      %dma_wait3A_115 = arith.constant 1 : i32
      %dma_wait3A_116 = arith.constant 0 : i32
      %dma_wait3A_117 = arith.constant 0 : i32
      %dma_wait3A_118 = tpu.memref_slice %arg9[%dma_wait3A_115, %dma_wait3A_116, %dma_wait3A_117] : memref<2x80x128xf32, #tpu.memory_space<vmem>> -> memref<1x80x128xf32, #tpu.memory_space<vmem>>
      %dma_wait3A_119 = tpu.memref_squeeze %dma_wait3A_118 : memref<1x80x128xf32, #tpu.memory_space<vmem>> -> memref<80x128xf32, #tpu.memory_space<vmem>>
      %dma_wait3A_120 = arith.constant 0 : i32
      %dma_wait3A_121 = tpu.memref_slice %arg7[%add3A_102, %dma_wait3A_120] : memref<126x80xi32, #tpu.memory_space<vmem>> -> memref<1x80xi32, #tpu.memory_space<vmem>>
      %dma_wait3A_122 = tpu.memref_squeeze %dma_wait3A_121 : memref<1x80xi32, #tpu.memory_space<vmem>> -> memref<80xi32, #tpu.memory_space<vmem>>
      %dma_wait3A_123 = arith.constant 0 : i32
      %dma_wait3A_124 = arith.constant 0 : i32
      %dma_wait3A_125 = tpu.memref_slice %arg2[%dma_wait3A_123, %dma_wait3A_124] : memref<10240x128xf32, #tpu.memory_space<hbm>> -> memref<10240x128xf32, #tpu.memory_space<hbm>>
      tpu.wait_indirect_dma semaphore(%arg15 : memref<!tpu.dma_semaphore, #tpu.memory_space<semaphore_mem>>) src(%dma_wait3A_125 : memref<10240x128xf32, #tpu.memory_space<hbm>>) dst(%dma_wait3A_119 : memref<80x128xf32, #tpu.memory_space<vmem>>)
      %dma_start3A_126 = arith.constant 1 : i32
      %dma_start3A_127 = arith.constant 0 : i32
      %dma_start3A_128 = arith.constant 0 : i32
      %dma_start3A_129 = tpu.memref_slice %arg9[%dma_start3A_126, %dma_start3A_127, %dma_start3A_128] : memref<2x80x128xf32, #tpu.memory_space<vmem>> -> memref<1x80x128xf32, #tpu.memory_space<vmem>>
      %dma_start3A_130 = tpu.memref_squeeze %dma_start3A_129 : memref<1x80x128xf32, #tpu.memory_space<vmem>> -> memref<80x128xf32, #tpu.memory_space<vmem>>
      %dma_start3A_131 = arith.constant 0 : i32
      %dma_start3A_132 = tpu.memref_slice %arg8[%add3A_102, %dma_start3A_131] : memref<126x80xi32, #tpu.memory_space<vmem>> -> memref<1x80xi32, #tpu.memory_space<vmem>>
      %dma_start3A_133 = tpu.memref_squeeze %dma_start3A_132 : memref<1x80xi32, #tpu.memory_space<vmem>> -> memref<80xi32, #tpu.memory_space<vmem>>
      %dma_start3A_134 = arith.constant 0 : i32
      %dma_start3A_135 = arith.constant 0 : i32
      %dma_start3A_136 = tpu.memref_slice %arg12[%dma_start3A_134, %dma_start3A_135] : memref<5128x128xf32, #tpu.memory_space<vmem_shared>> -> memref<5128x128xf32, #tpu.memory_space<vmem_shared>>
      tpu.enqueue_indirect_dma source(%dma_start3A_130 : memref<80x128xf32, #tpu.memory_space<vmem>>) target(%dma_start3A_136 : memref<5128x128xf32, #tpu.memory_space<vmem_shared>>) offsets(%dma_start3A_133 : memref<80xi32, #tpu.memory_space<vmem>>) semaphore(%arg17 : memref<!tpu.dma_semaphore, #tpu.memory_space<semaphore_mem>>) {add = true}
    }
    %scan3A_17 = arith.constant 63 : i32
    %dma_wait3A = arith.constant 1 : i32
    %dma_wait3A_18 = arith.constant 125 : i32
    %dma_wait3A_19 = arith.constant 0 : i32
    %dma_wait3A_20 = arith.constant 0 : i32
    %dma_wait3A_21 = tpu.memref_slice %arg9[%dma_wait3A, %dma_wait3A_19, %dma_wait3A_20] : memref<2x80x128xf32, #tpu.memory_space<vmem>> -> memref<1x80x128xf32, #tpu.memory_space<vmem>>
    %dma_wait3A_22 = tpu.memref_squeeze %dma_wait3A_21 : memref<1x80x128xf32, #tpu.memory_space<vmem>> -> memref<80x128xf32, #tpu.memory_space<vmem>>
    %dma_wait3A_23 = arith.constant 0 : i32
    %dma_wait3A_24 = tpu.memref_slice %arg8[%dma_wait3A_18, %dma_wait3A_23] : memref<126x80xi32, #tpu.memory_space<vmem>> -> memref<1x80xi32, #tpu.memory_space<vmem>>
    %dma_wait3A_25 = tpu.memref_squeeze %dma_wait3A_24 : memref<1x80xi32, #tpu.memory_space<vmem>> -> memref<80xi32, #tpu.memory_space<vmem>>
    %dma_wait3A_26 = arith.constant 0 : i32
    %dma_wait3A_27 = arith.constant 0 : i32
    %dma_wait3A_28 = tpu.memref_slice %arg12[%dma_wait3A_26, %dma_wait3A_27] : memref<5128x128xf32, #tpu.memory_space<vmem_shared>> -> memref<5128x128xf32, #tpu.memory_space<vmem_shared>>
    tpu.wait_indirect_dma semaphore(%arg17 : memref<!tpu.dma_semaphore, #tpu.memory_space<semaphore_mem>>) src(%dma_wait3A_22 : memref<80x128xf32, #tpu.memory_space<vmem>>) dst(%dma_wait3A_28 : memref<5128x128xf32, #tpu.memory_space<vmem_shared>>)
    %run_scoped3A_29 = arith.constant 1 : i32
    "tpu.region"() ({
      %run_scoped3A_64 = tpu.sem_alloc : memref<!tpu.dma_semaphore, #tpu.memory_space<semaphore_mem>>
      %dma_start3A_65 = arith.constant 0 : i32
      %dma_start3A_66 = arith.constant 0 : i32
      %dma_start3A_67 = tpu.memref_slice %arg3[%arg1, %run_scoped3A_29, %dma_start3A_65, %dma_start3A_66] : memref<16x2x126x80xi32, #tpu.memory_space<hbm>> -> memref<1x1x126x80xi32, #tpu.memory_space<hbm>>
      %dma_start3A_68 = tpu.memref_squeeze %dma_start3A_67 : memref<1x1x126x80xi32, #tpu.memory_space<hbm>> -> memref<126x80xi32, #tpu.memory_space<hbm>>
      %dma_start3A_69 = arith.constant 0 : i32
      %dma_start3A_70 = arith.constant 0 : i32
      %dma_start3A_71 = tpu.memref_slice %arg3[%arg1, %run_scoped3A_29, %dma_start3A_69, %dma_start3A_70] : memref<16x2x126x80xi32, #tpu.memory_space<hbm>> -> memref<1x1x126x80xi32, #tpu.memory_space<hbm>>
      %dma_start3A_72 = tpu.memref_squeeze %dma_start3A_71 : memref<1x1x126x80xi32, #tpu.memory_space<hbm>> -> memref<126x80xi32, #tpu.memory_space<hbm>>
      tpu.enqueue_dma source(%dma_start3A_72 : memref<126x80xi32, #tpu.memory_space<hbm>>) target(%arg7 : memref<126x80xi32, #tpu.memory_space<vmem>>) target_semaphore(%run_scoped3A_64 : memref<!tpu.dma_semaphore, #tpu.memory_space<semaphore_mem>>)
      %dma_wait3A_73 = arith.constant 0 : i32
      %dma_wait3A_74 = arith.constant 0 : i32
      %dma_wait3A_75 = tpu.memref_slice %arg3[%arg1, %run_scoped3A_29, %dma_wait3A_73, %dma_wait3A_74] : memref<16x2x126x80xi32, #tpu.memory_space<hbm>> -> memref<1x1x126x80xi32, #tpu.memory_space<hbm>>
      %dma_wait3A_76 = tpu.memref_squeeze %dma_wait3A_75 : memref<1x1x126x80xi32, #tpu.memory_space<hbm>> -> memref<126x80xi32, #tpu.memory_space<hbm>>
      %dma_wait3A_77 = arith.constant 0 : i32
      %dma_wait3A_78 = arith.constant 0 : i32
      %dma_wait3A_79 = tpu.memref_slice %arg3[%arg1, %run_scoped3A_29, %dma_wait3A_77, %dma_wait3A_78] : memref<16x2x126x80xi32, #tpu.memory_space<hbm>> -> memref<1x1x126x80xi32, #tpu.memory_space<hbm>>
      %dma_wait3A_80 = tpu.memref_squeeze %dma_wait3A_79 : memref<1x1x126x80xi32, #tpu.memory_space<hbm>> -> memref<126x80xi32, #tpu.memory_space<hbm>>
      tpu.wait_dma2 semaphore(%run_scoped3A_64 : memref<!tpu.dma_semaphore, #tpu.memory_space<semaphore_mem>>) src(%dma_wait3A_80 : memref<126x80xi32, #tpu.memory_space<hbm>>) dst(%arg7 : memref<126x80xi32, #tpu.memory_space<vmem>>)
      tpu.yield
    }) : () -> ()
    %run_scoped3A_30 = arith.constant 1 : i32
    "tpu.region"() ({
      %run_scoped3A_64 = tpu.sem_alloc : memref<!tpu.dma_semaphore, #tpu.memory_space<semaphore_mem>>
      %dma_start3A_65 = arith.constant 0 : i32
      %dma_start3A_66 = arith.constant 0 : i32
      %dma_start3A_67 = tpu.memref_slice %arg4[%arg0, %arg1, %run_scoped3A_30, %dma_start3A_65, %dma_start3A_66] : memref<2x16x2x126x80xi32, #tpu.memory_space<hbm>> -> memref<1x1x1x126x80xi32, #tpu.memory_space<hbm>>
      %dma_start3A_68 = tpu.memref_squeeze %dma_start3A_67 : memref<1x1x1x126x80xi32, #tpu.memory_space<hbm>> -> memref<126x80xi32, #tpu.memory_space<hbm>>
      %dma_start3A_69 = arith.constant 0 : i32
      %dma_start3A_70 = arith.constant 0 : i32
      %dma_start3A_71 = tpu.memref_slice %arg4[%arg0, %arg1, %run_scoped3A_30, %dma_start3A_69, %dma_start3A_70] : memref<2x16x2x126x80xi32, #tpu.memory_space<hbm>> -> memref<1x1x1x126x80xi32, #tpu.memory_space<hbm>>
      %dma_start3A_72 = tpu.memref_squeeze %dma_start3A_71 : memref<1x1x1x126x80xi32, #tpu.memory_space<hbm>> -> memref<126x80xi32, #tpu.memory_space<hbm>>
      tpu.enqueue_dma source(%dma_start3A_72 : memref<126x80xi32, #tpu.memory_space<hbm>>) target(%arg8 : memref<126x80xi32, #tpu.memory_space<vmem>>) target_semaphore(%run_scoped3A_64 : memref<!tpu.dma_semaphore, #tpu.memory_space<semaphore_mem>>)
      %dma_wait3A_73 = arith.constant 0 : i32
      %dma_wait3A_74 = arith.constant 0 : i32
      %dma_wait3A_75 = tpu.memref_slice %arg4[%arg0, %arg1, %run_scoped3A_30, %dma_wait3A_73, %dma_wait3A_74] : memref<2x16x2x126x80xi32, #tpu.memory_space<hbm>> -> memref<1x1x1x126x80xi32, #tpu.memory_space<hbm>>
      %dma_wait3A_76 = tpu.memref_squeeze %dma_wait3A_75 : memref<1x1x1x126x80xi32, #tpu.memory_space<hbm>> -> memref<126x80xi32, #tpu.memory_space<hbm>>
      %dma_wait3A_77 = arith.constant 0 : i32
      %dma_wait3A_78 = arith.constant 0 : i32
      %dma_wait3A_79 = tpu.memref_slice %arg4[%arg0, %arg1, %run_scoped3A_30, %dma_wait3A_77, %dma_wait3A_78] : memref<2x16x2x126x80xi32, #tpu.memory_space<hbm>> -> memref<1x1x1x126x80xi32, #tpu.memory_space<hbm>>
      %dma_wait3A_80 = tpu.memref_squeeze %dma_wait3A_79 : memref<1x1x1x126x80xi32, #tpu.memory_space<hbm>> -> memref<126x80xi32, #tpu.memory_space<hbm>>
      tpu.wait_dma2 semaphore(%run_scoped3A_64 : memref<!tpu.dma_semaphore, #tpu.memory_space<semaphore_mem>>) src(%dma_wait3A_80 : memref<126x80xi32, #tpu.memory_space<hbm>>) dst(%arg8 : memref<126x80xi32, #tpu.memory_space<vmem>>)
      tpu.yield
    }) : () -> ()
    %dma_start3A_31 = arith.constant 0 : i32
    %dma_start3A_32 = arith.constant 0 : i32
    %dma_start3A_33 = arith.constant 0 : i32
    %dma_start3A_34 = arith.constant 0 : i32
    %dma_start3A_35 = tpu.memref_slice %arg9[%dma_start3A_32, %dma_start3A_33, %dma_start3A_34] : memref<2x80x128xf32, #tpu.memory_space<vmem>> -> memref<1x80x128xf32, #tpu.memory_space<vmem>>
    %dma_start3A_36 = tpu.memref_squeeze %dma_start3A_35 : memref<1x80x128xf32, #tpu.memory_space<vmem>> -> memref<80x128xf32, #tpu.memory_space<vmem>>
    %dma_start3A_37 = arith.constant 0 : i32
    %dma_start3A_38 = tpu.memref_slice %arg7[%dma_start3A_31, %dma_start3A_37] : memref<126x80xi32, #tpu.memory_space<vmem>> -> memref<1x80xi32, #tpu.memory_space<vmem>>
    %dma_start3A_39 = tpu.memref_squeeze %dma_start3A_38 : memref<1x80xi32, #tpu.memory_space<vmem>> -> memref<80xi32, #tpu.memory_space<vmem>>
    %dma_start3A_40 = arith.constant 0 : i32
    %dma_start3A_41 = arith.constant 0 : i32
    %dma_start3A_42 = tpu.memref_slice %arg2[%dma_start3A_40, %dma_start3A_41] : memref<10240x128xf32, #tpu.memory_space<hbm>> -> memref<10240x128xf32, #tpu.memory_space<hbm>>
    tpu.enqueue_indirect_dma source(%dma_start3A_42 : memref<10240x128xf32, #tpu.memory_space<hbm>>) target(%dma_start3A_36 : memref<80x128xf32, #tpu.memory_space<vmem>>) offsets(%dma_start3A_39 : memref<80xi32, #tpu.memory_space<vmem>>) semaphore(%arg14 : memref<!tpu.dma_semaphore, #tpu.memory_space<semaphore_mem>>)
    %scan3A_43 = arith.constant 0 : i32
    %scan3A_44 = arith.constant 0 : i32
    %scan3A_45 = arith.constant 63 : i32
    %scan3A_46 = arith.addi %scan3A_44, %scan3A_45 : i32
    %scan3A_47 = arith.constant 1 : i32
    scf.for %scan3A_64 = %scan3A_44 to %scan3A_46 step %scan3A_47  : i32 {
      %mul3A_65 = arith.constant 2 : i32
      %mul3A_66 = arith.muli %mul3A_65, %scan3A_64 : i32
      %add3A_67 = arith.constant 0 : i32
      %add3A_68 = arith.addi %mul3A_66, %add3A_67 : i32
      %gt3A = arith.constant 0 : i32
      %gt3A_69 = arith.cmpi sgt, %add3A_68, %gt3A : i32
      %convert_element_type3A = arith.extui %gt3A_69 : i1 to i32
      %cond3A = arith.constant 0 : i32
      %cond3A_70 = arith.cmpi ne, %convert_element_type3A, %cond3A : i32
      scf.if %cond3A_70 {
        %sub3A = arith.constant 1 : i32
        %sub3A_137 = arith.subi %add3A_68, %sub3A : i32
        %dma_wait3A_138 = arith.constant 1 : i32
        %dma_wait3A_139 = arith.constant 0 : i32
        %dma_wait3A_140 = arith.constant 0 : i32
        %dma_wait3A_141 = tpu.memref_slice %arg9[%dma_wait3A_138, %dma_wait3A_139, %dma_wait3A_140] : memref<2x80x128xf32, #tpu.memory_space<vmem>> -> memref<1x80x128xf32, #tpu.memory_space<vmem>>
        %dma_wait3A_142 = tpu.memref_squeeze %dma_wait3A_141 : memref<1x80x128xf32, #tpu.memory_space<vmem>> -> memref<80x128xf32, #tpu.memory_space<vmem>>
        %dma_wait3A_143 = arith.constant 0 : i32
        %dma_wait3A_144 = tpu.memref_slice %arg8[%sub3A_137, %dma_wait3A_143] : memref<126x80xi32, #tpu.memory_space<vmem>> -> memref<1x80xi32, #tpu.memory_space<vmem>>
        %dma_wait3A_145 = tpu.memref_squeeze %dma_wait3A_144 : memref<1x80xi32, #tpu.memory_space<vmem>> -> memref<80xi32, #tpu.memory_space<vmem>>
        %dma_wait3A_146 = arith.constant 0 : i32
        %dma_wait3A_147 = arith.constant 0 : i32
        %dma_wait3A_148 = tpu.memref_slice %arg12[%dma_wait3A_146, %dma_wait3A_147] : memref<5128x128xf32, #tpu.memory_space<vmem_shared>> -> memref<5128x128xf32, #tpu.memory_space<vmem_shared>>
        tpu.wait_indirect_dma semaphore(%arg17 : memref<!tpu.dma_semaphore, #tpu.memory_space<semaphore_mem>>) src(%dma_wait3A_142 : memref<80x128xf32, #tpu.memory_space<vmem>>) dst(%dma_wait3A_148 : memref<5128x128xf32, #tpu.memory_space<vmem_shared>>)
      } else {
      }
      %add3A_71 = arith.constant 1 : i32
      %add3A_72 = arith.addi %add3A_68, %add3A_71 : i32
      %lt3A = arith.constant 126 : i32
      %lt3A_73 = arith.cmpi slt, %add3A_72, %lt3A : i32
      %convert_element_type3A_74 = arith.extui %lt3A_73 : i1 to i32
      %cond3A_75 = arith.constant 0 : i32
      %cond3A_76 = arith.cmpi ne, %convert_element_type3A_74, %cond3A_75 : i32
      scf.if %cond3A_76 {
        %add3A_137 = arith.constant 1 : i32
        %add3A_138 = arith.addi %add3A_68, %add3A_137 : i32
        %dma_start3A_139 = arith.constant 1 : i32
        %dma_start3A_140 = arith.constant 0 : i32
        %dma_start3A_141 = arith.constant 0 : i32
        %dma_start3A_142 = tpu.memref_slice %arg9[%dma_start3A_139, %dma_start3A_140, %dma_start3A_141] : memref<2x80x128xf32, #tpu.memory_space<vmem>> -> memref<1x80x128xf32, #tpu.memory_space<vmem>>
        %dma_start3A_143 = tpu.memref_squeeze %dma_start3A_142 : memref<1x80x128xf32, #tpu.memory_space<vmem>> -> memref<80x128xf32, #tpu.memory_space<vmem>>
        %dma_start3A_144 = arith.constant 0 : i32
        %dma_start3A_145 = tpu.memref_slice %arg7[%add3A_138, %dma_start3A_144] : memref<126x80xi32, #tpu.memory_space<vmem>> -> memref<1x80xi32, #tpu.memory_space<vmem>>
        %dma_start3A_146 = tpu.memref_squeeze %dma_start3A_145 : memref<1x80xi32, #tpu.memory_space<vmem>> -> memref<80xi32, #tpu.memory_space<vmem>>
        %dma_start3A_147 = arith.constant 0 : i32
        %dma_start3A_148 = arith.constant 0 : i32
        %dma_start3A_149 = tpu.memref_slice %arg2[%dma_start3A_147, %dma_start3A_148] : memref<10240x128xf32, #tpu.memory_space<hbm>> -> memref<10240x128xf32, #tpu.memory_space<hbm>>
        tpu.enqueue_indirect_dma source(%dma_start3A_149 : memref<10240x128xf32, #tpu.memory_space<hbm>>) target(%dma_start3A_143 : memref<80x128xf32, #tpu.memory_space<vmem>>) offsets(%dma_start3A_146 : memref<80xi32, #tpu.memory_space<vmem>>) semaphore(%arg15 : memref<!tpu.dma_semaphore, #tpu.memory_space<semaphore_mem>>)
      } else {
      }
      %dma_wait3A_77 = arith.constant 0 : i32
      %dma_wait3A_78 = arith.constant 0 : i32
      %dma_wait3A_79 = arith.constant 0 : i32
      %dma_wait3A_80 = tpu.memref_slice %arg9[%dma_wait3A_77, %dma_wait3A_78, %dma_wait3A_79] : memref<2x80x128xf32, #tpu.memory_space<vmem>> -> memref<1x80x128xf32, #tpu.memory_space<vmem>>
      %dma_wait3A_81 = tpu.memref_squeeze %dma_wait3A_80 : memref<1x80x128xf32, #tpu.memory_space<vmem>> -> memref<80x128xf32, #tpu.memory_space<vmem>>
      %dma_wait3A_82 = arith.constant 0 : i32
      %dma_wait3A_83 = tpu.memref_slice %arg7[%add3A_68, %dma_wait3A_82] : memref<126x80xi32, #tpu.memory_space<vmem>> -> memref<1x80xi32, #tpu.memory_space<vmem>>
      %dma_wait3A_84 = tpu.memref_squeeze %dma_wait3A_83 : memref<1x80xi32, #tpu.memory_space<vmem>> -> memref<80xi32, #tpu.memory_space<vmem>>
      %dma_wait3A_85 = arith.constant 0 : i32
      %dma_wait3A_86 = arith.constant 0 : i32
      %dma_wait3A_87 = tpu.memref_slice %arg2[%dma_wait3A_85, %dma_wait3A_86] : memref<10240x128xf32, #tpu.memory_space<hbm>> -> memref<10240x128xf32, #tpu.memory_space<hbm>>
      tpu.wait_indirect_dma semaphore(%arg14 : memref<!tpu.dma_semaphore, #tpu.memory_space<semaphore_mem>>) src(%dma_wait3A_87 : memref<10240x128xf32, #tpu.memory_space<hbm>>) dst(%dma_wait3A_81 : memref<80x128xf32, #tpu.memory_space<vmem>>)
      %dma_start3A_88 = arith.constant 0 : i32
      %dma_start3A_89 = arith.constant 0 : i32
      %dma_start3A_90 = arith.constant 0 : i32
      %dma_start3A_91 = tpu.memref_slice %arg9[%dma_start3A_88, %dma_start3A_89, %dma_start3A_90] : memref<2x80x128xf32, #tpu.memory_space<vmem>> -> memref<1x80x128xf32, #tpu.memory_space<vmem>>
      %dma_start3A_92 = tpu.memref_squeeze %dma_start3A_91 : memref<1x80x128xf32, #tpu.memory_space<vmem>> -> memref<80x128xf32, #tpu.memory_space<vmem>>
      %dma_start3A_93 = arith.constant 0 : i32
      %dma_start3A_94 = tpu.memref_slice %arg8[%add3A_68, %dma_start3A_93] : memref<126x80xi32, #tpu.memory_space<vmem>> -> memref<1x80xi32, #tpu.memory_space<vmem>>
      %dma_start3A_95 = tpu.memref_squeeze %dma_start3A_94 : memref<1x80xi32, #tpu.memory_space<vmem>> -> memref<80xi32, #tpu.memory_space<vmem>>
      %dma_start3A_96 = arith.constant 0 : i32
      %dma_start3A_97 = arith.constant 0 : i32
      %dma_start3A_98 = tpu.memref_slice %arg12[%dma_start3A_96, %dma_start3A_97] : memref<5128x128xf32, #tpu.memory_space<vmem_shared>> -> memref<5128x128xf32, #tpu.memory_space<vmem_shared>>
      tpu.enqueue_indirect_dma source(%dma_start3A_92 : memref<80x128xf32, #tpu.memory_space<vmem>>) target(%dma_start3A_98 : memref<5128x128xf32, #tpu.memory_space<vmem_shared>>) offsets(%dma_start3A_95 : memref<80xi32, #tpu.memory_space<vmem>>) semaphore(%arg16 : memref<!tpu.dma_semaphore, #tpu.memory_space<semaphore_mem>>) {add = true}
      %mul3A_99 = arith.constant 2 : i32
      %mul3A_100 = arith.muli %mul3A_99, %scan3A_64 : i32
      %add3A_101 = arith.constant 1 : i32
      %add3A_102 = arith.addi %mul3A_100, %add3A_101 : i32
      %gt3A_103 = arith.constant 0 : i32
      %gt3A_104 = arith.cmpi sgt, %add3A_102, %gt3A_103 : i32
      %convert_element_type3A_105 = arith.extui %gt3A_104 : i1 to i32
      %cond3A_106 = arith.constant 0 : i32
      %cond3A_107 = arith.cmpi ne, %convert_element_type3A_105, %cond3A_106 : i32
      scf.if %cond3A_107 {
        %sub3A = arith.constant 1 : i32
        %sub3A_137 = arith.subi %add3A_102, %sub3A : i32
        %dma_wait3A_138 = arith.constant 0 : i32
        %dma_wait3A_139 = arith.constant 0 : i32
        %dma_wait3A_140 = arith.constant 0 : i32
        %dma_wait3A_141 = tpu.memref_slice %arg9[%dma_wait3A_138, %dma_wait3A_139, %dma_wait3A_140] : memref<2x80x128xf32, #tpu.memory_space<vmem>> -> memref<1x80x128xf32, #tpu.memory_space<vmem>>
        %dma_wait3A_142 = tpu.memref_squeeze %dma_wait3A_141 : memref<1x80x128xf32, #tpu.memory_space<vmem>> -> memref<80x128xf32, #tpu.memory_space<vmem>>
        %dma_wait3A_143 = arith.constant 0 : i32
        %dma_wait3A_144 = tpu.memref_slice %arg8[%sub3A_137, %dma_wait3A_143] : memref<126x80xi32, #tpu.memory_space<vmem>> -> memref<1x80xi32, #tpu.memory_space<vmem>>
        %dma_wait3A_145 = tpu.memref_squeeze %dma_wait3A_144 : memref<1x80xi32, #tpu.memory_space<vmem>> -> memref<80xi32, #tpu.memory_space<vmem>>
        %dma_wait3A_146 = arith.constant 0 : i32
        %dma_wait3A_147 = arith.constant 0 : i32
        %dma_wait3A_148 = tpu.memref_slice %arg12[%dma_wait3A_146, %dma_wait3A_147] : memref<5128x128xf32, #tpu.memory_space<vmem_shared>> -> memref<5128x128xf32, #tpu.memory_space<vmem_shared>>
        tpu.wait_indirect_dma semaphore(%arg16 : memref<!tpu.dma_semaphore, #tpu.memory_space<semaphore_mem>>) src(%dma_wait3A_142 : memref<80x128xf32, #tpu.memory_space<vmem>>) dst(%dma_wait3A_148 : memref<5128x128xf32, #tpu.memory_space<vmem_shared>>)
      } else {
      }
      %add3A_108 = arith.constant 1 : i32
      %add3A_109 = arith.addi %add3A_102, %add3A_108 : i32
      %lt3A_110 = arith.constant 126 : i32
      %lt3A_111 = arith.cmpi slt, %add3A_109, %lt3A_110 : i32
      %convert_element_type3A_112 = arith.extui %lt3A_111 : i1 to i32
      %cond3A_113 = arith.constant 0 : i32
      %cond3A_114 = arith.cmpi ne, %convert_element_type3A_112, %cond3A_113 : i32
      scf.if %cond3A_114 {
        %add3A_137 = arith.constant 1 : i32
        %add3A_138 = arith.addi %add3A_102, %add3A_137 : i32
        %dma_start3A_139 = arith.constant 0 : i32
        %dma_start3A_140 = arith.constant 0 : i32
        %dma_start3A_141 = arith.constant 0 : i32
        %dma_start3A_142 = tpu.memref_slice %arg9[%dma_start3A_139, %dma_start3A_140, %dma_start3A_141] : memref<2x80x128xf32, #tpu.memory_space<vmem>> -> memref<1x80x128xf32, #tpu.memory_space<vmem>>
        %dma_start3A_143 = tpu.memref_squeeze %dma_start3A_142 : memref<1x80x128xf32, #tpu.memory_space<vmem>> -> memref<80x128xf32, #tpu.memory_space<vmem>>
        %dma_start3A_144 = arith.constant 0 : i32
        %dma_start3A_145 = tpu.memref_slice %arg7[%add3A_138, %dma_start3A_144] : memref<126x80xi32, #tpu.memory_space<vmem>> -> memref<1x80xi32, #tpu.memory_space<vmem>>
        %dma_start3A_146 = tpu.memref_squeeze %dma_start3A_145 : memref<1x80xi32, #tpu.memory_space<vmem>> -> memref<80xi32, #tpu.memory_space<vmem>>
        %dma_start3A_147 = arith.constant 0 : i32
        %dma_start3A_148 = arith.constant 0 : i32
        %dma_start3A_149 = tpu.memref_slice %arg2[%dma_start3A_147, %dma_start3A_148] : memref<10240x128xf32, #tpu.memory_space<hbm>> -> memref<10240x128xf32, #tpu.memory_space<hbm>>
        tpu.enqueue_indirect_dma source(%dma_start3A_149 : memref<10240x128xf32, #tpu.memory_space<hbm>>) target(%dma_start3A_143 : memref<80x128xf32, #tpu.memory_space<vmem>>) offsets(%dma_start3A_146 : memref<80xi32, #tpu.memory_space<vmem>>) semaphore(%arg14 : memref<!tpu.dma_semaphore, #tpu.memory_space<semaphore_mem>>)
      } else {
      }
      %dma_wait3A_115 = arith.constant 1 : i32
      %dma_wait3A_116 = arith.constant 0 : i32
      %dma_wait3A_117 = arith.constant 0 : i32
      %dma_wait3A_118 = tpu.memref_slice %arg9[%dma_wait3A_115, %dma_wait3A_116, %dma_wait3A_117] : memref<2x80x128xf32, #tpu.memory_space<vmem>> -> memref<1x80x128xf32, #tpu.memory_space<vmem>>
      %dma_wait3A_119 = tpu.memref_squeeze %dma_wait3A_118 : memref<1x80x128xf32, #tpu.memory_space<vmem>> -> memref<80x128xf32, #tpu.memory_space<vmem>>
      %dma_wait3A_120 = arith.constant 0 : i32
      %dma_wait3A_121 = tpu.memref_slice %arg7[%add3A_102, %dma_wait3A_120] : memref<126x80xi32, #tpu.memory_space<vmem>> -> memref<1x80xi32, #tpu.memory_space<vmem>>
      %dma_wait3A_122 = tpu.memref_squeeze %dma_wait3A_121 : memref<1x80xi32, #tpu.memory_space<vmem>> -> memref<80xi32, #tpu.memory_space<vmem>>
      %dma_wait3A_123 = arith.constant 0 : i32
      %dma_wait3A_124 = arith.constant 0 : i32
      %dma_wait3A_125 = tpu.memref_slice %arg2[%dma_wait3A_123, %dma_wait3A_124] : memref<10240x128xf32, #tpu.memory_space<hbm>> -> memref<10240x128xf32, #tpu.memory_space<hbm>>
      tpu.wait_indirect_dma semaphore(%arg15 : memref<!tpu.dma_semaphore, #tpu.memory_space<semaphore_mem>>) src(%dma_wait3A_125 : memref<10240x128xf32, #tpu.memory_space<hbm>>) dst(%dma_wait3A_119 : memref<80x128xf32, #tpu.memory_space<vmem>>)
      %dma_start3A_126 = arith.constant 1 : i32
      %dma_start3A_127 = arith.constant 0 : i32
      %dma_start3A_128 = arith.constant 0 : i32
      %dma_start3A_129 = tpu.memref_slice %arg9[%dma_start3A_126, %dma_start3A_127, %dma_start3A_128] : memref<2x80x128xf32, #tpu.memory_space<vmem>> -> memref<1x80x128xf32, #tpu.memory_space<vmem>>
      %dma_start3A_130 = tpu.memref_squeeze %dma_start3A_129 : memref<1x80x128xf32, #tpu.memory_space<vmem>> -> memref<80x128xf32, #tpu.memory_space<vmem>>
      %dma_start3A_131 = arith.constant 0 : i32
      %dma_start3A_132 = tpu.memref_slice %arg8[%add3A_102, %dma_start3A_131] : memref<126x80xi32, #tpu.memory_space<vmem>> -> memref<1x80xi32, #tpu.memory_space<vmem>>
      %dma_start3A_133 = tpu.memref_squeeze %dma_start3A_132 : memref<1x80xi32, #tpu.memory_space<vmem>> -> memref<80xi32, #tpu.memory_space<vmem>>
      %dma_start3A_134 = arith.constant 0 : i32
      %dma_start3A_135 = arith.constant 0 : i32
      %dma_start3A_136 = tpu.memref_slice %arg12[%dma_start3A_134, %dma_start3A_135] : memref<5128x128xf32, #tpu.memory_space<vmem_shared>> -> memref<5128x128xf32, #tpu.memory_space<vmem_shared>>
      tpu.enqueue_indirect_dma source(%dma_start3A_130 : memref<80x128xf32, #tpu.memory_space<vmem>>) target(%dma_start3A_136 : memref<5128x128xf32, #tpu.memory_space<vmem_shared>>) offsets(%dma_start3A_133 : memref<80xi32, #tpu.memory_space<vmem>>) semaphore(%arg17 : memref<!tpu.dma_semaphore, #tpu.memory_space<semaphore_mem>>) {add = true}
    }
    %scan3A_48 = arith.constant 63 : i32
    %dma_wait3A_49 = arith.constant 1 : i32
    %dma_wait3A_50 = arith.constant 125 : i32
    %dma_wait3A_51 = arith.constant 0 : i32
    %dma_wait3A_52 = arith.constant 0 : i32
    %dma_wait3A_53 = tpu.memref_slice %arg9[%dma_wait3A_49, %dma_wait3A_51, %dma_wait3A_52] : memref<2x80x128xf32, #tpu.memory_space<vmem>> -> memref<1x80x128xf32, #tpu.memory_space<vmem>>
    %dma_wait3A_54 = tpu.memref_squeeze %dma_wait3A_53 : memref<1x80x128xf32, #tpu.memory_space<vmem>> -> memref<80x128xf32, #tpu.memory_space<vmem>>
    %dma_wait3A_55 = arith.constant 0 : i32
    %dma_wait3A_56 = tpu.memref_slice %arg8[%dma_wait3A_50, %dma_wait3A_55] : memref<126x80xi32, #tpu.memory_space<vmem>> -> memref<1x80xi32, #tpu.memory_space<vmem>>
    %dma_wait3A_57 = tpu.memref_squeeze %dma_wait3A_56 : memref<1x80xi32, #tpu.memory_space<vmem>> -> memref<80xi32, #tpu.memory_space<vmem>>
    %dma_wait3A_58 = arith.constant 0 : i32
    %dma_wait3A_59 = arith.constant 0 : i32
    %dma_wait3A_60 = tpu.memref_slice %arg12[%dma_wait3A_58, %dma_wait3A_59] : memref<5128x128xf32, #tpu.memory_space<vmem_shared>> -> memref<5128x128xf32, #tpu.memory_space<vmem_shared>>
    tpu.wait_indirect_dma semaphore(%arg17 : memref<!tpu.dma_semaphore, #tpu.memory_space<semaphore_mem>>) src(%dma_wait3A_54 : memref<80x128xf32, #tpu.memory_space<vmem>>) dst(%dma_wait3A_60 : memref<5128x128xf32, #tpu.memory_space<vmem_shared>>)
    %barrier3A_61 = arith.constant 0 : index
    tpu.barrier barrier_id(%barrier3A_61)
    %mul3A_62 = arith.constant 5120 : i32
    %mul3A_63 = arith.muli %arg0, %mul3A_62 : i32
    %add3A = arith.addi %mul3A_63, %mul3A_0 : i32
    "tpu.region"() ({
      %run_scoped3A_64 = tpu.sem_alloc : memref<!tpu.dma_semaphore, #tpu.memory_space<semaphore_mem>>
      %dma_start3A_65 = arith.constant 0 : i32
      %dma_start3A_66 = tpu.memref_slice %arg6[%add3A, %dma_start3A_65] : memref<10240x128xf32, #tpu.memory_space<hbm>> -> memref<320x128xf32, #tpu.memory_space<hbm>>
      %dma_start3A_67 = arith.constant 0 : i32
      %dma_start3A_68 = tpu.memref_slice %arg12[%mul3A_0, %dma_start3A_67] : memref<5128x128xf32, #tpu.memory_space<vmem_shared>> -> memref<320x128xf32, #tpu.memory_space<vmem_shared>>
      tpu.enqueue_dma source(%dma_start3A_68 : memref<320x128xf32, #tpu.memory_space<vmem_shared>>) target(%dma_start3A_66 : memref<320x128xf32, #tpu.memory_space<hbm>>) target_semaphore(%run_scoped3A_64 : memref<!tpu.dma_semaphore, #tpu.memory_space<semaphore_mem>>)
      %dma_wait3A_69 = arith.constant 0 : i32
      %dma_wait3A_70 = tpu.memref_slice %arg6[%add3A, %dma_wait3A_69] : memref<10240x128xf32, #tpu.memory_space<hbm>> -> memref<320x128xf32, #tpu.memory_space<hbm>>
      %dma_wait3A_71 = arith.constant 0 : i32
      %dma_wait3A_72 = tpu.memref_slice %arg12[%mul3A_0, %dma_wait3A_71] : memref<5128x128xf32, #tpu.memory_space<vmem_shared>> -> memref<320x128xf32, #tpu.memory_space<vmem_shared>>
      tpu.wait_dma2 semaphore(%run_scoped3A_64 : memref<!tpu.dma_semaphore, #tpu.memory_space<semaphore_mem>>) src(%dma_wait3A_72 : memref<320x128xf32, #tpu.memory_space<vmem_shared>>) dst(%dma_wait3A_70 : memref<320x128xf32, #tpu.memory_space<hbm>>)
      tpu.yield
    }) : () -> ()
    return
  }
}

module attributes {stable_mosaic.version = 14 : i64} {
  func.func @_tc_layer_body(%arg0: i32, %arg1: memref<1280x128xf32, #tpu.memory_space<vmem>>, %arg2: memref<1280x128xf32, #tpu.memory_space<vmem>>, %arg3: memref<1280x1xf32, #tpu.memory_space<vmem>>, %arg4: memref<128x128xf32, #tpu.memory_space<vmem>>, %arg5: memref<128x128xf32, #tpu.memory_space<vmem>>, %arg6: memref<1x128xf32, #tpu.memory_space<vmem>>, %arg7: memref<1280x128xf32, #tpu.memory_space<vmem>>) attributes {dimension_semantics = [#tpu.dimension_semantics<arbitrary>], iteration_bounds = array<i64: 8>, scalar_prefetch = 0 : i64, scratch_operands = 0 : i64, tpu.core_type = #tpu.core_type<tc>, window_params = [{transform_indices = @transform_0, window_bounds = array<i64: 1280, 128>}, {transform_indices = @transform_1, window_bounds = array<i64: 1280, 128>}, {transform_indices = @transform_2, window_bounds = array<i64: 1280, 1>}, {pipeline_mode = #tpu.pipeline_mode<synchronous>, transform_indices = @transform_3, window_bounds = array<i64: 128, 128>}, {pipeline_mode = #tpu.pipeline_mode<synchronous>, transform_indices = @transform_4, window_bounds = array<i64: 128, 128>}, {pipeline_mode = #tpu.pipeline_mode<synchronous>, transform_indices = @transform_5, window_bounds = array<i64: 1, 128>}, {transform_indices = @transform_6, window_bounds = array<i64: 1280, 128>}]} {
    %get3A = arith.constant 0 : index
    %get3A_0 = arith.constant 0 : index
    %get3A_1 = vector.load %arg1[%get3A, %get3A_0] : memref<1280x128xf32, #tpu.memory_space<vmem>>, vector<1280x128xf32>
    %get3A_2 = arith.constant 0 : index
    %get3A_3 = arith.constant 0 : index
    %get3A_4 = vector.load %arg3[%get3A_2, %get3A_3] : memref<1280x1xf32, #tpu.memory_space<vmem>>, vector<1280x1xf32>
    %max3A = arith.constant 1.000000e+00 : f32
    %max3A_5 = vector.broadcast %max3A : f32 to vector<1280x1xf32>
    %max3A_6 = arith.maximumf %get3A_4, %max3A_5 : vector<1280x1xf32>
    %div3A = arith.constant 1.000000e+00 : f32
    %div3A_7 = vector.broadcast %div3A : f32 to vector<1280x1xf32>
    %div3A_8 = arith.divf %div3A_7, %max3A_6 : vector<1280x1xf32>
    %get3A_9 = arith.constant 0 : index
    %get3A_10 = arith.constant 0 : index
    %get3A_11 = vector.load %arg2[%get3A_9, %get3A_10] : memref<1280x128xf32, #tpu.memory_space<vmem>>, vector<1280x128xf32>
    %mul3A = vector.broadcast %div3A_8 : vector<1280x1xf32> to vector<1280x128xf32>
    %mul3A_12 = arith.mulf %get3A_11, %mul3A : vector<1280x128xf32>
    %get3A_13 = arith.constant 0 : index
    %get3A_14 = arith.constant 0 : index
    %get3A_15 = vector.load %arg4[%get3A_13, %get3A_14] : memref<128x128xf32, #tpu.memory_space<vmem>>, vector<128x128xf32>
    %dot_general3A = arith.constant dense<0.000000e+00> : vector<1280x128xf32>
    %dot_general3A_16 = tpu.matmul %get3A_1, %get3A_15, %dot_general3A {dimension_numbers = #tpu.dot_dimension_numbers<[1], [0], [0], [1], [0, 0, 1, 1], [], []>, precision = #tpu.contract_precision<fp32>, transpose_lhs_hint = false} : vector<1280x128xf32>, vector<128x128xf32>, vector<1280x128xf32> -> vector<1280x128xf32>
    %get3A_17 = arith.constant 0 : index
    %get3A_18 = arith.constant 0 : index
    %get3A_19 = vector.load %arg5[%get3A_17, %get3A_18] : memref<128x128xf32, #tpu.memory_space<vmem>>, vector<128x128xf32>
    %dot_general3A_20 = arith.constant dense<0.000000e+00> : vector<1280x128xf32>
    %dot_general3A_21 = tpu.matmul %mul3A_12, %get3A_19, %dot_general3A_20 {dimension_numbers = #tpu.dot_dimension_numbers<[1], [0], [0], [1], [0, 0, 1, 1], [], []>, precision = #tpu.contract_precision<fp32>, transpose_lhs_hint = false} : vector<1280x128xf32>, vector<128x128xf32>, vector<1280x128xf32> -> vector<1280x128xf32>
    %add3A = arith.addf %dot_general3A_16, %dot_general3A_21 : vector<1280x128xf32>
    %get3A_22 = arith.constant 0 : index
    %get3A_23 = arith.constant 0 : index
    %get3A_24 = vector.load %arg6[%get3A_22, %get3A_23] : memref<1x128xf32, #tpu.memory_space<vmem>>, vector<1x128xf32>
    %add3A_25 = vector.broadcast %get3A_24 : vector<1x128xf32> to vector<1280x128xf32>
    %add3A_26 = arith.addf %add3A, %add3A_25 : vector<1280x128xf32>
    %max3A_27 = arith.constant 0.000000e+00 : f32
    %max3A_28 = vector.broadcast %max3A_27 : f32 to vector<1280x128xf32>
    %max3A_29 = arith.maximumf %add3A_26, %max3A_28 : vector<1280x128xf32>
    %swap3A = arith.constant 0 : index
    %swap3A_30 = arith.constant 0 : index
    %swap3A_31 = vector.load %arg7[%swap3A, %swap3A_30] : memref<1280x128xf32, #tpu.memory_space<vmem>>, vector<1280x128xf32>
    tpu.vector_store %arg7[%swap3A, %swap3A_30], %max3A_29 {strides = array<i32>} : memref<1280x128xf32, #tpu.memory_space<vmem>>, vector<1280x128xf32>,
    return
  }
  func.func @transform_0(%arg0: i32) -> (i32, i32) {
    %c0_i32 = arith.constant 0 : i32
    %c0_i32_0 = arith.constant 0 : i32
    return %arg0, %c0_i32 : i32, i32
  }
  func.func @transform_1(%arg0: i32) -> (i32, i32) {
    %c0_i32 = arith.constant 0 : i32
    %c0_i32_0 = arith.constant 0 : i32
    return %arg0, %c0_i32 : i32, i32
  }
  func.func @transform_2(%arg0: i32) -> (i32, i32) {
    %c0_i32 = arith.constant 0 : i32
    %c0_i32_0 = arith.constant 0 : i32
    return %arg0, %c0_i32 : i32, i32
  }
  func.func @transform_3(%arg0: i32) -> (i32, i32) {
    %c0_i32 = arith.constant 0 : i32
    %c0_i32_0 = arith.constant 0 : i32
    %c0_i32_1 = arith.constant 0 : i32
    return %c0_i32, %c0_i32_0 : i32, i32
  }
  func.func @transform_4(%arg0: i32) -> (i32, i32) {
    %c0_i32 = arith.constant 0 : i32
    %c0_i32_0 = arith.constant 0 : i32
    %c0_i32_1 = arith.constant 0 : i32
    return %c0_i32, %c0_i32_0 : i32, i32
  }
  func.func @transform_5(%arg0: i32) -> (i32, i32) {
    %c0_i32 = arith.constant 0 : i32
    %c0_i32_0 = arith.constant 0 : i32
    %c0_i32_1 = arith.constant 0 : i32
    return %c0_i32, %c0_i32_0 : i32, i32
  }
  func.func @transform_6(%arg0: i32) -> (i32, i32) {
    %c0_i32 = arith.constant 0 : i32
    %c0_i32_0 = arith.constant 0 : i32
    return %arg0, %c0_i32 : i32, i32
  }
}

module attributes {stable_mosaic.version = 14 : i64} {
  func.func @_tc_layer_body(%arg0: i32, %arg1: memref<1280x128xf32, #tpu.memory_space<vmem>>, %arg2: memref<1280x128xf32, #tpu.memory_space<vmem>>, %arg3: memref<1280x1xf32, #tpu.memory_space<vmem>>, %arg4: memref<128x128xf32, #tpu.memory_space<vmem>>, %arg5: memref<128x128xf32, #tpu.memory_space<vmem>>, %arg6: memref<1x128xf32, #tpu.memory_space<vmem>>, %arg7: memref<1280x128xf32, #tpu.memory_space<vmem>>) attributes {dimension_semantics = [#tpu.dimension_semantics<arbitrary>], iteration_bounds = array<i64: 8>, scalar_prefetch = 0 : i64, scratch_operands = 0 : i64, tpu.core_type = #tpu.core_type<tc>, window_params = [{transform_indices = @transform_0, window_bounds = array<i64: 1280, 128>}, {transform_indices = @transform_1, window_bounds = array<i64: 1280, 128>}, {transform_indices = @transform_2, window_bounds = array<i64: 1280, 1>}, {pipeline_mode = #tpu.pipeline_mode<synchronous>, transform_indices = @transform_3, window_bounds = array<i64: 128, 128>}, {pipeline_mode = #tpu.pipeline_mode<synchronous>, transform_indices = @transform_4, window_bounds = array<i64: 128, 128>}, {pipeline_mode = #tpu.pipeline_mode<synchronous>, transform_indices = @transform_5, window_bounds = array<i64: 1, 128>}, {transform_indices = @transform_6, window_bounds = array<i64: 1280, 128>}]} {
    %get3A = arith.constant 0 : index
    %get3A_0 = arith.constant 0 : index
    %get3A_1 = vector.load %arg1[%get3A, %get3A_0] : memref<1280x128xf32, #tpu.memory_space<vmem>>, vector<1280x128xf32>
    %get3A_2 = arith.constant 0 : index
    %get3A_3 = arith.constant 0 : index
    %get3A_4 = vector.load %arg3[%get3A_2, %get3A_3] : memref<1280x1xf32, #tpu.memory_space<vmem>>, vector<1280x1xf32>
    %max3A = arith.constant 1.000000e+00 : f32
    %max3A_5 = vector.broadcast %max3A : f32 to vector<1280x1xf32>
    %max3A_6 = arith.maximumf %get3A_4, %max3A_5 : vector<1280x1xf32>
    %div3A = arith.constant 1.000000e+00 : f32
    %div3A_7 = vector.broadcast %div3A : f32 to vector<1280x1xf32>
    %div3A_8 = arith.divf %div3A_7, %max3A_6 : vector<1280x1xf32>
    %get3A_9 = arith.constant 0 : index
    %get3A_10 = arith.constant 0 : index
    %get3A_11 = vector.load %arg2[%get3A_9, %get3A_10] : memref<1280x128xf32, #tpu.memory_space<vmem>>, vector<1280x128xf32>
    %mul3A = vector.broadcast %div3A_8 : vector<1280x1xf32> to vector<1280x128xf32>
    %mul3A_12 = arith.mulf %get3A_11, %mul3A : vector<1280x128xf32>
    %get3A_13 = arith.constant 0 : index
    %get3A_14 = arith.constant 0 : index
    %get3A_15 = vector.load %arg4[%get3A_13, %get3A_14] : memref<128x128xf32, #tpu.memory_space<vmem>>, vector<128x128xf32>
    %dot_general3A = arith.constant dense<0.000000e+00> : vector<1280x128xf32>
    %dot_general3A_16 = tpu.matmul %get3A_1, %get3A_15, %dot_general3A {dimension_numbers = #tpu.dot_dimension_numbers<[1], [0], [0], [1], [0, 0, 1, 1], [], []>, precision = #tpu.contract_precision<fp32>, transpose_lhs_hint = false} : vector<1280x128xf32>, vector<128x128xf32>, vector<1280x128xf32> -> vector<1280x128xf32>
    %get3A_17 = arith.constant 0 : index
    %get3A_18 = arith.constant 0 : index
    %get3A_19 = vector.load %arg5[%get3A_17, %get3A_18] : memref<128x128xf32, #tpu.memory_space<vmem>>, vector<128x128xf32>
    %dot_general3A_20 = arith.constant dense<0.000000e+00> : vector<1280x128xf32>
    %dot_general3A_21 = tpu.matmul %mul3A_12, %get3A_19, %dot_general3A_20 {dimension_numbers = #tpu.dot_dimension_numbers<[1], [0], [0], [1], [0, 0, 1, 1], [], []>, precision = #tpu.contract_precision<fp32>, transpose_lhs_hint = false} : vector<1280x128xf32>, vector<128x128xf32>, vector<1280x128xf32> -> vector<1280x128xf32>
    %add3A = arith.addf %dot_general3A_16, %dot_general3A_21 : vector<1280x128xf32>
    %get3A_22 = arith.constant 0 : index
    %get3A_23 = arith.constant 0 : index
    %get3A_24 = vector.load %arg6[%get3A_22, %get3A_23] : memref<1x128xf32, #tpu.memory_space<vmem>>, vector<1x128xf32>
    %add3A_25 = vector.broadcast %get3A_24 : vector<1x128xf32> to vector<1280x128xf32>
    %add3A_26 = arith.addf %add3A, %add3A_25 : vector<1280x128xf32>
    %swap3A = arith.constant 0 : index
    %swap3A_27 = arith.constant 0 : index
    %swap3A_28 = vector.load %arg7[%swap3A, %swap3A_27] : memref<1280x128xf32, #tpu.memory_space<vmem>>, vector<1280x128xf32>
    tpu.vector_store %arg7[%swap3A, %swap3A_27], %add3A_26 {strides = array<i32>} : memref<1280x128xf32, #tpu.memory_space<vmem>>, vector<1280x128xf32>,
    return
  }
  func.func @transform_0(%arg0: i32) -> (i32, i32) {
    %c0_i32 = arith.constant 0 : i32
    %c0_i32_0 = arith.constant 0 : i32
    return %arg0, %c0_i32 : i32, i32
  }
  func.func @transform_1(%arg0: i32) -> (i32, i32) {
    %c0_i32 = arith.constant 0 : i32
    %c0_i32_0 = arith.constant 0 : i32
    return %arg0, %c0_i32 : i32, i32
  }
  func.func @transform_2(%arg0: i32) -> (i32, i32) {
    %c0_i32 = arith.constant 0 : i32
    %c0_i32_0 = arith.constant 0 : i32
    return %arg0, %c0_i32 : i32, i32
  }
  func.func @transform_3(%arg0: i32) -> (i32, i32) {
    %c0_i32 = arith.constant 0 : i32
    %c0_i32_0 = arith.constant 0 : i32
    %c0_i32_1 = arith.constant 0 : i32
    return %c0_i32, %c0_i32_0 : i32, i32
  }
  func.func @transform_4(%arg0: i32) -> (i32, i32) {
    %c0_i32 = arith.constant 0 : i32
    %c0_i32_0 = arith.constant 0 : i32
    %c0_i32_1 = arith.constant 0 : i32
    return %c0_i32, %c0_i32_0 : i32, i32
  }
  func.func @transform_5(%arg0: i32) -> (i32, i32) {
    %c0_i32 = arith.constant 0 : i32
    %c0_i32_0 = arith.constant 0 : i32
    %c0_i32_1 = arith.constant 0 : i32
    return %c0_i32, %c0_i32_0 : i32, i32
  }
  func.func @transform_6(%arg0: i32) -> (i32, i32) {
    %c0_i32 = arith.constant 0 : i32
    %c0_i32_0 = arith.constant 0 : i32
    return %arg0, %c0_i32 : i32, i32
  }
}

</mosaic_0001>

<sc_bundles>
// kernel: kernel.6.cloned.1.call-start
scs
__scs_entry_jumppad:
0x0: {  	(pc) =	sbr.rel $0x88, $3  }
0x1: {  	(tag) =	ssettag $0x0;
	lr =	simm.s32 $0x1  }
0x2: {  	[smem:$0x3F99] =	sst lr;
	_ =	strace $0xD0000000  }
0x3: {  	_ = 	snop  }
0x4: {  	_ = 	snop  }
0x5: {  	_ = 	snop  }
0x6: {  	_ = 	snop  }
0x7: {  	_ = 	snop  }
__scs_overlays_trampoline_lowered:
0x8: {  	[smem:$0x3FA8] =	sst s0  }
0x9: {  	[smem:$0x3FA9] =	sst s1  }
0xa: {  	[smem:$0x3FAA] =	sst s2  }
0xb: {  	[smem:$0x3FAB] =	sst s3  }
0xc: {  	[smem:$0x3FAC] =	sst s4  }
0xd: {  	[smem:$0x3FAD] =	sst s5  }
0xe: {  	[smem:$0x3FAE] =	sst s6  }
0xf: {  	[smem:$0x3FAF] =	sst s7  }
0x10: {  	[smem:$0x3FB0] =	sst s8  }
0x11: {  	[smem:$0x3FB1] =	sst s9;
	s0 =	simm.s32 @!p0 $0x0  }
0x12: {  	s1 =	sld [smem:$0x3F97];
	s0 =	simm.s32 @p0 $0x1  }
0x13: {  	[smem:$0x3FB2] =	sst s0;
	s0 =	simm.s32 @!p1 $0x0  }
0x14: {  	s2 =	sld [smem:$0x3F96];
	s0 =	simm.s32 @p1 $0x1  }
0x15: {  	[smem:$0x3FB3] =	sst s0;
	s0 =	simm.s32 @!p2 $0x0  }
0x16: {  	s3 =	sld [smem:$0x3FDB];
	s0 =	simm.s32 @p2 $0x1  }
0x17: {  	s4 =	simm.s32 $0x1BF5;
	[smem:$0x3FB5] =	sst s0  }
0x18: {  	s0 =	sld [smem:$0x3F98];
	_ =	swait.ge [sflag:s4], $0x0  }
0x19: {  	s7 =	sld [smem:$0x3F99]  }
0x1a: {  	s8 =	sadd.s32 $0xFFFFE003, lr  }
0x1b: {  	s9 =	sadd.s32 $0xFFFFFEF7, lr;
	s5 =	simm.s32 $0xFFFFFFFF;
	p2 =	slt.u32 s8, $0xFFFFF086  }
0x1c: {  	p1 =	slt.u32 s9, $0xF7A;
	s5 =	simm.s32 @!p2 $0x0  }
0x1d: {  	s5 =	simm.s32 @p1 $0x1;
	p0 =	seq.s32 s7, s2  }
0x1e: {  	s7 =	smul.u32 @!p0 $0xF7A, s2;
	p2 =	seq.s32 @!p0 s5, $0x0  }
0x1f: {  	s9 =	smul.u32 $0xF7A, s1;
	s8 =	simm.s32 @!p0 $0x1BF5;
	p2 =	por !p2, p0  }
0x20: {  	[sflag:s8] =	ssyncset.s32 @!p0 $0xFFFFF086;
	s6 =	sadd.s32 @!p0 s3, s7;
	s7 =	simm.s32 @!p0 $0x108  }
0x21: {  	s3 =	sadd.s32 s3, s9;
	s6 =	sadd.s32 @!p0 $0x88, s6;
	s7 =	simm.s32 @p2 $0x1082  }
0x22: {  	[simem:s7], [sflag:s8] =	dma.local @!p0 [hbm:s6], $0xF7A  }
0x23: {  	s9 =	sor.u32 $0xD0000000, s2;
	s6 =	simm.s32 $0x108;
	_ =	swait.ge @!p0 [sflag:s8], $0x0  }
0x24: {  	s3 =	sadd.s32 $0x88, s3;
	s6 =	simm.s32 @!p1 $0x1082;
	[sflag:s4] =	ssyncset.s32 $0xFFFFF086  }
0x25: {  	[simem:s6], [sflag:s4] =	dma.local [hbm:s3], $0xF7A  }
0x26: {  	[smem:$0x3F99] =	sst s1;
	(tag) =	ssettag s2;
	_ =	strace s9  }
0x27: {  	s1 =	sld [smem:$0x3FA9]  }
0x28: {  	s2 =	sld [smem:$0x3FAA]  }
0x29: {  	s4 =	sld [smem:$0x3FAC]  }
0x2a: {  	p0 =	seq.s32 s5, $0x0;
	s5 =	sld [smem:$0x3FAD]  }
0x2b: {  	s6 =	sld [smem:$0x3FAE]  }
0x2c: {  	s7 =	sld [smem:$0x3FAF]  }
0x2d: {  	s3 =	simm.s32 $0x108;
	s8 =	sld [smem:$0x3FB0]  }
0x2e: {  	s3 =	simm.s32 @!p0 $0x1082;
	s9 =	sld [smem:$0x3FB1]  }
0x2f: {  	lr =	sadd.s32 s0, s3;
	s0 =	sld [smem:$0x3FA8]  }
0x30: {  	s3 =	sld [smem:$0x3FAB]  }
0x31: {  	[smem:$0x3FB4] =	sst s10  }
0x32: {  	s10 =	sld [smem:$0x3FB2];
	_ =	sdelay $0x3  }
0x33: {  	p0 =	seq.s32 s10, $0x1;
	s10 =	sld [smem:$0x3FB4];
	_ =	sdelay $0x3  }
0x34: {  	[smem:$0x3FB4] =	sst s10  }
0x35: {  	s10 =	sld [smem:$0x3FB3];
	_ =	sdelay $0x3  }
0x36: {  	p1 =	seq.s32 s10, $0x1;
	s10 =	sld [smem:$0x3FB4];
	_ =	sdelay $0x3  }
0x37: {  	[smem:$0x3FB4] =	sst s10  }
0x38: {  	s10 =	sld [smem:$0x3FB5]  }
0x39: {  	_ = 	snop;
	(pc) =	sbr.ind lr, $3  }
0x3a: {  	_ = 	snop  }
0x3b: {  	_ = 	snop  }
0x3c: {  	p2 =	seq.s32 s10, $0x1;
	s10 =	sld [smem:$0x3FB4]  }
0x3d: {  	_ =	shalt  }
0x3e: {  	_ =	shalt  }
0x3f: {  	_ =	shalt  }
0x40: {  	_ =	shalt  }
0x41: {  	_ =	shalt  }
0x42: {  	_ =	shalt  }
0x43: {  	_ =	shalt  }
0x44: {  	_ =	shalt  }
0x45: {  	_ =	shalt  }
0x46: {  	_ =	shalt  }
0x47: {  	_ =	shalt  }
0x48: {  	_ =	shalt  }
0x49: {  	_ =	shalt  }
0x4a: {  	_ =	shalt  }
0x4b: {  	_ =	shalt  }
0x4c: {  	_ =	shalt  }
0x4d: {  	_ =	shalt  }
0x4e: {  	_ =	shalt  }
0x4f: {  	_ =	shalt  }
0x50: {  	_ =	shalt  }
0x51: {  	_ =	shalt  }
0x52: {  	_ =	shalt  }
0x53: {  	_ =	shalt  }
0x54: {  	_ =	shalt  }
0x55: {  	_ =	shalt  }
0x56: {  	_ =	shalt  }
0x57: {  	_ =	shalt  }
0x58: {  	_ =	shalt  }
0x59: {  	_ =	shalt  }
0x5a: {  	_ =	shalt  }
0x5b: {  	_ =	shalt  }
0x5c: {  	_ =	shalt  }
0x5d: {  	_ =	shalt  }
0x5e: {  	_ =	shalt  }
0x5f: {  	_ =	shalt  }
0x60: {  	_ =	shalt  }
0x61: {  	_ =	shalt  }
0x62: {  	_ =	shalt  }
0x63: {  	_ =	shalt  }
0x64: {  	_ =	shalt  }
0x65: {  	_ =	shalt  }
0x66: {  	_ =	shalt  }
0x67: {  	_ =	shalt  }
0x68: {  	_ =	shalt  }
0x69: {  	_ =	shalt  }
0x6a: {  	_ =	shalt  }
0x6b: {  	_ =	shalt  }
0x6c: {  	_ =	shalt  }
0x6d: {  	_ =	shalt  }
0x6e: {  	_ =	shalt  }
0x6f: {  	_ =	shalt  }
0x70: {  	_ =	shalt  }
0x71: {  	_ =	shalt  }
0x72: {  	_ =	shalt  }
0x73: {  	_ =	shalt  }
0x74: {  	_ =	shalt  }
0x75: {  	_ =	shalt  }
0x76: {  	_ =	shalt  }
0x77: {  	_ =	shalt  }
0x78: {  	_ =	shalt  }
0x79: {  	_ =	shalt  }
0x7a: {  	_ =	shalt  }
0x7b: {  	_ =	shalt  }
0x7c: {  	_ =	shalt  }
0x7d: {  	_ =	shalt  }
0x7e: {  	_ =	shalt  }
0x7f: {  	_ =	shalt  }
0x80: {  	_ =	shalt  }
0x81: {  	_ =	shalt  }
0x82: {  	_ =	shalt  }
0x83: {  	_ =	shalt  }
0x84: {  	_ =	shalt  }
0x85: {  	_ =	shalt  }
0x86: {  	_ =	shalt  }
0x87: {  	_ =	shalt  }
.Lfunc_end0:
.L_simem_size_0:
called_computation_lowered:
.L_overlay_start_0:
0x88: {  	s2 =	sld [smem:$0x3FD9]  }
0x89: {  	s3 =	sld [smem:$0x3FFE];
	_ =	sdelay $0x1  }
0x8a: {  	s1 =	srdreg.scid  }
0x8b: {  	s0 =	sand.u32 $0x1, s1  }
0x8c: {  	s17 =	sshll.u32 s0, $0xA;
	s2 =	sadd.s32 s3, s2  }
0x8d: {  	s2 =	sadd.s32 s2, s17  }
0x8e: {  	[smem:$0x3FC0] =	sst s2  }
0x8f: {  	_ = 	snop  }
0x90: {  	s2 =	sld [smem:$0x3FD0];
	(tm) =	ssettm $0x1  }
0x91: {  	s18 =	sld [smem:$0x3FFB];
	_ =	sdelay $0x3  }
0x92: {  	_ =	strace s18  }
0x93: {  	s3 =	sld [smem:$0x3FFC];
	_ =	sdelay $0x3  }
0x94: {  	_ =	strace s3  }
0x95: {  	s3 =	sld [smem:$0x3FFD];
	_ =	sdelay $0x3  }
0x96: {  	_ =	strace s3  }
0x97: {  	_ =	strace $0x8FFFFFFF  }
0x98: {  	s19 =	sld [smem:$0x3FDB];
	_ =	sdelay $0x1  }
0x99: {  	s4 =	simm.s32 $_scs_section_size  }
0x9a: {  	s5 =	simm.s32 $_size__tile_overlayer_lowered;
	s6 =	simm.s32 $_tile_overlayer_lowered  }
0x9b: {  	s22 =	simm.s32 $0x1BFF;
	s21 =	sshll.u32 s6, $0x1;
	s3 =	sadd.s32 s4, s19  }
0x9c: {  	s7 =	simm.s32 $0x0;
	s20 =	sshll.u32 s5, $0x1;
	s5 =	sadd.s32 s21, s3  }
0x9d: {  	[timem:s7], [sflag:s22] =	dma.local [hbm:s5], s20  }
0x9e: {  	_ =	swait.ge [sflag:s22], s20  }
0x9f: {  	s4 =	ssub.s32 $0x0, s20;
	[sflag:s22] =	ssyncset.done $0x0  }
0xa0: {  	[sflag:s22] =	ssyncadd.s32 s4;
	_ =	sdelay $0x1  }
0xa1: {  	s23 =	simm.s32 $0x1B8B  }
0xa2: {  	_ =	swait.ge [sflag:s23], $0x1  }
0xa3: {  	[sflag:s23] =	ssyncset.done $0x0  }
0xa4: {  	s25 =	simm.s32 $0x1B8E;
	s24 =	sld [smem:$0x3FFE];
	[sflag:s23] =	ssyncadd.s32 $0xFFFFFFFF  }
0xa5: {  	s26 =	simm.s32 $execute0_lowered;
	[smem:$0x3FD2] =	sst s25  }
0xa6: {  	s5 =	sshll.u32 s26, $0x1;
	_ =	strace $0x80000046;
	[dreg:$0x1] =	wrdreg $0xFFFFFFFF  }
0xa7: {  	s28 =	simm.s32 $_size_execute0_lowered;
	s3 =	sadd.s32 s3, s5;
	[dreg:$0x0] =	wrdreg $0x0  }
0xa8: {  	s5 =	sshll.u32 s28, $0x1;
	[dreg:$0x2] =	wrdreg s3  }
0xa9: {  	[dreg:$0x3] =	wrdreg s5  }
0xaa: {  	[dreg:$0x4] =	wrdreg $0xC0  }
0xab: {  	_ =	task [dreg:s7], $0x5FFFF  }
0xac: {  	[dreg:$0x1] =	wrdreg $0xFFFFFFFF  }
0xad: {  	[dreg:$0x0] =	wrdreg $0x60  }
0xae: {  	[dreg:$0x2] =	wrdreg s24  }
0xaf: {  	[dreg:$0x3] =	wrdreg s2  }
0xb0: {  	[dreg:$0x4] =	wrdreg $0xD2000  }
0xb1: {  	[dreg:$0x5] =	wrdreg $0x172400  }
0xb2: {  	[dreg:$0x6] =	wrdreg $0x9  }
0xb3: {  	_ =	task.clear_ibuf [dreg:s7], $0x7FFFF;
	_ =	strace $0x90000046  }
0xb4: {  	s29 =	simm.s32 $0x9;
	_ =	strace $0x80000048  }
0xb5: {  	_ =	swait.ge [sflag:s29], $0x1  }
0xb6: {  	[sflag:s29] =	ssyncadd.s32 $0xFFFFFFFF  }
0xb7: {  	_ =	strace $0x90000048  }
0xb8: {  	_ =	sfence  }
0xb9: {  	s30 =	sld [smem:$0x0];
	_ =	sdelay $0x2  }
0xba: {  	s31 =	sshll.u32 s1, $0xD;
	s1 =	sshrl.u32 s1, $0x2  }
0xbb: {  	s3 =	sand.u32 $0x4000, s31;
	s1 =	sadd.s32 s1, s30  }
0xbc: {  	s0 =	sor.u32 s3, s0;
	s1 =	sshll.u32 s1, $0x11  }
0xbd: {  	s0 =	sor.u32 s1, s0  }
0xbe: {  	s0 =	sadd.s32 $0x8F2B, s0  }
0xbf: {  	[sflag:s0] =	ssyncadd.remote.s32 $0x1  }
0xc0: {  	_ =	sfence.sel $0xFFFF  }
0xc1: {  	[dreg:$0x0] =	wrdreg $0xFFFFFFFF;
	(pc) =	sbr.abs _section_cstart, $3  }
0xc2: {  	[dreg:$0x1] =	wrdreg $0xFFFFFFFF  }
0xc3: {  	_ =	task.clear_ibuf [dreg:s7], $0x2FFFF;
	_ =	strace $0x9FFFFFFF  }
0xc4: {  	(tm) =	ssettm $0x7FFFFFFF  }
0xc5: {  	_ =	shalt  }
tec
execute0_lowered:
.L_overlay_start_1:
0x0: {  	(tag) =	ssettag $0x1  }
0x1: {  	s0 =	rddreg [dreg:$0x0]  }
0x2: {  	s2 =	rddreg [dreg:$0x1]  }
0x3: {  	s1 =	rddreg [dreg:$0x2]  }
0x4: {  	s3 =	rddreg [dreg:$0x3];
	s4 =	simm.s32 $0x0;
	s15 =	stileid.u32  }
0x5: {  	s5 =	srdreg.scid;
	s28 =	simm.s32 $0x5;
	s29 =	simm.s32 $0x100  }
0x6: {  	s30 =	simm.s32 $0x2;
	s31 =	simm.s32 $0x4080;
	[smem:$0x7FF] =	sst s4  }
0x7: {  	s6 =	sand.u32 $0x1, s5;
	s8 =	smul.u32 $0x140, s15;
	s7 =	sshll.u32 s15, $0xC  }
0x8: {  	s5 =	sadd.s32 $0x12200, s0;
	s12 =	sadd.s32 $0x3A200, s0;
	s13 =	smul.u32 $0x28000, s15  }
0x9: {  	s21 =	sshll.u32 s15, $0x6;
	_ =	strace $0x80000047;
	s9 =	smul.u32 $0x1400, s6  }
0xa: {  	s10 =	sshll.u32 s6, $0x4;
	s11 =	sadd.s32 s7, s0;
	[dreg:$0x5] =	wrdreg s12  }
0xb: {  	s16 =	ssub.s32 $0x2, s6;
	s6 =	sshll.u32 s6, $0x10;
	s12 =	simm.s32 $0x0  }
0xc: {  	s10 =	sor.u32 s15, s10;
	s17 =	sshrl.u32 s16, $0x1;
	s19 =	sshrl.u32 s13, $0x2  }
0xd: {  	s6 =	sor.u32 s7, s6;
	s7 =	sor.u32 $0x1C07, s21;
	s22 =	sadd.s32 $0x2200, s11  }
0xe: {  	s23 =	sadd.s32 $0x2A00, s11;
	s21 =	simm.s32 $0x8000;
	s11 =	simm.s32 $0x7E80  }
0xf: {  	s9 =	sadd.s32 s8, s9;
	s10 =	smul.u32 $0x30, s10;
	s18 =	ssub.s32 s16, s17  }
0x10: {  	s20 =	sadd.s32 s19, s1;
	s8 =	sadd.s32 s8, s3;
	[dreg:$0x6] =	wrdreg s22  }
0x11: {  	[dreg:$0x7] =	wrdreg s23;
	s17 =	simm.s32 $0x7;
	s19 =	simm.s32 $0x4000  }
0x12: {  	s22 =	simm.s32 $0x80;
	s23 =	simm.s32 $0xA800;
	s9 =	sshll.u32 s9, $0x4  }
0x13: {  	s26 =	smax.u32 s18, $0x1;
	s16 =	sshrl.u32 s20, $0x3;
	s18 =	simm.s32 $0xD080  }
0x14: {  	s20 =	simm.s32 $0x50;
	s14 =	sadd.s32 s9, s0;
	s9 =	sadd.s32 s2, s6  }
0x15: {  	s0 =	sadd.s32 s10, s0;
	[dreg:$0xb] =	wrdreg s26;
	s24 =	sadd.s32 $0x800, s9  }
0x16: {  	s26 =	simm.s32 $0x3;
	s25 =	sadd.s32 $0x3BC00, s14;
	[dreg:$0x8] =	wrdreg s24  }
0x17: {  	s2 =	simm.s32 $0x6;
	s0 =	sadd.s32 $0x3B600, s0;
	[dreg:$0x9] =	wrdreg s25  }
0x18: {  	s6 =	simm.s32 $0x3E80;
	s10 =	simm.s32 $0x7E00;
	[dreg:$0xa] =	wrdreg s0  }
0x19: {  	v0 =	vimm.f32 $0.0e+00;
	v1 =	vimm.f32 $1.000000000e+00;
	s24 =	simm.s32 $0x1;
	s25 =	simm.s32 $0xD000;
	s0 =	simm.s32 $0x4  }
.LBB2_1:
0x1a: {  	s13 =	rddreg [dreg:$0x5]  }
0x1b: {  	[spmem:s16], [sflag:s7] =	dma.local [hbm:s13], $0x1400  }
0x1c: {  	_ =	swait.ge [sflag:s17], $0x1400  }
0x1d: {  	[sflag:s17] =	ssyncset.done $0x0  }
0x1e: {  	[sflag:s17] =	ssyncadd.s32 $0xFFFFEC00  }
0x1f: {  	[tilespmem:$0xD080] =	vst v0  }
0x20: {  	[tilespmem:$0xD090] =	vst v0  }
0x21: {  	[tilespmem:$0xD0A0] =	vst v0  }
0x22: {  	[tilespmem:$0xD0B0] =	vst v0  }
0x23: {  	[tilespmem:$0xD0C0] =	vst v0  }
0x24: {  	[tilespmem:$0xD0D0] =	vst v0  }
0x25: {  	[tilespmem:$0xD0E0] =	vst v0  }
0x26: {  	[tilespmem:$0xD0F0] =	vst v0  }
0x27: {  	[tilespmem:$0xD100] =	vst v0  }
0x28: {  	[tilespmem:$0xD110] =	vst v0  }
0x29: {  	[tilespmem:$0xD120] =	vst v0  }
0x2a: {  	[tilespmem:$0xD130] =	vst v0  }
0x2b: {  	[tilespmem:$0xD140] =	vst v0  }
0x2c: {  	[tilespmem:$0xD150] =	vst v0  }
0x2d: {  	[tilespmem:$0xD160] =	vst v0  }
0x2e: {  	[tilespmem:$0xD170] =	vst v0  }
0x2f: {  	[tilespmem:$0xD180] =	vst v0  }
0x30: {  	[tilespmem:$0xD190] =	vst v0  }
0x31: {  	[tilespmem:$0xD1A0] =	vst v0  }
0x32: {  	[tilespmem:$0xD1B0] =	vst v0  }
0x33: {  	[spmem:s8] =	stream.linear.scatter [tilespmem:s18], [sflag:$0x7], $0x140, $0x38;
	[tilespmem:$0x17388] =	vst v63  }
0x34: {  	_ =	swait.ge [sflag:s17], $0x140  }
0x35: {  	[sflag:s17] =	ssyncset.done $0x0  }
0x36: {  	[sflag:s17] =	ssyncadd.s32 $0xFFFFFEC0  }
0x37: {  	[tilespmem:$0xD000] =	vst v1  }
0x38: {  	[tilespmem:$0xD010] =	vst v1  }
0x39: {  	[tilespmem:$0xD020] =	vst v1  }
0x3a: {  	[tilespmem:$0xD030] =	vst v1  }
0x3b: {  	[tilespmem:$0xD040] =	vst v1  }
0x3c: {  	[bflag:$0x0] =	sbarrier.arrive $0xFFFF  }
0x3d: {  	s14 =	rddreg [dreg:$0x6]  }
0x3e: {  	[tilespmem:s4], [sflag:$0x7] =	stream.linear.gather [hbm4b:s14+s4], $0x3F00, $0x38;
	[tilespmem:$0x17388] =	vst v63  }
0x3f: {  	_ =	swait.ge [sflag:s17], $0x3F00  }
0x40: {  	[sflag:s17] =	ssyncset.done $0x0  }
0x41: {  	[sflag:s17] =	ssyncadd.s32 $0xFFFFC100  }
0x42: {  	[tilespmem:s19], [sflag:$0x7] =	stream.linear.gather [hbm4b:s9+s4], $0x3F00, $0x38;
	[tilespmem:$0x17388] =	vst v63  }
0x43: {  	_ =	swait.ge [sflag:s17], $0x3F00  }
0x44: {  	[sflag:s17] =	ssyncset.done $0x0  }
0x45: {  	[sflag:s17] =	ssyncadd.s32 $0xFFFFC100  }
0x46: {  	[tilespmem:s21], [sflag:$0x1] =	stream.indirect.gather [hbm4b:s5+s20], $0x80, s4, s20, $0xb8;
	[tilespmem:$0x17388] =	vst v63  }
0x47: {  	_ = 	snop  }
0x48: {  	[tilespmem:s23], [sflag:$0x2] =	stream.indirect.gather [hbm4b:s5+s20], $0x80, s22, s20, $0xb8;
	[tilespmem:$0x17388] =	vst v63  }
0x49: {  	_ =	swait.ge [sflag:s24], $0x2800  }
0x4a: {  	[sflag:s24] =	ssyncset.done $0x0  }
0x4b: {  	[sflag:s24] =	ssyncadd.s32 $0xFFFFD800  }
0x4c: {  	[spmem:s1] =	stream.indirect.scatter.add.f32 [tilespmem:s21], [sflag:$0x3], $0x80, s19, s20, $0xb8;
	[tilespmem:$0x17388] =	vst v63  }
0x4d: {  	_ = 	snop  }
0x4e: {  	[spmem:s3] =	stream.indirect.scatter.add.f32 [tilespmem:s25], [sflag:$0x5], $0x1, s19, s20, $0xb8;
	[tilespmem:$0x17388] =	vst v63  }
0x4f: {  	_ =	swait.ge [sflag:s26], $0x2800  }
0x50: {  	[sflag:s26] =	ssyncset.done $0x0  }
0x51: {  	[sflag:s26] =	ssyncadd.s32 $0xFFFFD800  }
0x52: {  	_ =	swait.ge [sflag:s28], $0x50  }
0x53: {  	[sflag:s28] =	ssyncset.done $0x0  }
0x54: {  	[sflag:s28] =	ssyncadd.s32 $0xFFFFFFB0  }
0x55: {  	[tilespmem:s21], [sflag:$0x1] =	stream.indirect.gather [hbm4b:s5+s20], $0x80, s29, s20, $0xb8;
	[tilespmem:$0x17388] =	vst v63  }
0x56: {  	_ =	swait.ge [sflag:s30], $0x2800  }
0x57: {  	[sflag:s30] =	ssyncset.done $0x0  }
0x58: {  	[sflag:s30] =	ssyncadd.s32 $0xFFFFD800  }
0x59: {  	[spmem:s1] =	stream.indirect.scatter.add.f32 [tilespmem:s23], [sflag:$0x4], $0x80, s31, s20, $0xb8;
	[tilespmem:$0x17388] =	vst v63  }
0x5a: {  	_ = 	snop  }
0x5b: {  	[spmem:s3] =	stream.indirect.scatter.add.f32 [tilespmem:s25], [sflag:$0x6], $0x1, s31, s20, $0xb8;
	[tilespmem:$0x17388] =	vst v63  }
0x5c: {  	_ =	swait.ge [sflag:s0], $0x2800  }
0x5d: {  	[sflag:s0] =	ssyncset.done $0x0  }
0x5e: {  	[sflag:s0] =	ssyncadd.s32 $0xFFFFD800  }
0x5f: {  	_ =	swait.ge [sflag:s2], $0x50  }
0x60: {  	[sflag:s2] =	ssyncset.done $0x0  }
0x61: {  	s15 =	simm.s32 $0x180;
	[sflag:s2] =	ssyncadd.s32 $0xFFFFFFB0  }
0x62: {  	[tilespmem:s23], [sflag:$0x2] =	stream.indirect.gather [hbm4b:s5+s20], $0x80, s15, s20, $0xb8;
	[tilespmem:$0x17388] =	vst v63  }
0x63: {  	_ =	swait.ge [sflag:s24], $0x2800  }
0x64: {  	[sflag:s24] =	ssyncset.done $0x0  }
0x65: {  	s14 =	simm.s32 $0x4100;
	[sflag:s24] =	ssyncadd.s32 $0xFFFFD800  }
0x66: {  	[spmem:s1] =	stream.indirect.scatter.add.f32 [tilespmem:s21], [sflag:$0x3], $0x80, s14, s20, $0xb8;
	[tilespmem:$0x17388] =	vst v63  }
0x67: {  	_ = 	snop  }
0x68: {  	[spmem:s3] =	stream.indirect.scatter.add.f32 [tilespmem:s25], [sflag:$0x5], $0x1, s14, s20, $0xb8;
	[tilespmem:$0x17388] =	vst v63  }
0x69: {  	_ =	swait.ge [sflag:s26], $0x2800  }
0x6a: {  	[sflag:s26] =	ssyncset.done $0x0  }
0x6b: {  	[sflag:s26] =	ssyncadd.s32 $0xFFFFD800  }
0x6c: {  	_ =	swait.ge [sflag:s28], $0x50  }
0x6d: {  	[sflag:s28] =	ssyncset.done $0x0  }
0x6e: {  	s15 =	simm.s32 $0x200;
	[sflag:s28] =	ssyncadd.s32 $0xFFFFFFB0  }
0x6f: {  	[tilespmem:s21], [sflag:$0x1] =	stream.indirect.gather [hbm4b:s5+s20], $0x80, s15, s20, $0xb8;
	[tilespmem:$0x17388] =	vst v63  }
0x70: {  	_ =	swait.ge [sflag:s30], $0x2800  }
0x71: {  	[sflag:s30] =	ssyncset.done $0x0  }
0x72: {  	s13 =	simm.s32 $0xFFFF1000;
	s14 =	simm.s32 $0x4180;
	[sflag:s30] =	ssyncadd.s32 $0xFFFFD800  }
0x73: {  	[spmem:s1] =	stream.indirect.scatter.add.f32 [tilespmem:s23], [sflag:$0x4], $0x80, s14, s20, $0xb8;
	[tilespmem:$0x17388] =	vst v63  }
.LBB2_2:
0x74: {  	[spmem:s3] =	stream.indirect.scatter.add.f32 [tilespmem:s25], [sflag:$0x6], $0x1, s14, s20, $0xb8;
	[tilespmem:$0x17388] =	vst v63  }
0x75: {  	s14 =	smov.u32 s13  }
0x76: {  	p0 =	sne.s32 s13, $0xFFFFFC00;
	s13 =	sadd.s32 $0x400, s13;
	_ =	swait.ge [sflag:s0], $0x2800  }
0x77: {  	[sflag:s0] =	ssyncset.done $0x0  }
0x78: {  	[sflag:s0] =	ssyncadd.s32 $0xFFFFD800  }
0x79: {  	_ =	swait.ge [sflag:s2], $0x50  }
0x7a: {  	s14 =	sshra.s32 s14, $0x2;
	[sflag:s2] =	ssyncset.done $0x0  }
0x7b: {  	s15 =	sadd.s32 $0x3E80, s14;
	[sflag:s2] =	ssyncadd.s32 $0xFFFFFFB0  }
0x7c: {  	[tilespmem:s23], [sflag:$0x2] =	stream.indirect.gather [hbm4b:s5+s20], $0x80, s15, s20, $0xb8;
	[tilespmem:$0x17388] =	vst v63  }
0x7d: {  	_ =	swait.ge [sflag:s24], $0x2800  }
0x7e: {  	[sflag:s24] =	ssyncset.done $0x0  }
0x7f: {  	s15 =	sadd.s32 $0x7E00, s14;
	[sflag:s24] =	ssyncadd.s32 $0xFFFFD800  }
0x80: {  	[spmem:s1] =	stream.indirect.scatter.add.f32 [tilespmem:s21], [sflag:$0x3], $0x80, s15, s20, $0xb8;
	[tilespmem:$0x17388] =	vst v63  }
0x81: {  	_ = 	snop  }
0x82: {  	[spmem:s3] =	stream.indirect.scatter.add.f32 [tilespmem:s25], [sflag:$0x5], $0x1, s15, s20, $0xb8;
	[tilespmem:$0x17388] =	vst v63  }
0x83: {  	_ =	swait.ge [sflag:s26], $0x2800  }
0x84: {  	[sflag:s26] =	ssyncset.done $0x0  }
0x85: {  	[sflag:s26] =	ssyncadd.s32 $0xFFFFD800  }
0x86: {  	_ =	swait.ge [sflag:s28], $0x50  }
0x87: {  	[sflag:s28] =	ssyncset.done $0x0  }
0x88: {  	s15 =	sadd.s32 $0x3F00, s14;
	[sflag:s28] =	ssyncadd.s32 $0xFFFFFFB0  }
0x89: {  	[tilespmem:s21], [sflag:$0x1] =	stream.indirect.gather [hbm4b:s5+s20], $0x80, s15, s20, $0xb8;
	[tilespmem:$0x17388] =	vst v63  }
.Ltmp0:
0x8a: {  	_ = 	snop;
	(pc) =	sbr.rel @p0 .LBB2_2-.Ltmp0, $4  }
0x8b: {  	_ =	swait.ge [sflag:s30], $0x2800  }
0x8c: {  	[sflag:s30] =	ssyncset.done $0x0  }
0x8d: {  	s14 =	sadd.s32 $0x7E80, s14;
	[sflag:s30] =	ssyncadd.s32 $0xFFFFD800  }
0x8e: {  	[spmem:s1] =	stream.indirect.scatter.add.f32 [tilespmem:s23], [sflag:$0x4], $0x80, s14, s20, $0xb8;
	[tilespmem:$0x17388] =	vst v63  }
0x8f: {  	[spmem:s3] =	stream.indirect.scatter.add.f32 [tilespmem:s25], [sflag:$0x6], $0x1, s14, s20, $0xb8;
	[tilespmem:$0x17388] =	vst v63  }
0x90: {  	_ =	swait.ge [sflag:s0], $0x2800  }
0x91: {  	[sflag:s0] =	ssyncset.done $0x0  }
0x92: {  	[sflag:s0] =	ssyncadd.s32 $0xFFFFD800  }
0x93: {  	_ =	swait.ge [sflag:s2], $0x50  }
0x94: {  	[sflag:s2] =	ssyncset.done $0x0  }
0x95: {  	[sflag:s2] =	ssyncadd.s32 $0xFFFFFFB0  }
0x96: {  	[tilespmem:s23], [sflag:$0x2] =	stream.indirect.gather [hbm4b:s5+s20], $0x80, s6, s20, $0xb8;
	[tilespmem:$0x17388] =	vst v63  }
0x97: {  	_ =	swait.ge [sflag:s24], $0x2800  }
0x98: {  	[sflag:s24] =	ssyncset.done $0x0  }
0x99: {  	[sflag:s24] =	ssyncadd.s32 $0xFFFFD800  }
0x9a: {  	[spmem:s1] =	stream.indirect.scatter.add.f32 [tilespmem:s21], [sflag:$0x3], $0x80, s10, s20, $0xb8;
	[tilespmem:$0x17388] =	vst v63  }
0x9b: {  	_ = 	snop  }
0x9c: {  	[spmem:s3] =	stream.indirect.scatter.add.f32 [tilespmem:s25], [sflag:$0x5], $0x1, s10, s20, $0xb8;
	[tilespmem:$0x17388] =	vst v63  }
0x9d: {  	_ =	swait.ge [sflag:s26], $0x2800  }
0x9e: {  	[sflag:s26] =	ssyncset.done $0x0  }
0x9f: {  	[sflag:s26] =	ssyncadd.s32 $0xFFFFD800  }
0xa0: {  	_ =	swait.ge [sflag:s28], $0x50  }
0xa1: {  	[sflag:s28] =	ssyncset.done $0x0  }
0xa2: {  	[sflag:s28] =	ssyncadd.s32 $0xFFFFFFB0  }
0xa3: {  	_ =	swait.ge [sflag:s30], $0x2800  }
0xa4: {  	[sflag:s30] =	ssyncset.done $0x0  }
0xa5: {  	[sflag:s30] =	ssyncadd.s32 $0xFFFFD800  }
0xa6: {  	[spmem:s1] =	stream.indirect.scatter.add.f32 [tilespmem:s23], [sflag:$0x4], $0x80, s11, s20, $0xb8;
	[tilespmem:$0x17388] =	vst v63  }
0xa7: {  	_ = 	snop  }
0xa8: {  	[spmem:s3] =	stream.indirect.scatter.add.f32 [tilespmem:s25], [sflag:$0x6], $0x1, s11, s20, $0xb8;
	[tilespmem:$0x17388] =	vst v63  }
0xa9: {  	_ =	swait.ge [sflag:s0], $0x2800  }
0xaa: {  	[sflag:s0] =	ssyncset.done $0x0  }
0xab: {  	[sflag:s0] =	ssyncadd.s32 $0xFFFFD800  }
0xac: {  	_ =	swait.ge [sflag:s2], $0x50  }
0xad: {  	[sflag:s2] =	ssyncset.done $0x0  }
0xae: {  	s13 =	rddreg [dreg:$0x7];
	[sflag:s2] =	ssyncadd.s32 $0xFFFFFFB0  }
0xaf: {  	[tilespmem:s4], [sflag:$0x7] =	stream.linear.gather [hbm4b:s13+s4], $0x3F00, $0x38;
	[tilespmem:$0x17388] =	vst v63  }
0xb0: {  	_ =	swait.ge [sflag:s17], $0x3F00  }
0xb1: {  	[sflag:s17] =	ssyncset.done $0x0  }
0xb2: {  	s14 =	rddreg [dreg:$0x8];
	[sflag:s17] =	ssyncadd.s32 $0xFFFFC100  }
0xb3: {  	[tilespmem:s19], [sflag:$0x7] =	stream.linear.gather [hbm4b:s14+s4], $0x3F00, $0x38;
	[tilespmem:$0x17388] =	vst v63  }
0xb4: {  	_ =	swait.ge [sflag:s17], $0x3F00  }
0xb5: {  	[sflag:s17] =	ssyncset.done $0x0  }
0xb6: {  	[sflag:s17] =	ssyncadd.s32 $0xFFFFC100  }
0xb7: {  	[tilespmem:s21], [sflag:$0x1] =	stream.indirect.gather [hbm4b:s5+s20], $0x80, s4, s20, $0xb8;
	[tilespmem:$0x17388] =	vst v63  }
0xb8: {  	_ = 	snop  }
0xb9: {  	[tilespmem:s23], [sflag:$0x2] =	stream.indirect.gather [hbm4b:s5+s20], $0x80, s22, s20, $0xb8;
	[tilespmem:$0x17388] =	vst v63  }
0xba: {  	_ =	swait.ge [sflag:s24], $0x2800  }
0xbb: {  	[sflag:s24] =	ssyncset.done $0x0  }
0xbc: {  	[sflag:s24] =	ssyncadd.s32 $0xFFFFD800  }
0xbd: {  	[spmem:s1] =	stream.indirect.scatter.add.f32 [tilespmem:s21], [sflag:$0x3], $0x80, s19, s20, $0xb8;
	[tilespmem:$0x17388] =	vst v63  }
0xbe: {  	_ = 	snop  }
0xbf: {  	[spmem:s3] =	stream.indirect.scatter.add.f32 [tilespmem:s25], [sflag:$0x5], $0x1, s19, s20, $0xb8;
	[tilespmem:$0x17388] =	vst v63  }
0xc0: {  	_ =	swait.ge [sflag:s26], $0x2800  }
0xc1: {  	[sflag:s26] =	ssyncset.done $0x0  }
0xc2: {  	[sflag:s26] =	ssyncadd.s32 $0xFFFFD800  }
0xc3: {  	_ =	swait.ge [sflag:s28], $0x50  }
0xc4: {  	[sflag:s28] =	ssyncset.done $0x0  }
0xc5: {  	[sflag:s28] =	ssyncadd.s32 $0xFFFFFFB0  }
0xc6: {  	[tilespmem:s21], [sflag:$0x1] =	stream.indirect.gather [hbm4b:s5+s20], $0x80, s29, s20, $0xb8;
	[tilespmem:$0x17388] =	vst v63  }
0xc7: {  	_ =	swait.ge [sflag:s30], $0x2800  }
0xc8: {  	[sflag:s30] =	ssyncset.done $0x0  }
0xc9: {  	[sflag:s30] =	ssyncadd.s32 $0xFFFFD800  }
0xca: {  	[spmem:s1] =	stream.indirect.scatter.add.f32 [tilespmem:s23], [sflag:$0x4], $0x80, s31, s20, $0xb8;
	[tilespmem:$0x17388] =	vst v63  }
0xcb: {  	_ = 	snop  }
0xcc: {  	[spmem:s3] =	stream.indirect.scatter.add.f32 [tilespmem:s25], [sflag:$0x6], $0x1, s31, s20, $0xb8;
	[tilespmem:$0x17388] =	vst v63  }
0xcd: {  	_ =	swait.ge [sflag:s0], $0x2800  }
0xce: {  	[sflag:s0] =	ssyncset.done $0x0  }
0xcf: {  	[sflag:s0] =	ssyncadd.s32 $0xFFFFD800  }
0xd0: {  	_ =	swait.ge [sflag:s2], $0x50  }
0xd1: {  	[sflag:s2] =	ssyncset.done $0x0  }
0xd2: {  	s15 =	simm.s32 $0x180;
	[sflag:s2] =	ssyncadd.s32 $0xFFFFFFB0  }
0xd3: {  	[tilespmem:s23], [sflag:$0x2] =	stream.indirect.gather [hbm4b:s5+s20], $0x80, s15, s20, $0xb8;
	[tilespmem:$0x17388] =	vst v63  }
0xd4: {  	_ =	swait.ge [sflag:s24], $0x2800  }
0xd5: {  	[sflag:s24] =	ssyncset.done $0x0  }
0xd6: {  	s14 =	simm.s32 $0x4100;
	[sflag:s24] =	ssyncadd.s32 $0xFFFFD800  }
0xd7: {  	[spmem:s1] =	stream.indirect.scatter.add.f32 [tilespmem:s21], [sflag:$0x3], $0x80, s14, s20, $0xb8;
	[tilespmem:$0x17388] =	vst v63  }
0xd8: {  	_ = 	snop  }
0xd9: {  	[spmem:s3] =	stream.indirect.scatter.add.f32 [tilespmem:s25], [sflag:$0x5], $0x1, s14, s20, $0xb8;
	[tilespmem:$0x17388] =	vst v63  }
0xda: {  	_ =	swait.ge [sflag:s26], $0x2800  }
0xdb: {  	[sflag:s26] =	ssyncset.done $0x0  }
0xdc: {  	[sflag:s26] =	ssyncadd.s32 $0xFFFFD800  }
0xdd: {  	_ =	swait.ge [sflag:s28], $0x50  }
0xde: {  	[sflag:s28] =	ssyncset.done $0x0  }
0xdf: {  	s15 =	simm.s32 $0x200;
	[sflag:s28] =	ssyncadd.s32 $0xFFFFFFB0  }
0xe0: {  	[tilespmem:s21], [sflag:$0x1] =	stream.indirect.gather [hbm4b:s5+s20], $0x80, s15, s20, $0xb8;
	[tilespmem:$0x17388] =	vst v63  }
0xe1: {  	_ =	swait.ge [sflag:s30], $0x2800  }
0xe2: {  	[sflag:s30] =	ssyncset.done $0x0  }
0xe3: {  	s13 =	simm.s32 $0xFFFF1000;
	s14 =	simm.s32 $0x4180;
	[sflag:s30] =	ssyncadd.s32 $0xFFFFD800  }
0xe4: {  	[spmem:s1] =	stream.indirect.scatter.add.f32 [tilespmem:s23], [sflag:$0x4], $0x80, s14, s20, $0xb8;
	[tilespmem:$0x17388] =	vst v63  }
.LBB2_4:
0xe5: {  	[spmem:s3] =	stream.indirect.scatter.add.f32 [tilespmem:s25], [sflag:$0x6], $0x1, s14, s20, $0xb8;
	[tilespmem:$0x17388] =	vst v63  }
0xe6: {  	s14 =	smov.u32 s13  }
0xe7: {  	p0 =	sne.s32 s13, $0xFFFFFC00;
	s13 =	sadd.s32 $0x400, s13;
	_ =	swait.ge [sflag:s0], $0x2800  }
0xe8: {  	[sflag:s0] =	ssyncset.done $0x0  }
0xe9: {  	[sflag:s0] =	ssyncadd.s32 $0xFFFFD800  }
0xea: {  	_ =	swait.ge [sflag:s2], $0x50  }
0xeb: {  	s14 =	sshra.s32 s14, $0x2;
	[sflag:s2] =	ssyncset.done $0x0  }
0xec: {  	s15 =	sadd.s32 $0x3E80, s14;
	[sflag:s2] =	ssyncadd.s32 $0xFFFFFFB0  }
0xed: {  	[tilespmem:s23], [sflag:$0x2] =	stream.indirect.gather [hbm4b:s5+s20], $0x80, s15, s20, $0xb8;
	[tilespmem:$0x17388] =	vst v63  }
0xee: {  	_ =	swait.ge [sflag:s24], $0x2800  }
0xef: {  	[sflag:s24] =	ssyncset.done $0x0  }
0xf0: {  	s15 =	sadd.s32 $0x7E00, s14;
	[sflag:s24] =	ssyncadd.s32 $0xFFFFD800  }
0xf1: {  	[spmem:s1] =	stream.indirect.scatter.add.f32 [tilespmem:s21], [sflag:$0x3], $0x80, s15, s20, $0xb8;
	[tilespmem:$0x17388] =	vst v63  }
0xf2: {  	_ = 	snop  }
0xf3: {  	[spmem:s3] =	stream.indirect.scatter.add.f32 [tilespmem:s25], [sflag:$0x5], $0x1, s15, s20, $0xb8;
	[tilespmem:$0x17388] =	vst v63  }
0xf4: {  	_ =	swait.ge [sflag:s26], $0x2800  }
0xf5: {  	[sflag:s26] =	ssyncset.done $0x0  }
0xf6: {  	[sflag:s26] =	ssyncadd.s32 $0xFFFFD800  }
0xf7: {  	_ =	swait.ge [sflag:s28], $0x50  }
0xf8: {  	[sflag:s28] =	ssyncset.done $0x0  }
0xf9: {  	s15 =	sadd.s32 $0x3F00, s14;
	[sflag:s28] =	ssyncadd.s32 $0xFFFFFFB0  }
0xfa: {  	[tilespmem:s21], [sflag:$0x1] =	stream.indirect.gather [hbm4b:s5+s20], $0x80, s15, s20, $0xb8;
	[tilespmem:$0x17388] =	vst v63  }
.Ltmp1:
0xfb: {  	_ = 	snop;
	(pc) =	sbr.rel @p0 .LBB2_4-.Ltmp1, $4  }
0xfc: {  	_ =	swait.ge [sflag:s30], $0x2800  }
0xfd: {  	[sflag:s30] =	ssyncset.done $0x0  }
0xfe: {  	s14 =	sadd.s32 $0x7E80, s14;
	[sflag:s30] =	ssyncadd.s32 $0xFFFFD800  }
0xff: {  	[spmem:s1] =	stream.indirect.scatter.add.f32 [tilespmem:s23], [sflag:$0x4], $0x80, s14, s20, $0xb8;
	[tilespmem:$0x17388] =	vst v63  }
0x100: {  	[spmem:s3] =	stream.indirect.scatter.add.f32 [tilespmem:s25], [sflag:$0x6], $0x1, s14, s20, $0xb8;
	[tilespmem:$0x17388] =	vst v63  }
0x101: {  	_ =	swait.ge [sflag:s0], $0x2800  }
0x102: {  	[sflag:s0] =	ssyncset.done $0x0  }
0x103: {  	[sflag:s0] =	ssyncadd.s32 $0xFFFFD800  }
0x104: {  	_ =	swait.ge [sflag:s2], $0x50  }
0x105: {  	[sflag:s2] =	ssyncset.done $0x0  }
0x106: {  	[sflag:s2] =	ssyncadd.s32 $0xFFFFFFB0  }
0x107: {  	[tilespmem:s23], [sflag:$0x2] =	stream.indirect.gather [hbm4b:s5+s20], $0x80, s6, s20, $0xb8;
	[tilespmem:$0x17388] =	vst v63  }
0x108: {  	_ =	swait.ge [sflag:s24], $0x2800  }
0x109: {  	[sflag:s24] =	ssyncset.done $0x0  }
0x10a: {  	[sflag:s24] =	ssyncadd.s32 $0xFFFFD800  }
0x10b: {  	[spmem:s1] =	stream.indirect.scatter.add.f32 [tilespmem:s21], [sflag:$0x3], $0x80, s10, s20, $0xb8;
	[tilespmem:$0x17388] =	vst v63  }
0x10c: {  	_ = 	snop  }
0x10d: {  	[spmem:s3] =	stream.indirect.scatter.add.f32 [tilespmem:s25], [sflag:$0x5], $0x1, s10, s20, $0xb8;
	[tilespmem:$0x17388] =	vst v63  }
0x10e: {  	_ =	swait.ge [sflag:s26], $0x2800  }
0x10f: {  	[sflag:s26] =	ssyncset.done $0x0  }
0x110: {  	[sflag:s26] =	ssyncadd.s32 $0xFFFFD800  }
0x111: {  	_ =	swait.ge [sflag:s28], $0x50  }
0x112: {  	[sflag:s28] =	ssyncset.done $0x0  }
0x113: {  	[sflag:s28] =	ssyncadd.s32 $0xFFFFFFB0  }
0x114: {  	_ =	swait.ge [sflag:s30], $0x2800  }
0x115: {  	[sflag:s30] =	ssyncset.done $0x0  }
0x116: {  	[sflag:s30] =	ssyncadd.s32 $0xFFFFD800  }
0x117: {  	[spmem:s1] =	stream.indirect.scatter.add.f32 [tilespmem:s23], [sflag:$0x4], $0x80, s11, s20, $0xb8;
	[tilespmem:$0x17388] =	vst v63  }
0x118: {  	_ = 	snop  }
0x119: {  	[spmem:s3] =	stream.indirect.scatter.add.f32 [tilespmem:s25], [sflag:$0x6], $0x1, s11, s20, $0xb8;
	[tilespmem:$0x17388] =	vst v63  }
0x11a: {  	_ =	swait.ge [sflag:s0], $0x2800  }
0x11b: {  	[sflag:s0] =	ssyncset.done $0x0  }
0x11c: {  	[sflag:s0] =	ssyncadd.s32 $0xFFFFD800  }
0x11d: {  	_ =	swait.ge [sflag:s2], $0x50  }
0x11e: {  	[sflag:s2] =	ssyncset.done $0x0  }
0x11f: {  	[sflag:s2] =	ssyncadd.s32 $0xFFFFFFB0  }
0x120: {  	[bflag:$0x0] =	sbarrier.arrive $0xFFFF  }
0x121: {  	s13 =	rddreg [dreg:$0x9]  }
0x122: {  	[hbm:s13], [sflag:s7] =	dma.local [spmem:s16], $0x1400  }
0x123: {  	_ =	swait.ge [sflag:s17], $0x1400  }
0x124: {  	[sflag:s17] =	ssyncset.done $0x0  }
0x125: {  	[sflag:s17] =	ssyncadd.s32 $0xFFFFEC00  }
0x126: {  	[tilespmem:s18], [sflag:$0x7] =	stream.linear.gather [spmem:s8], $0x140, $0x38;
	[tilespmem:$0x17388] =	vst v63  }
0x127: {  	_ =	swait.ge [sflag:s17], $0x140  }
0x128: {  	[sflag:s17] =	ssyncset.done $0x0  }
0x129: {  	s14 =	rddreg [dreg:$0xa];
	[sflag:s17] =	ssyncadd.s32 $0xFFFFFEC0  }
0x12a: {  	[hbm4b:s14+s4] =	stream.linear.scatter [tilespmem:s18], [sflag:$0x7], $0x180, $0x38;
	[tilespmem:$0x17388] =	vst v63  }
0x12b: {  	_ =	swait.ge [sflag:s17], $0x180  }
0x12c: {  	s12 =	sadd.s32 $0x1, s12;
	s15 =	rddreg [dreg:$0xb]  }
0x12d: {  	p0 =	sne.s32 s12, s15  }
.Ltmp2:
0x12e: {  	_ = 	snop;
	(pc) =	sbr.rel @p0 .LBB2_1-.Ltmp2, $3  }
0x12f: {  	_ =	sdelay $0x1  }
0x130: {  	[sflag:s17] =	ssyncset.done $0x0  }
0x131: {  	[sflag:s17] =	ssyncadd.s32 $0xFFFFFE80  }
0x132: {  	_ =	sfence.sel $0x180000  }
0x133: {  	[bflag:$0x0] =	sbarrier.arrive $0xFFFF  }
0x134: {  	_ =	strace $0x90000047  }
0x135: {  	s0 =	stileid.u32;
	[bflag:$0x2] =	sbarrier.arrive $0xFFFF  }
0x136: {  	p0 =	sne.s32 s0, $0x0;
	s0 =	rddreg [dreg:$0x4]  }
0x137: {  	s0 =	sadd.s32 @!p0 $0x100000, s0  }
0x138: {  	[sflag:s0] =	ssyncadd.tile.s32 @!p0 $0x1;
	_ =	shalt  }
.Lfunc_end2:
_tile_overlayer_lowered:
.L_overlay_start_2:
0x139: {  	(tag) =	ssettag $0x2  }
0x13a: {  	s0 =	rddreg [dreg:$0x0];
	s2 =	stileid.u32  }
0x13b: {  	s1 =	rddreg [dreg:$0x1];
	p0 =	sne.s32 s2, $0x0  }
0x13c: {  	s3 =	rddreg [dreg:$0x2];
	[bflag:$0x3] =	sbarrier.arrive $0xFFFF;
	s2 =	simm.s32 @!p0 $0x1C07  }
0x13d: {  	[timem:s3], [sflag:s2] =	dma.local @!p0 [hbm:s0], s1  }
0x13e: {  	s0 =	simm.s32 @!p0 $0x7  }
0x13f: {  	_ =	swait.ge @!p0 [sflag:s0], s1  }
0x140: {  	s1 =	ssub.s32 @!p0 $0x0, s1;
	[sflag:s0] =	ssyncset.done @!p0 $0x0  }
0x141: {  	[sflag:s0] =	ssyncadd.s32 @!p0 s1  }
0x142: {  	[bflag:$0x3] =	sbarrier.arrive $0xFFFF  }
0x143: {  	_ =	shalt  }

// kernel: kernel.9.cloned.1.call-start
scs
__scs_entry_jumppad:
0x0: {  	(pc) =	sbr.rel $0x88, $3  }
0x1: {  	(tag) =	ssettag $0x0;
	lr =	simm.s32 $0x1  }
0x2: {  	[smem:$0x3F99] =	sst lr;
	_ =	strace $0xD0000000  }
0x3: {  	_ = 	snop  }
0x4: {  	_ = 	snop  }
0x5: {  	_ = 	snop  }
0x6: {  	_ = 	snop  }
0x7: {  	_ = 	snop  }
__scs_overlays_trampoline_lowered:
0x8: {  	[smem:$0x3FA8] =	sst s0  }
0x9: {  	[smem:$0x3FA9] =	sst s1  }
0xa: {  	[smem:$0x3FAA] =	sst s2  }
0xb: {  	[smem:$0x3FAB] =	sst s3  }
0xc: {  	[smem:$0x3FAC] =	sst s4  }
0xd: {  	[smem:$0x3FAD] =	sst s5  }
0xe: {  	[smem:$0x3FAE] =	sst s6  }
0xf: {  	[smem:$0x3FAF] =	sst s7  }
0x10: {  	[smem:$0x3FB0] =	sst s8  }
0x11: {  	[smem:$0x3FB1] =	sst s9;
	s0 =	simm.s32 @!p0 $0x0  }
0x12: {  	s1 =	sld [smem:$0x3F97];
	s0 =	simm.s32 @p0 $0x1  }
0x13: {  	[smem:$0x3FB2] =	sst s0;
	s0 =	simm.s32 @!p1 $0x0  }
0x14: {  	s2 =	sld [smem:$0x3F96];
	s0 =	simm.s32 @p1 $0x1  }
0x15: {  	[smem:$0x3FB3] =	sst s0;
	s0 =	simm.s32 @!p2 $0x0  }
0x16: {  	s3 =	sld [smem:$0x3FDB];
	s0 =	simm.s32 @p2 $0x1  }
0x17: {  	s4 =	simm.s32 $0x1BF5;
	[smem:$0x3FB5] =	sst s0  }
0x18: {  	s0 =	sld [smem:$0x3F98];
	_ =	swait.ge [sflag:s4], $0x0  }
0x19: {  	s7 =	sld [smem:$0x3F99]  }
0x1a: {  	s8 =	sadd.s32 $0xFFFFE003, lr  }
0x1b: {  	s9 =	sadd.s32 $0xFFFFFEF7, lr;
	s5 =	simm.s32 $0xFFFFFFFF;
	p2 =	slt.u32 s8, $0xFFFFF086  }
0x1c: {  	p1 =	slt.u32 s9, $0xF7A;
	s5 =	simm.s32 @!p2 $0x0  }
0x1d: {  	s5 =	simm.s32 @p1 $0x1;
	p0 =	seq.s32 s7, s2  }
0x1e: {  	s7 =	smul.u32 @!p0 $0xF7A, s2;
	p2 =	seq.s32 @!p0 s5, $0x0  }
0x1f: {  	s9 =	smul.u32 $0xF7A, s1;
	s8 =	simm.s32 @!p0 $0x1BF5;
	p2 =	por !p2, p0  }
0x20: {  	[sflag:s8] =	ssyncset.s32 @!p0 $0xFFFFF086;
	s6 =	sadd.s32 @!p0 s3, s7;
	s7 =	simm.s32 @!p0 $0x108  }
0x21: {  	s3 =	sadd.s32 s3, s9;
	s6 =	sadd.s32 @!p0 $0x88, s6;
	s7 =	simm.s32 @p2 $0x1082  }
0x22: {  	[simem:s7], [sflag:s8] =	dma.local @!p0 [hbm:s6], $0xF7A  }
0x23: {  	s9 =	sor.u32 $0xD0000000, s2;
	s6 =	simm.s32 $0x108;
	_ =	swait.ge @!p0 [sflag:s8], $0x0  }
0x24: {  	s3 =	sadd.s32 $0x88, s3;
	s6 =	simm.s32 @!p1 $0x1082;
	[sflag:s4] =	ssyncset.s32 $0xFFFFF086  }
0x25: {  	[simem:s6], [sflag:s4] =	dma.local [hbm:s3], $0xF7A  }
0x26: {  	[smem:$0x3F99] =	sst s1;
	(tag) =	ssettag s2;
	_ =	strace s9  }
0x27: {  	s1 =	sld [smem:$0x3FA9]  }
0x28: {  	s2 =	sld [smem:$0x3FAA]  }
0x29: {  	s4 =	sld [smem:$0x3FAC]  }
0x2a: {  	p0 =	seq.s32 s5, $0x0;
	s5 =	sld [smem:$0x3FAD]  }
0x2b: {  	s6 =	sld [smem:$0x3FAE]  }
0x2c: {  	s7 =	sld [smem:$0x3FAF]  }
0x2d: {  	s3 =	simm.s32 $0x108;
	s8 =	sld [smem:$0x3FB0]  }
0x2e: {  	s3 =	simm.s32 @!p0 $0x1082;
	s9 =	sld [smem:$0x3FB1]  }
0x2f: {  	lr =	sadd.s32 s0, s3;
	s0 =	sld [smem:$0x3FA8]  }
0x30: {  	s3 =	sld [smem:$0x3FAB]  }
0x31: {  	[smem:$0x3FB4] =	sst s10  }
0x32: {  	s10 =	sld [smem:$0x3FB2];
	_ =	sdelay $0x3  }
0x33: {  	p0 =	seq.s32 s10, $0x1;
	s10 =	sld [smem:$0x3FB4];
	_ =	sdelay $0x3  }
0x34: {  	[smem:$0x3FB4] =	sst s10  }
0x35: {  	s10 =	sld [smem:$0x3FB3];
	_ =	sdelay $0x3  }
0x36: {  	p1 =	seq.s32 s10, $0x1;
	s10 =	sld [smem:$0x3FB4];
	_ =	sdelay $0x3  }
0x37: {  	[smem:$0x3FB4] =	sst s10  }
0x38: {  	s10 =	sld [smem:$0x3FB5]  }
0x39: {  	_ = 	snop;
	(pc) =	sbr.ind lr, $3  }
0x3a: {  	_ = 	snop  }
0x3b: {  	_ = 	snop  }
0x3c: {  	p2 =	seq.s32 s10, $0x1;
	s10 =	sld [smem:$0x3FB4]  }
0x3d: {  	_ =	shalt  }
0x3e: {  	_ =	shalt  }
0x3f: {  	_ =	shalt  }
0x40: {  	_ =	shalt  }
0x41: {  	_ =	shalt  }
0x42: {  	_ =	shalt  }
0x43: {  	_ =	shalt  }
0x44: {  	_ =	shalt  }
0x45: {  	_ =	shalt  }
0x46: {  	_ =	shalt  }
0x47: {  	_ =	shalt  }
0x48: {  	_ =	shalt  }
0x49: {  	_ =	shalt  }
0x4a: {  	_ =	shalt  }
0x4b: {  	_ =	shalt  }
0x4c: {  	_ =	shalt  }
0x4d: {  	_ =	shalt  }
0x4e: {  	_ =	shalt  }
0x4f: {  	_ =	shalt  }
0x50: {  	_ =	shalt  }
0x51: {  	_ =	shalt  }
0x52: {  	_ =	shalt  }
0x53: {  	_ =	shalt  }
0x54: {  	_ =	shalt  }
0x55: {  	_ =	shalt  }
0x56: {  	_ =	shalt  }
0x57: {  	_ =	shalt  }
0x58: {  	_ =	shalt  }
0x59: {  	_ =	shalt  }
0x5a: {  	_ =	shalt  }
0x5b: {  	_ =	shalt  }
0x5c: {  	_ =	shalt  }
0x5d: {  	_ =	shalt  }
0x5e: {  	_ =	shalt  }
0x5f: {  	_ =	shalt  }
0x60: {  	_ =	shalt  }
0x61: {  	_ =	shalt  }
0x62: {  	_ =	shalt  }
0x63: {  	_ =	shalt  }
0x64: {  	_ =	shalt  }
0x65: {  	_ =	shalt  }
0x66: {  	_ =	shalt  }
0x67: {  	_ =	shalt  }
0x68: {  	_ =	shalt  }
0x69: {  	_ =	shalt  }
0x6a: {  	_ =	shalt  }
0x6b: {  	_ =	shalt  }
0x6c: {  	_ =	shalt  }
0x6d: {  	_ =	shalt  }
0x6e: {  	_ =	shalt  }
0x6f: {  	_ =	shalt  }
0x70: {  	_ =	shalt  }
0x71: {  	_ =	shalt  }
0x72: {  	_ =	shalt  }
0x73: {  	_ =	shalt  }
0x74: {  	_ =	shalt  }
0x75: {  	_ =	shalt  }
0x76: {  	_ =	shalt  }
0x77: {  	_ =	shalt  }
0x78: {  	_ =	shalt  }
0x79: {  	_ =	shalt  }
0x7a: {  	_ =	shalt  }
0x7b: {  	_ =	shalt  }
0x7c: {  	_ =	shalt  }
0x7d: {  	_ =	shalt  }
0x7e: {  	_ =	shalt  }
0x7f: {  	_ =	shalt  }
0x80: {  	_ =	shalt  }
0x81: {  	_ =	shalt  }
0x82: {  	_ =	shalt  }
0x83: {  	_ =	shalt  }
0x84: {  	_ =	shalt  }
0x85: {  	_ =	shalt  }
0x86: {  	_ =	shalt  }
0x87: {  	_ =	shalt  }
.Lfunc_end0:
.L_simem_size_0:
called_computation.1_lowered:
.L_overlay_start_0:
0x88: {  	s2 =	sld [smem:$0x3FD9]  }
0x89: {  	s3 =	sld [smem:$0x3FFE];
	_ =	sdelay $0x1  }
0x8a: {  	s1 =	srdreg.scid  }
0x8b: {  	s0 =	sand.u32 $0x1, s1  }
0x8c: {  	s17 =	sshll.u32 s0, $0xA;
	s2 =	sadd.s32 s3, s2  }
0x8d: {  	s2 =	sadd.s32 s2, s17  }
0x8e: {  	[smem:$0x3FC0] =	sst s2  }
0x8f: {  	_ = 	snop  }
0x90: {  	s2 =	sld [smem:$0x3FD0];
	(tm) =	ssettm $0x1  }
0x91: {  	s18 =	sld [smem:$0x3FFB];
	_ =	sdelay $0x3  }
0x92: {  	_ =	strace s18  }
0x93: {  	s3 =	sld [smem:$0x3FFC];
	_ =	sdelay $0x3  }
0x94: {  	_ =	strace s3  }
0x95: {  	s3 =	sld [smem:$0x3FFD];
	_ =	sdelay $0x3  }
0x96: {  	_ =	strace s3  }
0x97: {  	_ =	strace $0x8FFFFFFF  }
0x98: {  	s19 =	sld [smem:$0x3FDB];
	_ =	sdelay $0x1  }
0x99: {  	s4 =	simm.s32 $_scs_section_size  }
0x9a: {  	s5 =	simm.s32 $_size__tile_overlayer_lowered;
	s6 =	simm.s32 $_tile_overlayer_lowered  }
0x9b: {  	s22 =	simm.s32 $0x1BFF;
	s21 =	sshll.u32 s6, $0x1;
	s3 =	sadd.s32 s4, s19  }
0x9c: {  	s7 =	simm.s32 $0x0;
	s20 =	sshll.u32 s5, $0x1;
	s5 =	sadd.s32 s21, s3  }
0x9d: {  	[timem:s7], [sflag:s22] =	dma.local [hbm:s5], s20  }
0x9e: {  	_ =	swait.ge [sflag:s22], s20  }
0x9f: {  	s4 =	ssub.s32 $0x0, s20;
	[sflag:s22] =	ssyncset.done $0x0  }
0xa0: {  	[sflag:s22] =	ssyncadd.s32 s4;
	_ =	sdelay $0x1  }
0xa1: {  	s23 =	simm.s32 $0x1B8B  }
0xa2: {  	_ =	swait.ge [sflag:s23], $0x1  }
0xa3: {  	[sflag:s23] =	ssyncset.done $0x0  }
0xa4: {  	s25 =	simm.s32 $0x1B8E;
	s24 =	sld [smem:$0x3FFE];
	[sflag:s23] =	ssyncadd.s32 $0xFFFFFFFF  }
0xa5: {  	s26 =	simm.s32 $execute0_lowered;
	[smem:$0x3FD2] =	sst s25  }
0xa6: {  	s5 =	sshll.u32 s26, $0x1;
	_ =	strace $0x80000049;
	[dreg:$0x1] =	wrdreg $0xFFFFFFFF  }
0xa7: {  	s28 =	simm.s32 $_size_execute0_lowered;
	s3 =	sadd.s32 s3, s5;
	[dreg:$0x0] =	wrdreg $0x0  }
0xa8: {  	s5 =	sshll.u32 s28, $0x1;
	[dreg:$0x2] =	wrdreg s3  }
0xa9: {  	[dreg:$0x3] =	wrdreg s5  }
0xaa: {  	[dreg:$0x4] =	wrdreg $0xC0  }
0xab: {  	_ =	task [dreg:s7], $0x5FFFF  }
0xac: {  	[dreg:$0x1] =	wrdreg $0xFFFFFFFF  }
0xad: {  	[dreg:$0x0] =	wrdreg $0x60  }
0xae: {  	[dreg:$0x2] =	wrdreg s24  }
0xaf: {  	[dreg:$0x3] =	wrdreg s2  }
0xb0: {  	[dreg:$0x4] =	wrdreg $0xD0000  }
0xb1: {  	[dreg:$0x5] =	wrdreg $0x9  }
0xb2: {  	_ =	task.clear_ibuf [dreg:s7], $0x6FFFF;
	_ =	strace $0x90000049  }
0xb3: {  	s29 =	simm.s32 $0x9;
	_ =	strace $0x8000004B  }
0xb4: {  	_ =	swait.ge [sflag:s29], $0x1  }
0xb5: {  	[sflag:s29] =	ssyncadd.s32 $0xFFFFFFFF  }
0xb6: {  	_ =	strace $0x9000004B  }
0xb7: {  	_ =	sfence  }
0xb8: {  	s30 =	sld [smem:$0x0];
	_ =	sdelay $0x2  }
0xb9: {  	s31 =	sshll.u32 s1, $0xD;
	s1 =	sshrl.u32 s1, $0x2  }
0xba: {  	s3 =	sand.u32 $0x4000, s31;
	s1 =	sadd.s32 s1, s30  }
0xbb: {  	s0 =	sor.u32 s3, s0;
	s1 =	sshll.u32 s1, $0x11  }
0xbc: {  	s0 =	sor.u32 s1, s0  }
0xbd: {  	s0 =	sadd.s32 $0x8F2B, s0  }
0xbe: {  	[sflag:s0] =	ssyncadd.remote.s32 $0x1  }
0xbf: {  	_ =	sfence.sel $0xFFFF  }
0xc0: {  	[dreg:$0x0] =	wrdreg $0xFFFFFFFF;
	(pc) =	sbr.abs _section_cstart, $3  }
0xc1: {  	[dreg:$0x1] =	wrdreg $0xFFFFFFFF  }
0xc2: {  	_ =	task.clear_ibuf [dreg:s7], $0x2FFFF;
	_ =	strace $0x9FFFFFFF  }
0xc3: {  	(tm) =	ssettm $0x7FFFFFFF  }
tec
execute0_lowered:
.L_overlay_start_1:
0x0: {  	(tag) =	ssettag $0x1  }
0x1: {  	s0 =	rddreg [dreg:$0x0]  }
0x2: {  	s8 =	rddreg [dreg:$0x1]  }
0x3: {  	s2 =	rddreg [dreg:$0x2]  }
0x4: {  	s1 =	stileid.u32;
	s4 =	srdreg.scid  }
0x5: {  	s3 =	simm.s32 $0x0;
	s15 =	simm.s32 $0x4000;
	s16 =	simm.s32 $0x50  }
0x6: {  	s17 =	simm.s32 $0x8000;
	s18 =	simm.s32 $0x80;
	s19 =	simm.s32 $0xA800  }
0x7: {  	s20 =	simm.s32 $0x1;
	s21 =	simm.s32 $0x3;
	s22 =	simm.s32 $0x100  }
0x8: {  	s23 =	simm.s32 $0x2;
	s28 =	simm.s32 $0x7E00;
	s29 =	simm.s32 $0x7E80  }
0x9: {  	s30 =	simm.s32 $0x0;
	s6 =	sand.u32 $0x1, s4;
	s5 =	smul.u32 $0x1400, s1  }
0xa: {  	[smem:$0x7FF] =	sst s3;
	s7 =	sshll.u32 s1, $0xC;
	s12 =	smul.u32 $0x28000, s1  }
0xb: {  	s4 =	sadd.s32 $0x12200, s0;
	s26 =	sshll.u32 s1, $0x6;
	s9 =	smul.u32 $0x14000, s6  }
0xc: {  	_ =	strace $0x8000004A;
	s10 =	sadd.s32 s7, s0;
	s11 =	ssub.s32 $0x2, s6  }
0xd: {  	s6 =	sshll.u32 s6, $0x10;
	s24 =	sshrl.u32 s11, $0x1;
	s25 =	sshrl.u32 s12, $0x2  }
0xe: {  	s31 =	sor.u32 s7, s6;
	s6 =	sor.u32 $0x1C05, s26;
	s7 =	sadd.s32 $0x2200, s10  }
0xf: {  	s26 =	simm.s32 $0x3E80;
	s9 =	sadd.s32 s5, s9;
	s5 =	sadd.s32 $0x3A200, s0  }
0x10: {  	s13 =	ssub.s32 s11, s24;
	s14 =	sadd.s32 s25, s2;
	s8 =	sadd.s32 s8, s31  }
0x11: {  	s24 =	simm.s32 $0x4080;
	s25 =	simm.s32 $0x4;
	s0 =	sadd.s32 s9, s0  }
0x12: {  	s9 =	sadd.s32 $0x2A00, s10;
	s10 =	sadd.s32 $0x800, s8;
	s12 =	smax.u32 s13, $0x1  }
0x13: {  	s13 =	sshrl.u32 s14, $0x3;
	s14 =	simm.s32 $0x5;
	s11 =	sadd.s32 $0x3B600, s0  }
.LBB2_1:
0x14: {  	[spmem:s13], [sflag:s6] =	dma.local [hbm:s5], $0x1400  }
0x15: {  	_ =	swait.ge [sflag:s14], $0x1400  }
0x16: {  	[sflag:s14] =	ssyncset.done $0x0  }
0x17: {  	[sflag:s14] =	ssyncadd.s32 $0xFFFFEC00  }
0x18: {  	[bflag:$0x0] =	sbarrier.arrive $0xFFFF  }
0x19: {  	[tilespmem:s3], [sflag:$0x5] =	stream.linear.gather [hbm4b:s7+s3], $0x3F00, $0x38;
	[tilespmem:$0x17040] =	vst v63  }
0x1a: {  	_ =	swait.ge [sflag:s14], $0x3F00  }
0x1b: {  	[sflag:s14] =	ssyncset.done $0x0  }
0x1c: {  	[sflag:s14] =	ssyncadd.s32 $0xFFFFC100  }
0x1d: {  	[tilespmem:s15], [sflag:$0x5] =	stream.linear.gather [hbm4b:s8+s3], $0x3F00, $0x38;
	[tilespmem:$0x17040] =	vst v63  }
0x1e: {  	_ =	swait.ge [sflag:s14], $0x3F00  }
0x1f: {  	[sflag:s14] =	ssyncset.done $0x0  }
0x20: {  	[sflag:s14] =	ssyncadd.s32 $0xFFFFC100  }
0x21: {  	[tilespmem:s17], [sflag:$0x1] =	stream.indirect.gather [hbm4b:s4+s16], $0x80, s3, s16, $0xb8;
	[tilespmem:$0x17040] =	vst v63  }
0x22: {  	_ = 	snop  }
0x23: {  	[tilespmem:s19], [sflag:$0x2] =	stream.indirect.gather [hbm4b:s4+s16], $0x80, s18, s16, $0xb8;
	[tilespmem:$0x17040] =	vst v63  }
0x24: {  	_ =	swait.ge [sflag:s20], $0x2800  }
0x25: {  	[sflag:s20] =	ssyncset.done $0x0  }
0x26: {  	[sflag:s20] =	ssyncadd.s32 $0xFFFFD800  }
0x27: {  	[spmem:s2] =	stream.indirect.scatter.add.f32 [tilespmem:s17], [sflag:$0x3], $0x80, s15, s16, $0xb8;
	[tilespmem:$0x17040] =	vst v63  }
0x28: {  	_ =	swait.ge [sflag:s21], $0x2800  }
0x29: {  	[sflag:s21] =	ssyncset.done $0x0  }
0x2a: {  	[sflag:s21] =	ssyncadd.s32 $0xFFFFD800  }
0x2b: {  	[tilespmem:s17], [sflag:$0x1] =	stream.indirect.gather [hbm4b:s4+s16], $0x80, s22, s16, $0xb8;
	[tilespmem:$0x17040] =	vst v63  }
0x2c: {  	_ =	swait.ge [sflag:s23], $0x2800  }
0x2d: {  	[sflag:s23] =	ssyncset.done $0x0  }
0x2e: {  	[sflag:s23] =	ssyncadd.s32 $0xFFFFD800  }
0x2f: {  	[spmem:s2] =	stream.indirect.scatter.add.f32 [tilespmem:s19], [sflag:$0x4], $0x80, s24, s16, $0xb8;
	[tilespmem:$0x17040] =	vst v63  }
0x30: {  	_ =	swait.ge [sflag:s25], $0x2800  }
0x31: {  	[sflag:s25] =	ssyncset.done $0x0  }
0x32: {  	s0 =	simm.s32 $0x180;
	[sflag:s25] =	ssyncadd.s32 $0xFFFFD800  }
0x33: {  	[tilespmem:s19], [sflag:$0x2] =	stream.indirect.gather [hbm4b:s4+s16], $0x80, s0, s16, $0xb8;
	[tilespmem:$0x17040] =	vst v63  }
0x34: {  	_ =	swait.ge [sflag:s20], $0x2800  }
0x35: {  	[sflag:s20] =	ssyncset.done $0x0  }
0x36: {  	s1 =	simm.s32 $0x4100;
	[sflag:s20] =	ssyncadd.s32 $0xFFFFD800  }
0x37: {  	[spmem:s2] =	stream.indirect.scatter.add.f32 [tilespmem:s17], [sflag:$0x3], $0x80, s1, s16, $0xb8;
	[tilespmem:$0x17040] =	vst v63  }
0x38: {  	_ =	swait.ge [sflag:s21], $0x2800  }
0x39: {  	[sflag:s21] =	ssyncset.done $0x0  }
0x3a: {  	s1 =	simm.s32 $0x200;
	[sflag:s21] =	ssyncadd.s32 $0xFFFFD800  }
0x3b: {  	[tilespmem:s17], [sflag:$0x1] =	stream.indirect.gather [hbm4b:s4+s16], $0x80, s1, s16, $0xb8;
	[tilespmem:$0x17040] =	vst v63  }
0x3c: {  	_ =	swait.ge [sflag:s23], $0x2800  }
0x3d: {  	[sflag:s23] =	ssyncset.done $0x0  }
0x3e: {  	s31 =	simm.s32 $0xFFFF1000;
	s0 =	simm.s32 $0x4180;
	[sflag:s23] =	ssyncadd.s32 $0xFFFFD800  }
.LBB2_2:
0x3f: {  	[spmem:s2] =	stream.indirect.scatter.add.f32 [tilespmem:s19], [sflag:$0x4], $0x80, s0, s16, $0xb8;
	[tilespmem:$0x17040] =	vst v63  }
0x40: {  	s0 =	smov.u32 s31  }
0x41: {  	p0 =	sne.s32 s31, $0xFFFFFC00;
	s31 =	sadd.s32 $0x400, s31;
	_ =	swait.ge [sflag:s25], $0x2800  }
0x42: {  	s0 =	sshra.s32 s0, $0x2;
	[sflag:s25] =	ssyncset.done $0x0  }
0x43: {  	s1 =	sadd.s32 $0x3E80, s0;
	[sflag:s25] =	ssyncadd.s32 $0xFFFFD800  }
0x44: {  	[tilespmem:s19], [sflag:$0x2] =	stream.indirect.gather [hbm4b:s4+s16], $0x80, s1, s16, $0xb8;
	[tilespmem:$0x17040] =	vst v63  }
0x45: {  	_ =	swait.ge [sflag:s20], $0x2800  }
0x46: {  	[sflag:s20] =	ssyncset.done $0x0  }
0x47: {  	s1 =	sadd.s32 $0x7E00, s0;
	[sflag:s20] =	ssyncadd.s32 $0xFFFFD800  }
0x48: {  	[spmem:s2] =	stream.indirect.scatter.add.f32 [tilespmem:s17], [sflag:$0x3], $0x80, s1, s16, $0xb8;
	[tilespmem:$0x17040] =	vst v63  }
0x49: {  	_ =	swait.ge [sflag:s21], $0x2800  }
0x4a: {  	[sflag:s21] =	ssyncset.done $0x0  }
.Ltmp0:
0x4b: {  	s1 =	sadd.s32 $0x3F00, s0;
	[sflag:s21] =	ssyncadd.s32 $0xFFFFD800;
	(pc) =	sbr.rel @p0 .LBB2_2-.Ltmp0, $4  }
0x4c: {  	[tilespmem:s17], [sflag:$0x1] =	stream.indirect.gather [hbm4b:s4+s16], $0x80, s1, s16, $0xb8;
	[tilespmem:$0x17040] =	vst v63  }
0x4d: {  	_ =	swait.ge [sflag:s23], $0x2800  }
0x4e: {  	[sflag:s23] =	ssyncset.done $0x0  }
0x4f: {  	s0 =	sadd.s32 $0x7E80, s0;
	[sflag:s23] =	ssyncadd.s32 $0xFFFFD800  }
0x50: {  	[spmem:s2] =	stream.indirect.scatter.add.f32 [tilespmem:s19], [sflag:$0x4], $0x80, s0, s16, $0xb8;
	[tilespmem:$0x17040] =	vst v63  }
0x51: {  	_ =	swait.ge [sflag:s25], $0x2800  }
0x52: {  	[sflag:s25] =	ssyncset.done $0x0  }
0x53: {  	[sflag:s25] =	ssyncadd.s32 $0xFFFFD800  }
0x54: {  	[tilespmem:s19], [sflag:$0x2] =	stream.indirect.gather [hbm4b:s4+s16], $0x80, s26, s16, $0xb8;
	[tilespmem:$0x17040] =	vst v63  }
0x55: {  	_ =	swait.ge [sflag:s20], $0x2800  }
0x56: {  	[sflag:s20] =	ssyncset.done $0x0  }
0x57: {  	[sflag:s20] =	ssyncadd.s32 $0xFFFFD800  }
0x58: {  	[spmem:s2] =	stream.indirect.scatter.add.f32 [tilespmem:s17], [sflag:$0x3], $0x80, s28, s16, $0xb8;
	[tilespmem:$0x17040] =	vst v63  }
0x59: {  	_ =	swait.ge [sflag:s21], $0x2800  }
0x5a: {  	[sflag:s21] =	ssyncset.done $0x0  }
0x5b: {  	[sflag:s21] =	ssyncadd.s32 $0xFFFFD800  }
0x5c: {  	_ =	swait.ge [sflag:s23], $0x2800  }
0x5d: {  	[sflag:s23] =	ssyncset.done $0x0  }
0x5e: {  	[sflag:s23] =	ssyncadd.s32 $0xFFFFD800  }
0x5f: {  	[spmem:s2] =	stream.indirect.scatter.add.f32 [tilespmem:s19], [sflag:$0x4], $0x80, s29, s16, $0xb8;
	[tilespmem:$0x17040] =	vst v63  }
0x60: {  	_ =	swait.ge [sflag:s25], $0x2800  }
0x61: {  	[sflag:s25] =	ssyncset.done $0x0  }
0x62: {  	[sflag:s25] =	ssyncadd.s32 $0xFFFFD800  }
0x63: {  	[tilespmem:s3], [sflag:$0x5] =	stream.linear.gather [hbm4b:s9+s3], $0x3F00, $0x38;
	[tilespmem:$0x17040] =	vst v63  }
0x64: {  	_ =	swait.ge [sflag:s14], $0x3F00  }
0x65: {  	[sflag:s14] =	ssyncset.done $0x0  }
0x66: {  	[sflag:s14] =	ssyncadd.s32 $0xFFFFC100  }
0x67: {  	[tilespmem:s15], [sflag:$0x5] =	stream.linear.gather [hbm4b:s10+s3], $0x3F00, $0x38;
	[tilespmem:$0x17040] =	vst v63  }
0x68: {  	_ =	swait.ge [sflag:s14], $0x3F00  }
0x69: {  	[sflag:s14] =	ssyncset.done $0x0  }
0x6a: {  	[sflag:s14] =	ssyncadd.s32 $0xFFFFC100  }
0x6b: {  	[tilespmem:s17], [sflag:$0x1] =	stream.indirect.gather [hbm4b:s4+s16], $0x80, s3, s16, $0xb8;
	[tilespmem:$0x17040] =	vst v63  }
0x6c: {  	_ = 	snop  }
0x6d: {  	[tilespmem:s19], [sflag:$0x2] =	stream.indirect.gather [hbm4b:s4+s16], $0x80, s18, s16, $0xb8;
	[tilespmem:$0x17040] =	vst v63  }
0x6e: {  	_ =	swait.ge [sflag:s20], $0x2800  }
0x6f: {  	[sflag:s20] =	ssyncset.done $0x0  }
0x70: {  	[sflag:s20] =	ssyncadd.s32 $0xFFFFD800  }
0x71: {  	[spmem:s2] =	stream.indirect.scatter.add.f32 [tilespmem:s17], [sflag:$0x3], $0x80, s15, s16, $0xb8;
	[tilespmem:$0x17040] =	vst v63  }
0x72: {  	_ =	swait.ge [sflag:s21], $0x2800  }
0x73: {  	[sflag:s21] =	ssyncset.done $0x0  }
0x74: {  	[sflag:s21] =	ssyncadd.s32 $0xFFFFD800  }
0x75: {  	[tilespmem:s17], [sflag:$0x1] =	stream.indirect.gather [hbm4b:s4+s16], $0x80, s22, s16, $0xb8;
	[tilespmem:$0x17040] =	vst v63  }
0x76: {  	_ =	swait.ge [sflag:s23], $0x2800  }
0x77: {  	[sflag:s23] =	ssyncset.done $0x0  }
0x78: {  	[sflag:s23] =	ssyncadd.s32 $0xFFFFD800  }
0x79: {  	[spmem:s2] =	stream.indirect.scatter.add.f32 [tilespmem:s19], [sflag:$0x4], $0x80, s24, s16, $0xb8;
	[tilespmem:$0x17040] =	vst v63  }
0x7a: {  	_ =	swait.ge [sflag:s25], $0x2800  }
0x7b: {  	[sflag:s25] =	ssyncset.done $0x0  }
0x7c: {  	s1 =	simm.s32 $0x180;
	[sflag:s25] =	ssyncadd.s32 $0xFFFFD800  }
0x7d: {  	[tilespmem:s19], [sflag:$0x2] =	stream.indirect.gather [hbm4b:s4+s16], $0x80, s1, s16, $0xb8;
	[tilespmem:$0x17040] =	vst v63  }
0x7e: {  	_ =	swait.ge [sflag:s20], $0x2800  }
0x7f: {  	[sflag:s20] =	ssyncset.done $0x0  }
0x80: {  	s1 =	simm.s32 $0x4100;
	[sflag:s20] =	ssyncadd.s32 $0xFFFFD800  }
0x81: {  	[spmem:s2] =	stream.indirect.scatter.add.f32 [tilespmem:s17], [sflag:$0x3], $0x80, s1, s16, $0xb8;
	[tilespmem:$0x17040] =	vst v63  }
0x82: {  	_ =	swait.ge [sflag:s21], $0x2800  }
0x83: {  	[sflag:s21] =	ssyncset.done $0x0  }
0x84: {  	s1 =	simm.s32 $0x200;
	[sflag:s21] =	ssyncadd.s32 $0xFFFFD800  }
0x85: {  	[tilespmem:s17], [sflag:$0x1] =	stream.indirect.gather [hbm4b:s4+s16], $0x80, s1, s16, $0xb8;
	[tilespmem:$0x17040] =	vst v63  }
0x86: {  	_ =	swait.ge [sflag:s23], $0x2800  }
0x87: {  	[sflag:s23] =	ssyncset.done $0x0  }
0x88: {  	s31 =	simm.s32 $0xFFFF1000;
	s0 =	simm.s32 $0x4180;
	[sflag:s23] =	ssyncadd.s32 $0xFFFFD800  }
.LBB2_4:
0x89: {  	[spmem:s2] =	stream.indirect.scatter.add.f32 [tilespmem:s19], [sflag:$0x4], $0x80, s0, s16, $0xb8;
	[tilespmem:$0x17040] =	vst v63  }
0x8a: {  	s0 =	smov.u32 s31  }
0x8b: {  	p0 =	sne.s32 s31, $0xFFFFFC00;
	s31 =	sadd.s32 $0x400, s31;
	_ =	swait.ge [sflag:s25], $0x2800  }
0x8c: {  	s0 =	sshra.s32 s0, $0x2;
	[sflag:s25] =	ssyncset.done $0x0  }
0x8d: {  	s1 =	sadd.s32 $0x3E80, s0;
	[sflag:s25] =	ssyncadd.s32 $0xFFFFD800  }
0x8e: {  	[tilespmem:s19], [sflag:$0x2] =	stream.indirect.gather [hbm4b:s4+s16], $0x80, s1, s16, $0xb8;
	[tilespmem:$0x17040] =	vst v63  }
0x8f: {  	_ =	swait.ge [sflag:s20], $0x2800  }
0x90: {  	[sflag:s20] =	ssyncset.done $0x0  }
0x91: {  	s1 =	sadd.s32 $0x7E00, s0;
	[sflag:s20] =	ssyncadd.s32 $0xFFFFD800  }
0x92: {  	[spmem:s2] =	stream.indirect.scatter.add.f32 [tilespmem:s17], [sflag:$0x3], $0x80, s1, s16, $0xb8;
	[tilespmem:$0x17040] =	vst v63  }
0x93: {  	_ =	swait.ge [sflag:s21], $0x2800  }
0x94: {  	[sflag:s21] =	ssyncset.done $0x0  }
.Ltmp1:
0x95: {  	s1 =	sadd.s32 $0x3F00, s0;
	[sflag:s21] =	ssyncadd.s32 $0xFFFFD800;
	(pc) =	sbr.rel @p0 .LBB2_4-.Ltmp1, $4  }
0x96: {  	[tilespmem:s17], [sflag:$0x1] =	stream.indirect.gather [hbm4b:s4+s16], $0x80, s1, s16, $0xb8;
	[tilespmem:$0x17040] =	vst v63  }
0x97: {  	_ =	swait.ge [sflag:s23], $0x2800  }
0x98: {  	[sflag:s23] =	ssyncset.done $0x0  }
0x99: {  	s0 =	sadd.s32 $0x7E80, s0;
	[sflag:s23] =	ssyncadd.s32 $0xFFFFD800  }
0x9a: {  	[spmem:s2] =	stream.indirect.scatter.add.f32 [tilespmem:s19], [sflag:$0x4], $0x80, s0, s16, $0xb8;
	[tilespmem:$0x17040] =	vst v63  }
0x9b: {  	_ =	swait.ge [sflag:s25], $0x2800  }
0x9c: {  	[sflag:s25] =	ssyncset.done $0x0  }
0x9d: {  	[sflag:s25] =	ssyncadd.s32 $0xFFFFD800  }
0x9e: {  	[tilespmem:s19], [sflag:$0x2] =	stream.indirect.gather [hbm4b:s4+s16], $0x80, s26, s16, $0xb8;
	[tilespmem:$0x17040] =	vst v63  }
0x9f: {  	_ =	swait.ge [sflag:s20], $0x2800  }
0xa0: {  	[sflag:s20] =	ssyncset.done $0x0  }
0xa1: {  	[sflag:s20] =	ssyncadd.s32 $0xFFFFD800  }
0xa2: {  	[spmem:s2] =	stream.indirect.scatter.add.f32 [tilespmem:s17], [sflag:$0x3], $0x80, s28, s16, $0xb8;
	[tilespmem:$0x17040] =	vst v63  }
0xa3: {  	_ =	swait.ge [sflag:s21], $0x2800  }
0xa4: {  	[sflag:s21] =	ssyncset.done $0x0  }
0xa5: {  	[sflag:s21] =	ssyncadd.s32 $0xFFFFD800  }
0xa6: {  	_ =	swait.ge [sflag:s23], $0x2800  }
0xa7: {  	[sflag:s23] =	ssyncset.done $0x0  }
0xa8: {  	[sflag:s23] =	ssyncadd.s32 $0xFFFFD800  }
0xa9: {  	[spmem:s2] =	stream.indirect.scatter.add.f32 [tilespmem:s19], [sflag:$0x4], $0x80, s29, s16, $0xb8;
	[tilespmem:$0x17040] =	vst v63  }
0xaa: {  	_ =	swait.ge [sflag:s25], $0x2800  }
0xab: {  	s30 =	sadd.s32 $0x1, s30;
	[sflag:s25] =	ssyncset.done $0x0  }
0xac: {  	p0 =	sne.s32 s30, s12;
	[sflag:s25] =	ssyncadd.s32 $0xFFFFD800  }
.Ltmp2:
0xad: {  	[bflag:$0x0] =	sbarrier.arrive $0xFFFF;
	(pc) =	sbr.rel @p0 .LBB2_1-.Ltmp2, $4  }
0xae: {  	[hbm:s11], [sflag:s6] =	dma.local [spmem:s13], $0x1400  }
0xaf: {  	_ =	swait.ge [sflag:s14], $0x1400  }
0xb0: {  	[sflag:s14] =	ssyncset.done $0x0  }
0xb1: {  	[sflag:s14] =	ssyncadd.s32 $0xFFFFEC00  }
0xb2: {  	_ =	sfence.sel $0x180000  }
0xb3: {  	[bflag:$0x0] =	sbarrier.arrive $0xFFFF  }
0xb4: {  	_ =	strace $0x9000004A  }
0xb5: {  	s0 =	stileid.u32;
	[bflag:$0x2] =	sbarrier.arrive $0xFFFF  }
0xb6: {  	p0 =	sne.s32 s0, $0x0;
	s0 =	rddreg [dreg:$0x3]  }
0xb7: {  	s0 =	sadd.s32 @!p0 $0x100000, s0  }
0xb8: {  	[sflag:s0] =	ssyncadd.tile.s32 @!p0 $0x1;
	_ =	shalt  }
.Lfunc_end2:
_tile_overlayer_lowered:
.L_overlay_start_2:
0xb9: {  	(tag) =	ssettag $0x2  }
0xba: {  	s0 =	rddreg [dreg:$0x0];
	s2 =	stileid.u32  }
0xbb: {  	s1 =	rddreg [dreg:$0x1];
	p0 =	sne.s32 s2, $0x0  }
0xbc: {  	s3 =	rddreg [dreg:$0x2];
	[bflag:$0x3] =	sbarrier.arrive $0xFFFF;
	s2 =	simm.s32 @!p0 $0x1C05  }
0xbd: {  	[timem:s3], [sflag:s2] =	dma.local @!p0 [hbm:s0], s1  }
0xbe: {  	s0 =	simm.s32 @!p0 $0x5  }
0xbf: {  	_ =	swait.ge @!p0 [sflag:s0], s1  }
0xc0: {  	s1 =	ssub.s32 @!p0 $0x0, s1;
	[sflag:s0] =	ssyncset.done @!p0 $0x0  }
0xc1: {  	[sflag:s0] =	ssyncadd.s32 @!p0 s1  }
0xc2: {  	[bflag:$0x3] =	sbarrier.arrive $0xFFFF  }
0xc3: {  	_ =	shalt  }

</sc_bundles>
